<compile_context>
chip_gen: v7x
topology: tpu7x:2x2x1
jax: 0.10.2.dev20260603
libtpu: 0.0.44.dev20260713+nightly
codegen_flags: <defaults>
</compile_context>

<pallas_src>
import functools

import jax
import jax.numpy as jnp
from jax import lax
from jax.experimental import pallas as pl
from jax.experimental.pallas import tpu as pltpu
from jax.experimental.pallas import tpu_sc as plsc

F = 8
N = 2048
P = 2048
B = 256

ROW_TILE = 128

NC = 2
NS = 16
L = 16
NW = NC * NS
RPW = N // NW
CH = 8
NCH = RPW // CH


def _sigmoid(x):
    return 1.0 / (1.0 + jnp.exp(-x))


def _combine_body(zst_ref, fcw_ref, fcb_ref, t_ref, out_ref):
    s = jnp.sum(zst_ref[...] * fcw_ref[...], axis=1, keepdims=True)
    s = s + fcb_ref[...]
    s = s - jnp.max(s)
    e = jnp.exp(s)
    w = e / jnp.sum(e)
    t = t_ref[...]
    acc = w[0, 0] * _sigmoid(t[0])
    for f in range(1, F):
        acc = acc + w[f, 0] * _sigmoid(t[f])
    out_ref[...] = acc.reshape(ROW_TILE * (P // 128), 128)


def _combine(zst, fc_w, fcb, factors):
    grid = (P // ROW_TILE,)
    return pl.pallas_call(
        _combine_body,
        grid=grid,
        in_specs=[
            pl.BlockSpec((F, B), lambda i: (0, 0)),
            pl.BlockSpec((1, B), lambda i: (0, 0)),
            pl.BlockSpec((1, 1), lambda i: (0, 0)),
            pl.BlockSpec((F, ROW_TILE, P), lambda i: (0, i, 0)),
        ],
        out_specs=pl.BlockSpec((ROW_TILE * (P // 128), 128), lambda i: (i, 0)),
        out_shape=jax.ShapeDtypeStruct((P * (P // 128), 128), jnp.float32),
    )(zst, fc_w, fcb, factors)


def _gather_body(m_hbm, vs_hbm, out_hbm, vs_v, idx_v, rowidx_v, rows_v, out_v,
                 sem_g0, sem_g1, sem_g2, sem_o0, sem_o1):
    wid = lax.axis_index("s") * NC + lax.axis_index("c")
    base = wid * RPW
    sem_g = (sem_g0, sem_g1, sem_g2)
    sem_o = (sem_o0, sem_o1)

    pltpu.sync_copy(vs_hbm, vs_v)

    def idx_body(c, carry):
        v = vs_v[pl.ds(c * L, L)]
        iv = (v * float(P)).astype(jnp.int32)
        iv = jnp.minimum(jnp.maximum(iv, 0), P - 1)
        idx_v[pl.ds(c * L, L)] = iv
        return carry

    lax.fori_loop(0, N // L, idx_body, 0)

    iota_c = lax.iota(jnp.int32, L)

    def ridx_body(j, carry):
        bc = plsc.load_gather(idx_v, [jnp.full((L,), base + j, jnp.int32)])
        rowidx_v[pl.ds(j * L, L)] = bc * 16 + iota_c
        return carry

    lax.fori_loop(0, RPW, ridx_body, 0)

    NB = 3

    def start_gather(ch, b):
        return pltpu.async_copy(
            m_hbm.at[rowidx_v.at[pl.ds(ch * CH * 16, CH * 16)]],
            rows_v.at[b], sem_g[b])

    gat = [None] * NB
    out = [None, None]
    gat[0] = start_gather(0, 0)
    gat[1] = start_gather(1, 1)

    for ch in range(NCH):
        b = ch % NB
        ob = ch % 2
        row0 = base + ch * CH
        gat[b].wait()
        if ch + NB - 1 < NCH:
            gat[(ch + NB - 1) % NB] = start_gather(ch + NB - 1,
                                                   (ch + NB - 1) % NB)
        if out[ob] is not None:
            out[ob].wait()
        rows_b = rows_v.at[b]
        out_rows = [out_v.at[ob].at[r] for r in range(CH)]

        def col_body(jc, carry):
            joff = jc * L
            cidx = idx_v[pl.ds(joff, L)]
            hi = lax.shift_right_logical(cidx, 7)
            lo = lax.bitwise_and(cidx, 127)
            gs = [plsc.load_gather(rows_b, [hi + (r * 16), lo])
                  for r in range(CH)]
            for r in range(CH):
                out_rows[r][pl.ds(joff, L)] = gs[r]
            return carry

        lax.fori_loop(0, N // L, col_body, 0)
        out[ob] = pltpu.async_copy(
            out_v.at[ob], out_hbm.at[pl.ds(row0, CH)], sem_o[ob])

    for b in range(2):
        if out[b] is not None:
            out[b].wait()


@functools.cache
def _gather():
    return pl.kernel(
        _gather_body,
        out_type=jax.ShapeDtypeStruct((N, N), jnp.float32),
        mesh=plsc.VectorSubcoreMesh(core_axis_name="c", subcore_axis_name="s"),
        scratch_types=[
            pltpu.VMEM((N,), jnp.float32),
            pltpu.VMEM((N,), jnp.int32),
            pltpu.VMEM((RPW * 16,), jnp.int32),
            pltpu.VMEM((3, CH * 16, 128), jnp.float32),
            pltpu.VMEM((2, CH, N), jnp.float32),
            pltpu.SemaphoreType.DMA,
            pltpu.SemaphoreType.DMA,
            pltpu.SemaphoreType.DMA,
            pltpu.SemaphoreType.DMA,
            pltpu.SemaphoreType.DMA,
        ],
        compiler_params=pltpu.CompilerParams(
            use_tc_tiling_on_sc=False, needs_layout_passes=False
        ),
    )


def kernel(zs, vs, factors_graphon, fc_w, fc_b):
    zst = zs.T
    fcb = fc_b.reshape(1, 1)
    m = _combine(zst, fc_w, fcb, factors_graphon)
    return _gather()(m, vs)

# --- scband reference (transcript-rebuilt; emitter-appended) ---
"""Pipeline reference for scband-graphon-factorization-22110491639898 (READ-ONLY COPY).

The authoritative reference and input builder live on the scoring server;
editing this copy changes nothing except your own understanding.
"""

import jax, jax.numpy as jnp
import numpy as np

NUM_FACTORS = 8
BATCH_SIZE = 256
N_NODES = 2048
NUM_PARTITIONS = 2048


def setup_inputs(seed: int = 0) -> dict:
    key = jax.random.key(seed)
    k1, k2, k3, k4, k5 = jax.random.split(key, 5)
    zs = jax.random.normal(k1, (BATCH_SIZE, NUM_FACTORS), dtype=jnp.float32)
    vs = jax.random.uniform(k2, (N_NODES,), dtype=jnp.float32)
    # learned per-factor graphon tables (adj - 0.5 initialization surrogate)
    factors_graphon = jax.random.normal(k3, (NUM_FACTORS, NUM_PARTITIONS, NUM_PARTITIONS), dtype=jnp.float32)
    # fc: nn.Linear(batch_size, 1)
    fc_w = jax.random.normal(k4, (1, BATCH_SIZE), dtype=jnp.float32) * (1.0 / np.sqrt(BATCH_SIZE))
    fc_b = jax.random.normal(k5, (1,), dtype=jnp.float32) * 0.01
    return {"zs": zs, "vs": vs, "factors_graphon": factors_graphon, "fc_w": fc_w, "fc_b": fc_b}


def reference(zs, vs, factors_graphon, fc_w, fc_b):
    # tzs = zs.t(); pad to batch_size columns (zero-width pad when shapes already match)
    tzs = zs.T  # [F, B]
    pad_cols = BATCH_SIZE - tzs.shape[1]
    tzs_pad = jnp.concatenate([tzs, jnp.zeros((tzs.shape[0], pad_cols), dtype=tzs.dtype)], axis=1)
    # fc: Linear(batch_size, 1): x @ W.T + b, then transpose -> [1, F]
    zs_hat_one = (tzs_pad @ fc_w.T + fc_b).T
    zs_hat = jax.nn.softmax(zs_hat_one, axis=1)  # [1, F]
    # sampling(): per-factor row+column gather from graphon tables
    idx = jnp.floor(NUM_PARTITIONS * vs).astype(jnp.int32)
    idx = jnp.clip(idx, 0, NUM_PARTITIONS - 1)  # [N]
    gathered = jnp.take(factors_graphon, idx, axis=1)  # [F, N, P]
    gathered = jnp.take(gathered, idx, axis=2)  # [F, N, N]
    graphons = jax.nn.sigmoid(gathered)[None, ...]  # [1, F, N, N]
    graphon = (zs_hat.reshape(-1, NUM_FACTORS, 1, 1) * graphons).sum(axis=1)  # [1, N, N]
    graphon_est = jnp.squeeze(graphon)  # [N, N]
    return graphon_est

if __name__ == "__main__":
    import jax
    _d = setup_inputs()
    print(jax.jit(kernel)(*tuple(_d.values())))

</pallas_src>

<mosaic_0001>
#map = affine_map<(d0, d1) -> (0, 0)>
#map1 = affine_map<(d0, d1) -> (0)>
module attributes {stable_mosaic.version = 14 : i64} {
  func.func @_gather_body(%arg0: i32, %arg1: i32, %arg2: memref<32768x128xf32, #tpu.memory_space<hbm>>, %arg3: memref<2048xf32, #tpu.memory_space<hbm>>, %arg4: memref<2048x2048xf32, #tpu.memory_space<hbm>>, %arg5: memref<2048xf32, #tpu.memory_space<vmem>>, %arg6: memref<2048xi32, #tpu.memory_space<vmem>>, %arg7: memref<1024xi32, #tpu.memory_space<vmem>>, %arg8: memref<3x128x128xf32, #tpu.memory_space<vmem>>, %arg9: memref<2x8x2048xf32, #tpu.memory_space<vmem>>, %arg10: memref<!tpu.dma_semaphore, #tpu.memory_space<semaphore_mem>>, %arg11: memref<!tpu.dma_semaphore, #tpu.memory_space<semaphore_mem>>, %arg12: memref<!tpu.dma_semaphore, #tpu.memory_space<semaphore_mem>>, %arg13: memref<!tpu.dma_semaphore, #tpu.memory_space<semaphore_mem>>, %arg14: memref<!tpu.dma_semaphore, #tpu.memory_space<semaphore_mem>>) attributes {dimension_semantics = [#tpu.dimension_semantics<core_parallel>, #tpu.dimension_semantics<subcore_parallel>], iteration_bounds = array<i64: 2, 16>, scalar_prefetch = 0 : i64, scratch_operands = 10 : i64, tpu.core_type = #tpu.core_type<sc_vector_subcore>, window_params = [{transform_indices = #map}, {transform_indices = #map1}, {transform_indices = #map}]} {
    %mul3A = arith.constant 2 : i32
    %mul3A_0 = arith.muli %arg1, %mul3A : i32
    %add3A = arith.addi %mul3A_0, %arg0 : i32
    %mul3A_1 = arith.constant 64 : i32
    %mul3A_2 = arith.muli %add3A, %mul3A_1 : i32
    "tpu.region"() ({
      %run_scoped3A = tpu.sem_alloc : memref<!tpu.dma_semaphore, #tpu.memory_space<semaphore_mem>>
      tpu.enqueue_dma source(%arg3 : memref<2048xf32, #tpu.memory_space<hbm>>) target(%arg5 : memref<2048xf32, #tpu.memory_space<vmem>>) target_semaphore(%run_scoped3A : memref<!tpu.dma_semaphore, #tpu.memory_space<semaphore_mem>>)
      tpu.wait_dma2 semaphore(%run_scoped3A : memref<!tpu.dma_semaphore, #tpu.memory_space<semaphore_mem>>) src(%arg3 : memref<2048xf32, #tpu.memory_space<hbm>>) dst(%arg5 : memref<2048xf32, #tpu.memory_space<vmem>>)
      tpu.yield
    }) : () -> ()
    %scan3A = arith.constant 0 : i32
    %scan3A_3 = arith.constant 0 : i32
    %scan3A_4 = arith.constant 128 : i32
    %scan3A_5 = arith.addi %scan3A_3, %scan3A_4 : i32
    %scan3A_6 = arith.constant 1 : i32
    scf.for %scan3A_580 = %scan3A_3 to %scan3A_5 step %scan3A_6  : i32 {
      %mul3A_581 = arith.constant 16 : i32
      %mul3A_582 = arith.muli %scan3A_580, %mul3A_581 : i32
      %get3A = arith.index_cast %mul3A_582 : i32 to index
      %get3A_583 = tpu.vector_load %arg5[%get3A] {strides = array<i32>} : memref<2048xf32, #tpu.memory_space<vmem>>, vector<16xf32>,
      %mul3A_584 = arith.constant 2.048000e+03 : f32
      %mul3A_585 = vector.broadcast %mul3A_584 : f32 to vector<16xf32>
      %mul3A_586 = arith.mulf %get3A_583, %mul3A_585 : vector<16xf32>
      %convert_element_type3A = arith.fptosi %mul3A_586 : vector<16xf32> to vector<16xi32>
      %max3A = arith.constant 0 : i32
      %max3A_587 = vector.broadcast %max3A : i32 to vector<16xi32>
      %max3A_588 = arith.maxsi %convert_element_type3A, %max3A_587 : vector<16xi32>
      %min3A = arith.constant 2047 : i32
      %min3A_589 = vector.broadcast %min3A : i32 to vector<16xi32>
      %min3A_590 = arith.minsi %max3A_588, %min3A_589 : vector<16xi32>
      %mul3A_591 = arith.constant 16 : i32
      %mul3A_592 = arith.muli %scan3A_580, %mul3A_591 : i32
      %swap3A = arith.index_cast %mul3A_592 : i32 to index
      %swap3A_593 = tpu.vector_load %arg6[%swap3A] {strides = array<i32>} : memref<2048xi32, #tpu.memory_space<vmem>>, vector<16xi32>,
      tpu.vector_store %arg6[%swap3A], %min3A_590 {strides = array<i32>} : memref<2048xi32, #tpu.memory_space<vmem>>, vector<16xi32>,
    }
    %scan3A_7 = arith.constant 128 : i32
    %iota3A = tpu.iota {dimensions = array<i32: 0>} : vector<16xi32>
    %scan3A_8 = arith.constant 0 : i32
    %scan3A_9 = arith.constant 0 : i32
    %scan3A_10 = arith.constant 64 : i32
    %scan3A_11 = arith.addi %scan3A_9, %scan3A_10 : i32
    %scan3A_12 = arith.constant 1 : i32
    scf.for %scan3A_580 = %scan3A_9 to %scan3A_11 step %scan3A_12  : i32 {
      %add3A_581 = arith.addi %mul3A_2, %scan3A_580 : i32
      %broadcast_in_dim3A = vector.broadcast %add3A_581 : i32 to vector<16xi32>
      %gather3A = tpu.vector_load_idx %arg6[%broadcast_in_dim3A] : memref<2048xi32, #tpu.memory_space<vmem>>[vector<16xi32>], vector<16xi32>,
      %mul3A_582 = arith.constant 16 : i32
      %mul3A_583 = vector.broadcast %mul3A_582 : i32 to vector<16xi32>
      %mul3A_584 = arith.muli %gather3A, %mul3A_583 : vector<16xi32>
      %add3A_585 = arith.addi %mul3A_584, %iota3A : vector<16xi32>
      %mul3A_586 = arith.constant 16 : i32
      %mul3A_587 = arith.muli %scan3A_580, %mul3A_586 : i32
      %swap3A = arith.index_cast %mul3A_587 : i32 to index
      %swap3A_588 = tpu.vector_load %arg7[%swap3A] {strides = array<i32>} : memref<1024xi32, #tpu.memory_space<vmem>>, vector<16xi32>,
      tpu.vector_store %arg7[%swap3A], %add3A_585 {strides = array<i32>} : memref<1024xi32, #tpu.memory_space<vmem>>, vector<16xi32>,
    }
    %scan3A_13 = arith.constant 64 : i32
    %dma_start3A = arith.constant 0 : i32
    %dma_start3A_14 = arith.constant 0 : i32
    %dma_start3A_15 = arith.constant 0 : i32
    %dma_start3A_16 = tpu.memref_slice %arg8[%dma_start3A, %dma_start3A_14, %dma_start3A_15] : memref<3x128x128xf32, #tpu.memory_space<vmem>> -> memref<1x128x128xf32, #tpu.memory_space<vmem>>
    %dma_start3A_17 = tpu.memref_squeeze %dma_start3A_16 : memref<1x128x128xf32, #tpu.memory_space<vmem>> -> memref<128x128xf32, #tpu.memory_space<vmem>>
    %dma_start3A_18 = arith.constant 0 : i32
    %dma_start3A_19 = tpu.memref_slice %arg7[%dma_start3A_18] : memref<1024xi32, #tpu.memory_space<vmem>> -> memref<128xi32, #tpu.memory_space<vmem>>
    %dma_start3A_20 = arith.constant 0 : i32
    %dma_start3A_21 = arith.constant 0 : i32
    %dma_start3A_22 = tpu.memref_slice %arg2[%dma_start3A_20, %dma_start3A_21] : memref<32768x128xf32, #tpu.memory_space<hbm>> -> memref<32768x128xf32, #tpu.memory_space<hbm>>
    tpu.enqueue_indirect_dma source(%dma_start3A_22 : memref<32768x128xf32, #tpu.memory_space<hbm>>) target(%dma_start3A_17 : memref<128x128xf32, #tpu.memory_space<vmem>>) offsets(%dma_start3A_19 : memref<128xi32, #tpu.memory_space<vmem>>) semaphore(%arg10 : memref<!tpu.dma_semaphore, #tpu.memory_space<semaphore_mem>>)
    %dma_start3A_23 = arith.constant 1 : i32
    %dma_start3A_24 = arith.constant 0 : i32
    %dma_start3A_25 = arith.constant 0 : i32
    %dma_start3A_26 = tpu.memref_slice %arg8[%dma_start3A_23, %dma_start3A_24, %dma_start3A_25] : memref<3x128x128xf32, #tpu.memory_space<vmem>> -> memref<1x128x128xf32, #tpu.memory_space<vmem>>
    %dma_start3A_27 = tpu.memref_squeeze %dma_start3A_26 : memref<1x128x128xf32, #tpu.memory_space<vmem>> -> memref<128x128xf32, #tpu.memory_space<vmem>>
    %dma_start3A_28 = arith.constant 128 : i32
    %dma_start3A_29 = tpu.memref_slice %arg7[%dma_start3A_28] : memref<1024xi32, #tpu.memory_space<vmem>> -> memref<128xi32, #tpu.memory_space<vmem>>
    %dma_start3A_30 = arith.constant 0 : i32
    %dma_start3A_31 = arith.constant 0 : i32
    %dma_start3A_32 = tpu.memref_slice %arg2[%dma_start3A_30, %dma_start3A_31] : memref<32768x128xf32, #tpu.memory_space<hbm>> -> memref<32768x128xf32, #tpu.memory_space<hbm>>
    tpu.enqueue_indirect_dma source(%dma_start3A_32 : memref<32768x128xf32, #tpu.memory_space<hbm>>) target(%dma_start3A_27 : memref<128x128xf32, #tpu.memory_space<vmem>>) offsets(%dma_start3A_29 : memref<128xi32, #tpu.memory_space<vmem>>) semaphore(%arg11 : memref<!tpu.dma_semaphore, #tpu.memory_space<semaphore_mem>>)
    %add3A_33 = arith.constant 0 : i32
    %add3A_34 = arith.addi %mul3A_2, %add3A_33 : i32
    %dma_wait3A = arith.constant 0 : i32
    %dma_wait3A_35 = arith.constant 0 : i32
    %dma_wait3A_36 = arith.constant 0 : i32
    %dma_wait3A_37 = tpu.memref_slice %arg8[%dma_wait3A, %dma_wait3A_35, %dma_wait3A_36] : memref<3x128x128xf32, #tpu.memory_space<vmem>> -> memref<1x128x128xf32, #tpu.memory_space<vmem>>
    %dma_wait3A_38 = tpu.memref_squeeze %dma_wait3A_37 : memref<1x128x128xf32, #tpu.memory_space<vmem>> -> memref<128x128xf32, #tpu.memory_space<vmem>>
    %dma_wait3A_39 = arith.constant 0 : i32
    %dma_wait3A_40 = tpu.memref_slice %arg7[%dma_wait3A_39] : memref<1024xi32, #tpu.memory_space<vmem>> -> memref<128xi32, #tpu.memory_space<vmem>>
    %dma_wait3A_41 = arith.constant 0 : i32
    %dma_wait3A_42 = arith.constant 0 : i32
    %dma_wait3A_43 = tpu.memref_slice %arg2[%dma_wait3A_41, %dma_wait3A_42] : memref<32768x128xf32, #tpu.memory_space<hbm>> -> memref<32768x128xf32, #tpu.memory_space<hbm>>
    tpu.wait_indirect_dma semaphore(%arg10 : memref<!tpu.dma_semaphore, #tpu.memory_space<semaphore_mem>>) src(%dma_wait3A_43 : memref<32768x128xf32, #tpu.memory_space<hbm>>) dst(%dma_wait3A_38 : memref<128x128xf32, #tpu.memory_space<vmem>>)
    %dma_start3A_44 = arith.constant 2 : i32
    %dma_start3A_45 = arith.constant 0 : i32
    %dma_start3A_46 = arith.constant 0 : i32
    %dma_start3A_47 = tpu.memref_slice %arg8[%dma_start3A_44, %dma_start3A_45, %dma_start3A_46] : memref<3x128x128xf32, #tpu.memory_space<vmem>> -> memref<1x128x128xf32, #tpu.memory_space<vmem>>
    %dma_start3A_48 = tpu.memref_squeeze %dma_start3A_47 : memref<1x128x128xf32, #tpu.memory_space<vmem>> -> memref<128x128xf32, #tpu.memory_space<vmem>>
    %dma_start3A_49 = arith.constant 256 : i32
    %dma_start3A_50 = tpu.memref_slice %arg7[%dma_start3A_49] : memref<1024xi32, #tpu.memory_space<vmem>> -> memref<128xi32, #tpu.memory_space<vmem>>
    %dma_start3A_51 = arith.constant 0 : i32
    %dma_start3A_52 = arith.constant 0 : i32
    %dma_start3A_53 = tpu.memref_slice %arg2[%dma_start3A_51, %dma_start3A_52] : memref<32768x128xf32, #tpu.memory_space<hbm>> -> memref<32768x128xf32, #tpu.memory_space<hbm>>
    tpu.enqueue_indirect_dma source(%dma_start3A_53 : memref<32768x128xf32, #tpu.memory_space<hbm>>) target(%dma_start3A_48 : memref<128x128xf32, #tpu.memory_space<vmem>>) offsets(%dma_start3A_50 : memref<128xi32, #tpu.memory_space<vmem>>) semaphore(%arg12 : memref<!tpu.dma_semaphore, #tpu.memory_space<semaphore_mem>>)
    %scan3A_54 = arith.constant 0 : i32
    %scan3A_55 = arith.constant 0 : i32
    %scan3A_56 = arith.constant 0 : i32
    %scan3A_57 = arith.constant 0 : i32
    %scan3A_58 = arith.constant 0 : i32
    %scan3A_59 = arith.constant 1 : i32
    %scan3A_60 = arith.constant 0 : i32
    %scan3A_61 = arith.constant 2 : i32
    %scan3A_62 = arith.constant 0 : i32
    %scan3A_63 = arith.constant 3 : i32
    %scan3A_64 = arith.constant 0 : i32
    %scan3A_65 = arith.constant 4 : i32
    %scan3A_66 = arith.constant 0 : i32
    %scan3A_67 = arith.constant 5 : i32
    %scan3A_68 = arith.constant 0 : i32
    %scan3A_69 = arith.constant 6 : i32
    %scan3A_70 = arith.constant 0 : i32
    %scan3A_71 = arith.constant 7 : i32
    %scan3A_72 = arith.constant 0 : i32
    %scan3A_73 = arith.constant 128 : i32
    %scan3A_74 = arith.addi %scan3A_72, %scan3A_73 : i32
    %scan3A_75 = arith.constant 1 : i32
    scf.for %scan3A_580 = %scan3A_72 to %scan3A_74 step %scan3A_75  : i32 {
      %mul3A_581 = arith.constant 16 : i32
      %mul3A_582 = arith.muli %scan3A_580, %mul3A_581 : i32
      %get3A = arith.index_cast %mul3A_582 : i32 to index
      %get3A_583 = tpu.vector_load %arg6[%get3A] {strides = array<i32>} : memref<2048xi32, #tpu.memory_space<vmem>>, vector<16xi32>,
      %shift_right_logical3A = arith.constant 7 : i32
      %shift_right_logical3A_584 = vector.broadcast %shift_right_logical3A : i32 to vector<16xi32>
      %shift_right_logical3A_585 = arith.shrui %get3A_583, %shift_right_logical3A_584 : vector<16xi32>
      %and3A = arith.constant 127 : i32
      %and3A_586 = vector.broadcast %and3A : i32 to vector<16xi32>
      %and3A_587 = arith.andi %get3A_583, %and3A_586 : vector<16xi32>
      %add3A_588 = arith.constant 0 : i32
      %add3A_589 = vector.broadcast %add3A_588 : i32 to vector<16xi32>
      %add3A_590 = arith.addi %shift_right_logical3A_585, %add3A_589 : vector<16xi32>
      %gather3A = arith.constant 0 : i32
      %gather3A_591 = arith.constant 0 : i32
      %gather3A_592 = tpu.memref_slice %arg8[%scan3A_55, %gather3A, %gather3A_591] : memref<3x128x128xf32, #tpu.memory_space<vmem>> -> memref<1x128x128xf32, #tpu.memory_space<vmem>>
      %gather3A_593 = tpu.memref_squeeze %gather3A_592 : memref<1x128x128xf32, #tpu.memory_space<vmem>> -> memref<128x128xf32, #tpu.memory_space<vmem>>
      %gather3A_594 = tpu.vector_load_idx %gather3A_593[%add3A_590, %and3A_587] : memref<128x128xf32, #tpu.memory_space<vmem>>[vector<16xi32>, vector<16xi32>], vector<16xf32>,
      %add3A_595 = arith.constant 16 : i32
      %add3A_596 = vector.broadcast %add3A_595 : i32 to vector<16xi32>
      %add3A_597 = arith.addi %shift_right_logical3A_585, %add3A_596 : vector<16xi32>
      %gather3A_598 = arith.constant 0 : i32
      %gather3A_599 = arith.constant 0 : i32
      %gather3A_600 = tpu.memref_slice %arg8[%scan3A_55, %gather3A_598, %gather3A_599] : memref<3x128x128xf32, #tpu.memory_space<vmem>> -> memref<1x128x128xf32, #tpu.memory_space<vmem>>
      %gather3A_601 = tpu.memref_squeeze %gather3A_600 : memref<1x128x128xf32, #tpu.memory_space<vmem>> -> memref<128x128xf32, #tpu.memory_space<vmem>>
      %gather3A_602 = tpu.vector_load_idx %gather3A_601[%add3A_597, %and3A_587] : memref<128x128xf32, #tpu.memory_space<vmem>>[vector<16xi32>, vector<16xi32>], vector<16xf32>,
      %add3A_603 = arith.constant 32 : i32
      %add3A_604 = vector.broadcast %add3A_603 : i32 to vector<16xi32>
      %add3A_605 = arith.addi %shift_right_logical3A_585, %add3A_604 : vector<16xi32>
      %gather3A_606 = arith.constant 0 : i32
      %gather3A_607 = arith.constant 0 : i32
      %gather3A_608 = tpu.memref_slice %arg8[%scan3A_55, %gather3A_606, %gather3A_607] : memref<3x128x128xf32, #tpu.memory_space<vmem>> -> memref<1x128x128xf32, #tpu.memory_space<vmem>>
      %gather3A_609 = tpu.memref_squeeze %gather3A_608 : memref<1x128x128xf32, #tpu.memory_space<vmem>> -> memref<128x128xf32, #tpu.memory_space<vmem>>
      %gather3A_610 = tpu.vector_load_idx %gather3A_609[%add3A_605, %and3A_587] : memref<128x128xf32, #tpu.memory_space<vmem>>[vector<16xi32>, vector<16xi32>], vector<16xf32>,
      %add3A_611 = arith.constant 48 : i32
      %add3A_612 = vector.broadcast %add3A_611 : i32 to vector<16xi32>
      %add3A_613 = arith.addi %shift_right_logical3A_585, %add3A_612 : vector<16xi32>
      %gather3A_614 = arith.constant 0 : i32
      %gather3A_615 = arith.constant 0 : i32
      %gather3A_616 = tpu.memref_slice %arg8[%scan3A_55, %gather3A_614, %gather3A_615] : memref<3x128x128xf32, #tpu.memory_space<vmem>> -> memref<1x128x128xf32, #tpu.memory_space<vmem>>
      %gather3A_617 = tpu.memref_squeeze %gather3A_616 : memref<1x128x128xf32, #tpu.memory_space<vmem>> -> memref<128x128xf32, #tpu.memory_space<vmem>>
      %gather3A_618 = tpu.vector_load_idx %gather3A_617[%add3A_613, %and3A_587] : memref<128x128xf32, #tpu.memory_space<vmem>>[vector<16xi32>, vector<16xi32>], vector<16xf32>,
      %add3A_619 = arith.constant 64 : i32
      %add3A_620 = vector.broadcast %add3A_619 : i32 to vector<16xi32>
      %add3A_621 = arith.addi %shift_right_logical3A_585, %add3A_620 : vector<16xi32>
      %gather3A_622 = arith.constant 0 : i32
      %gather3A_623 = arith.constant 0 : i32
      %gather3A_624 = tpu.memref_slice %arg8[%scan3A_55, %gather3A_622, %gather3A_623] : memref<3x128x128xf32, #tpu.memory_space<vmem>> -> memref<1x128x128xf32, #tpu.memory_space<vmem>>
      %gather3A_625 = tpu.memref_squeeze %gather3A_624 : memref<1x128x128xf32, #tpu.memory_space<vmem>> -> memref<128x128xf32, #tpu.memory_space<vmem>>
      %gather3A_626 = tpu.vector_load_idx %gather3A_625[%add3A_621, %and3A_587] : memref<128x128xf32, #tpu.memory_space<vmem>>[vector<16xi32>, vector<16xi32>], vector<16xf32>,
      %add3A_627 = arith.constant 80 : i32
      %add3A_628 = vector.broadcast %add3A_627 : i32 to vector<16xi32>
      %add3A_629 = arith.addi %shift_right_logical3A_585, %add3A_628 : vector<16xi32>
      %gather3A_630 = arith.constant 0 : i32
      %gather3A_631 = arith.constant 0 : i32
      %gather3A_632 = tpu.memref_slice %arg8[%scan3A_55, %gather3A_630, %gather3A_631] : memref<3x128x128xf32, #tpu.memory_space<vmem>> -> memref<1x128x128xf32, #tpu.memory_space<vmem>>
      %gather3A_633 = tpu.memref_squeeze %gather3A_632 : memref<1x128x128xf32, #tpu.memory_space<vmem>> -> memref<128x128xf32, #tpu.memory_space<vmem>>
      %gather3A_634 = tpu.vector_load_idx %gather3A_633[%add3A_629, %and3A_587] : memref<128x128xf32, #tpu.memory_space<vmem>>[vector<16xi32>, vector<16xi32>], vector<16xf32>,
      %add3A_635 = arith.constant 96 : i32
      %add3A_636 = vector.broadcast %add3A_635 : i32 to vector<16xi32>
      %add3A_637 = arith.addi %shift_right_logical3A_585, %add3A_636 : vector<16xi32>
      %gather3A_638 = arith.constant 0 : i32
      %gather3A_639 = arith.constant 0 : i32
      %gather3A_640 = tpu.memref_slice %arg8[%scan3A_55, %gather3A_638, %gather3A_639] : memref<3x128x128xf32, #tpu.memory_space<vmem>> -> memref<1x128x128xf32, #tpu.memory_space<vmem>>
      %gather3A_641 = tpu.memref_squeeze %gather3A_640 : memref<1x128x128xf32, #tpu.memory_space<vmem>> -> memref<128x128xf32, #tpu.memory_space<vmem>>
      %gather3A_642 = tpu.vector_load_idx %gather3A_641[%add3A_637, %and3A_587] : memref<128x128xf32, #tpu.memory_space<vmem>>[vector<16xi32>, vector<16xi32>], vector<16xf32>,
      %add3A_643 = arith.constant 112 : i32
      %add3A_644 = vector.broadcast %add3A_643 : i32 to vector<16xi32>
      %add3A_645 = arith.addi %shift_right_logical3A_585, %add3A_644 : vector<16xi32>
      %gather3A_646 = arith.constant 0 : i32
      %gather3A_647 = arith.constant 0 : i32
      %gather3A_648 = tpu.memref_slice %arg8[%scan3A_55, %gather3A_646, %gather3A_647] : memref<3x128x128xf32, #tpu.memory_space<vmem>> -> memref<1x128x128xf32, #tpu.memory_space<vmem>>
      %gather3A_649 = tpu.memref_squeeze %gather3A_648 : memref<1x128x128xf32, #tpu.memory_space<vmem>> -> memref<128x128xf32, #tpu.memory_space<vmem>>
      %gather3A_650 = tpu.vector_load_idx %gather3A_649[%add3A_645, %and3A_587] : memref<128x128xf32, #tpu.memory_space<vmem>>[vector<16xi32>, vector<16xi32>], vector<16xf32>,
      %swap3A = arith.constant 0 : i32
      %swap3A_651 = arith.constant 0 : i32
      %swap3A_652 = tpu.memref_slice %arg9[%scan3A_56, %swap3A, %swap3A_651] : memref<2x8x2048xf32, #tpu.memory_space<vmem>> -> memref<1x8x2048xf32, #tpu.memory_space<vmem>>
      %swap3A_653 = tpu.memref_squeeze %swap3A_652 : memref<1x8x2048xf32, #tpu.memory_space<vmem>> -> memref<8x2048xf32, #tpu.memory_space<vmem>>
      %swap3A_654 = arith.constant 0 : i32
      %swap3A_655 = tpu.memref_slice %swap3A_653[%scan3A_57, %swap3A_654] : memref<8x2048xf32, #tpu.memory_space<vmem>> -> memref<1x2048xf32, #tpu.memory_space<vmem>>
      %swap3A_656 = tpu.memref_squeeze %swap3A_655 : memref<1x2048xf32, #tpu.memory_space<vmem>> -> memref<2048xf32, #tpu.memory_space<vmem>>
      %swap3A_657 = arith.index_cast %mul3A_582 : i32 to index
      %swap3A_658 = tpu.vector_load %swap3A_656[%swap3A_657] {strides = array<i32>} : memref<2048xf32, #tpu.memory_space<vmem>>, vector<16xf32>,
      tpu.vector_store %swap3A_656[%swap3A_657], %gather3A_594 {strides = array<i32>} : memref<2048xf32, #tpu.memory_space<vmem>>, vector<16xf32>,
      %swap3A_659 = arith.constant 0 : i32
      %swap3A_660 = arith.constant 0 : i32
      %swap3A_661 = tpu.memref_slice %arg9[%scan3A_58, %swap3A_659, %swap3A_660] : memref<2x8x2048xf32, #tpu.memory_space<vmem>> -> memref<1x8x2048xf32, #tpu.memory_space<vmem>>
      %swap3A_662 = tpu.memref_squeeze %swap3A_661 : memref<1x8x2048xf32, #tpu.memory_space<vmem>> -> memref<8x2048xf32, #tpu.memory_space<vmem>>
      %swap3A_663 = arith.constant 0 : i32
      %swap3A_664 = tpu.memref_slice %swap3A_662[%scan3A_59, %swap3A_663] : memref<8x2048xf32, #tpu.memory_space<vmem>> -> memref<1x2048xf32, #tpu.memory_space<vmem>>
      %swap3A_665 = tpu.memref_squeeze %swap3A_664 : memref<1x2048xf32, #tpu.memory_space<vmem>> -> memref<2048xf32, #tpu.memory_space<vmem>>
      %swap3A_666 = arith.index_cast %mul3A_582 : i32 to index
      %swap3A_667 = tpu.vector_load %swap3A_665[%swap3A_666] {strides = array<i32>} : memref<2048xf32, #tpu.memory_space<vmem>>, vector<16xf32>,
      tpu.vector_store %swap3A_665[%swap3A_666], %gather3A_602 {strides = array<i32>} : memref<2048xf32, #tpu.memory_space<vmem>>, vector<16xf32>,
      %swap3A_668 = arith.constant 0 : i32
      %swap3A_669 = arith.constant 0 : i32
      %swap3A_670 = tpu.memref_slice %arg9[%scan3A_60, %swap3A_668, %swap3A_669] : memref<2x8x2048xf32, #tpu.memory_space<vmem>> -> memref<1x8x2048xf32, #tpu.memory_space<vmem>>
      %swap3A_671 = tpu.memref_squeeze %swap3A_670 : memref<1x8x2048xf32, #tpu.memory_space<vmem>> -> memref<8x2048xf32, #tpu.memory_space<vmem>>
      %swap3A_672 = arith.constant 0 : i32
      %swap3A_673 = tpu.memref_slice %swap3A_671[%scan3A_61, %swap3A_672] : memref<8x2048xf32, #tpu.memory_space<vmem>> -> memref<1x2048xf32, #tpu.memory_space<vmem>>
      %swap3A_674 = tpu.memref_squeeze %swap3A_673 : memref<1x2048xf32, #tpu.memory_space<vmem>> -> memref<2048xf32, #tpu.memory_space<vmem>>
      %swap3A_675 = arith.index_cast %mul3A_582 : i32 to index
      %swap3A_676 = tpu.vector_load %swap3A_674[%swap3A_675] {strides = array<i32>} : memref<2048xf32, #tpu.memory_space<vmem>>, vector<16xf32>,
      tpu.vector_store %swap3A_674[%swap3A_675], %gather3A_610 {strides = array<i32>} : memref<2048xf32, #tpu.memory_space<vmem>>, vector<16xf32>,
      %swap3A_677 = arith.constant 0 : i32
      %swap3A_678 = arith.constant 0 : i32
      %swap3A_679 = tpu.memref_slice %arg9[%scan3A_62, %swap3A_677, %swap3A_678] : memref<2x8x2048xf32, #tpu.memory_space<vmem>> -> memref<1x8x2048xf32, #tpu.memory_space<vmem>>
      %swap3A_680 = tpu.memref_squeeze %swap3A_679 : memref<1x8x2048xf32, #tpu.memory_space<vmem>> -> memref<8x2048xf32, #tpu.memory_space<vmem>>
      %swap3A_681 = arith.constant 0 : i32
      %swap3A_682 = tpu.memref_slice %swap3A_680[%scan3A_63, %swap3A_681] : memref<8x2048xf32, #tpu.memory_space<vmem>> -> memref<1x2048xf32, #tpu.memory_space<vmem>>
      %swap3A_683 = tpu.memref_squeeze %swap3A_682 : memref<1x2048xf32, #tpu.memory_space<vmem>> -> memref<2048xf32, #tpu.memory_space<vmem>>
      %swap3A_684 = arith.index_cast %mul3A_582 : i32 to index
      %swap3A_685 = tpu.vector_load %swap3A_683[%swap3A_684] {strides = array<i32>} : memref<2048xf32, #tpu.memory_space<vmem>>, vector<16xf32>,
      tpu.vector_store %swap3A_683[%swap3A_684], %gather3A_618 {strides = array<i32>} : memref<2048xf32, #tpu.memory_space<vmem>>, vector<16xf32>,
      %swap3A_686 = arith.constant 0 : i32
      %swap3A_687 = arith.constant 0 : i32
      %swap3A_688 = tpu.memref_slice %arg9[%scan3A_64, %swap3A_686, %swap3A_687] : memref<2x8x2048xf32, #tpu.memory_space<vmem>> -> memref<1x8x2048xf32, #tpu.memory_space<vmem>>
      %swap3A_689 = tpu.memref_squeeze %swap3A_688 : memref<1x8x2048xf32, #tpu.memory_space<vmem>> -> memref<8x2048xf32, #tpu.memory_space<vmem>>
      %swap3A_690 = arith.constant 0 : i32
      %swap3A_691 = tpu.memref_slice %swap3A_689[%scan3A_65, %swap3A_690] : memref<8x2048xf32, #tpu.memory_space<vmem>> -> memref<1x2048xf32, #tpu.memory_space<vmem>>
      %swap3A_692 = tpu.memref_squeeze %swap3A_691 : memref<1x2048xf32, #tpu.memory_space<vmem>> -> memref<2048xf32, #tpu.memory_space<vmem>>
      %swap3A_693 = arith.index_cast %mul3A_582 : i32 to index
      %swap3A_694 = tpu.vector_load %swap3A_692[%swap3A_693] {strides = array<i32>} : memref<2048xf32, #tpu.memory_space<vmem>>, vector<16xf32>,
      tpu.vector_store %swap3A_692[%swap3A_693], %gather3A_626 {strides = array<i32>} : memref<2048xf32, #tpu.memory_space<vmem>>, vector<16xf32>,
      %swap3A_695 = arith.constant 0 : i32
      %swap3A_696 = arith.constant 0 : i32
      %swap3A_697 = tpu.memref_slice %arg9[%scan3A_66, %swap3A_695, %swap3A_696] : memref<2x8x2048xf32, #tpu.memory_space<vmem>> -> memref<1x8x2048xf32, #tpu.memory_space<vmem>>
      %swap3A_698 = tpu.memref_squeeze %swap3A_697 : memref<1x8x2048xf32, #tpu.memory_space<vmem>> -> memref<8x2048xf32, #tpu.memory_space<vmem>>
      %swap3A_699 = arith.constant 0 : i32
      %swap3A_700 = tpu.memref_slice %swap3A_698[%scan3A_67, %swap3A_699] : memref<8x2048xf32, #tpu.memory_space<vmem>> -> memref<1x2048xf32, #tpu.memory_space<vmem>>
      %swap3A_701 = tpu.memref_squeeze %swap3A_700 : memref<1x2048xf32, #tpu.memory_space<vmem>> -> memref<2048xf32, #tpu.memory_space<vmem>>
      %swap3A_702 = arith.index_cast %mul3A_582 : i32 to index
      %swap3A_703 = tpu.vector_load %swap3A_701[%swap3A_702] {strides = array<i32>} : memref<2048xf32, #tpu.memory_space<vmem>>, vector<16xf32>,
      tpu.vector_store %swap3A_701[%swap3A_702], %gather3A_634 {strides = array<i32>} : memref<2048xf32, #tpu.memory_space<vmem>>, vector<16xf32>,
      %swap3A_704 = arith.constant 0 : i32
      %swap3A_705 = arith.constant 0 : i32
      %swap3A_706 = tpu.memref_slice %arg9[%scan3A_68, %swap3A_704, %swap3A_705] : memref<2x8x2048xf32, #tpu.memory_space<vmem>> -> memref<1x8x2048xf32, #tpu.memory_space<vmem>>
      %swap3A_707 = tpu.memref_squeeze %swap3A_706 : memref<1x8x2048xf32, #tpu.memory_space<vmem>> -> memref<8x2048xf32, #tpu.memory_space<vmem>>
      %swap3A_708 = arith.constant 0 : i32
      %swap3A_709 = tpu.memref_slice %swap3A_707[%scan3A_69, %swap3A_708] : memref<8x2048xf32, #tpu.memory_space<vmem>> -> memref<1x2048xf32, #tpu.memory_space<vmem>>
      %swap3A_710 = tpu.memref_squeeze %swap3A_709 : memref<1x2048xf32, #tpu.memory_space<vmem>> -> memref<2048xf32, #tpu.memory_space<vmem>>
      %swap3A_711 = arith.index_cast %mul3A_582 : i32 to index
      %swap3A_712 = tpu.vector_load %swap3A_710[%swap3A_711] {strides = array<i32>} : memref<2048xf32, #tpu.memory_space<vmem>>, vector<16xf32>,
      tpu.vector_store %swap3A_710[%swap3A_711], %gather3A_642 {strides = array<i32>} : memref<2048xf32, #tpu.memory_space<vmem>>, vector<16xf32>,
      %swap3A_713 = arith.constant 0 : i32
      %swap3A_714 = arith.constant 0 : i32
      %swap3A_715 = tpu.memref_slice %arg9[%scan3A_70, %swap3A_713, %swap3A_714] : memref<2x8x2048xf32, #tpu.memory_space<vmem>> -> memref<1x8x2048xf32, #tpu.memory_space<vmem>>
      %swap3A_716 = tpu.memref_squeeze %swap3A_715 : memref<1x8x2048xf32, #tpu.memory_space<vmem>> -> memref<8x2048xf32, #tpu.memory_space<vmem>>
      %swap3A_717 = arith.constant 0 : i32
      %swap3A_718 = tpu.memref_slice %swap3A_716[%scan3A_71, %swap3A_717] : memref<8x2048xf32, #tpu.memory_space<vmem>> -> memref<1x2048xf32, #tpu.memory_space<vmem>>
      %swap3A_719 = tpu.memref_squeeze %swap3A_718 : memref<1x2048xf32, #tpu.memory_space<vmem>> -> memref<2048xf32, #tpu.memory_space<vmem>>
      %swap3A_720 = arith.index_cast %mul3A_582 : i32 to index
      %swap3A_721 = tpu.vector_load %swap3A_719[%swap3A_720] {strides = array<i32>} : memref<2048xf32, #tpu.memory_space<vmem>>, vector<16xf32>,
      tpu.vector_store %swap3A_719[%swap3A_720], %gather3A_650 {strides = array<i32>} : memref<2048xf32, #tpu.memory_space<vmem>>, vector<16xf32>,
    }
    %scan3A_76 = arith.constant 128 : i32
    %dma_start3A_77 = arith.constant 0 : i32
    %dma_start3A_78 = arith.constant 0 : i32
    %dma_start3A_79 = arith.constant 0 : i32
    %dma_start3A_80 = tpu.memref_slice %arg9[%dma_start3A_77, %dma_start3A_78, %dma_start3A_79] : memref<2x8x2048xf32, #tpu.memory_space<vmem>> -> memref<1x8x2048xf32, #tpu.memory_space<vmem>>
    %dma_start3A_81 = tpu.memref_squeeze %dma_start3A_80 : memref<1x8x2048xf32, #tpu.memory_space<vmem>> -> memref<8x2048xf32, #tpu.memory_space<vmem>>
    %dma_start3A_82 = arith.constant 0 : i32
    %dma_start3A_83 = tpu.memref_slice %arg4[%add3A_34, %dma_start3A_82] : memref<2048x2048xf32, #tpu.memory_space<hbm>> -> memref<8x2048xf32, #tpu.memory_space<hbm>>
    %dma_start3A_84 = arith.constant 0 : i32
    %dma_start3A_85 = tpu.memref_slice %arg4[%add3A_34, %dma_start3A_84] : memref<2048x2048xf32, #tpu.memory_space<hbm>> -> memref<8x2048xf32, #tpu.memory_space<hbm>>
    %dma_start3A_86 = arith.constant 0 : i32
    %dma_start3A_87 = arith.constant 0 : i32
    %dma_start3A_88 = tpu.memref_slice %arg9[%dma_start3A_77, %dma_start3A_86, %dma_start3A_87] : memref<2x8x2048xf32, #tpu.memory_space<vmem>> -> memref<1x8x2048xf32, #tpu.memory_space<vmem>>
    %dma_start3A_89 = tpu.memref_squeeze %dma_start3A_88 : memref<1x8x2048xf32, #tpu.memory_space<vmem>> -> memref<8x2048xf32, #tpu.memory_space<vmem>>
    tpu.enqueue_dma source(%dma_start3A_89 : memref<8x2048xf32, #tpu.memory_space<vmem>>) target(%dma_start3A_85 : memref<8x2048xf32, #tpu.memory_space<hbm>>) target_semaphore(%arg13 : memref<!tpu.dma_semaphore, #tpu.memory_space<semaphore_mem>>)
    %add3A_90 = arith.constant 8 : i32
    %add3A_91 = arith.addi %mul3A_2, %add3A_90 : i32
    %dma_wait3A_92 = arith.constant 1 : i32
    %dma_wait3A_93 = arith.constant 0 : i32
    %dma_wait3A_94 = arith.constant 0 : i32
    %dma_wait3A_95 = tpu.memref_slice %arg8[%dma_wait3A_92, %dma_wait3A_93, %dma_wait3A_94] : memref<3x128x128xf32, #tpu.memory_space<vmem>> -> memref<1x128x128xf32, #tpu.memory_space<vmem>>
    %dma_wait3A_96 = tpu.memref_squeeze %dma_wait3A_95 : memref<1x128x128xf32, #tpu.memory_space<vmem>> -> memref<128x128xf32, #tpu.memory_space<vmem>>
    %dma_wait3A_97 = arith.constant 128 : i32
    %dma_wait3A_98 = tpu.memref_slice %arg7[%dma_wait3A_97] : memref<1024xi32, #tpu.memory_space<vmem>> -> memref<128xi32, #tpu.memory_space<vmem>>
    %dma_wait3A_99 = arith.constant 0 : i32
    %dma_wait3A_100 = arith.constant 0 : i32
    %dma_wait3A_101 = tpu.memref_slice %arg2[%dma_wait3A_99, %dma_wait3A_100] : memref<32768x128xf32, #tpu.memory_space<hbm>> -> memref<32768x128xf32, #tpu.memory_space<hbm>>
    tpu.wait_indirect_dma semaphore(%arg11 : memref<!tpu.dma_semaphore, #tpu.memory_space<semaphore_mem>>) src(%dma_wait3A_101 : memref<32768x128xf32, #tpu.memory_space<hbm>>) dst(%dma_wait3A_96 : memref<128x128xf32, #tpu.memory_space<vmem>>)
    %dma_start3A_102 = arith.constant 0 : i32
    %dma_start3A_103 = arith.constant 0 : i32
    %dma_start3A_104 = arith.constant 0 : i32
    %dma_start3A_105 = tpu.memref_slice %arg8[%dma_start3A_102, %dma_start3A_103, %dma_start3A_104] : memref<3x128x128xf32, #tpu.memory_space<vmem>> -> memref<1x128x128xf32, #tpu.memory_space<vmem>>
    %dma_start3A_106 = tpu.memref_squeeze %dma_start3A_105 : memref<1x128x128xf32, #tpu.memory_space<vmem>> -> memref<128x128xf32, #tpu.memory_space<vmem>>
    %dma_start3A_107 = arith.constant 384 : i32
    %dma_start3A_108 = tpu.memref_slice %arg7[%dma_start3A_107] : memref<1024xi32, #tpu.memory_space<vmem>> -> memref<128xi32, #tpu.memory_space<vmem>>
    %dma_start3A_109 = arith.constant 0 : i32
    %dma_start3A_110 = arith.constant 0 : i32
    %dma_start3A_111 = tpu.memref_slice %arg2[%dma_start3A_109, %dma_start3A_110] : memref<32768x128xf32, #tpu.memory_space<hbm>> -> memref<32768x128xf32, #tpu.memory_space<hbm>>
    tpu.enqueue_indirect_dma source(%dma_start3A_111 : memref<32768x128xf32, #tpu.memory_space<hbm>>) target(%dma_start3A_106 : memref<128x128xf32, #tpu.memory_space<vmem>>) offsets(%dma_start3A_108 : memref<128xi32, #tpu.memory_space<vmem>>) semaphore(%arg10 : memref<!tpu.dma_semaphore, #tpu.memory_space<semaphore_mem>>)
    %scan3A_112 = arith.constant 0 : i32
    %scan3A_113 = arith.constant 1 : i32
    %scan3A_114 = arith.constant 1 : i32
    %scan3A_115 = arith.constant 0 : i32
    %scan3A_116 = arith.constant 1 : i32
    %scan3A_117 = arith.constant 1 : i32
    %scan3A_118 = arith.constant 1 : i32
    %scan3A_119 = arith.constant 2 : i32
    %scan3A_120 = arith.constant 1 : i32
    %scan3A_121 = arith.constant 3 : i32
    %scan3A_122 = arith.constant 1 : i32
    %scan3A_123 = arith.constant 4 : i32
    %scan3A_124 = arith.constant 1 : i32
    %scan3A_125 = arith.constant 5 : i32
    %scan3A_126 = arith.constant 1 : i32
    %scan3A_127 = arith.constant 6 : i32
    %scan3A_128 = arith.constant 1 : i32
    %scan3A_129 = arith.constant 7 : i32
    %scan3A_130 = arith.constant 0 : i32
    %scan3A_131 = arith.constant 128 : i32
    %scan3A_132 = arith.addi %scan3A_130, %scan3A_131 : i32
    %scan3A_133 = arith.constant 1 : i32
    scf.for %scan3A_580 = %scan3A_130 to %scan3A_132 step %scan3A_133  : i32 {
      %mul3A_581 = arith.constant 16 : i32
      %mul3A_582 = arith.muli %scan3A_580, %mul3A_581 : i32
      %get3A = arith.index_cast %mul3A_582 : i32 to index
      %get3A_583 = tpu.vector_load %arg6[%get3A] {strides = array<i32>} : memref<2048xi32, #tpu.memory_space<vmem>>, vector<16xi32>,
      %shift_right_logical3A = arith.constant 7 : i32
      %shift_right_logical3A_584 = vector.broadcast %shift_right_logical3A : i32 to vector<16xi32>
      %shift_right_logical3A_585 = arith.shrui %get3A_583, %shift_right_logical3A_584 : vector<16xi32>
      %and3A = arith.constant 127 : i32
      %and3A_586 = vector.broadcast %and3A : i32 to vector<16xi32>
      %and3A_587 = arith.andi %get3A_583, %and3A_586 : vector<16xi32>
      %add3A_588 = arith.constant 0 : i32
      %add3A_589 = vector.broadcast %add3A_588 : i32 to vector<16xi32>
      %add3A_590 = arith.addi %shift_right_logical3A_585, %add3A_589 : vector<16xi32>
      %gather3A = arith.constant 0 : i32
      %gather3A_591 = arith.constant 0 : i32
      %gather3A_592 = tpu.memref_slice %arg8[%scan3A_113, %gather3A, %gather3A_591] : memref<3x128x128xf32, #tpu.memory_space<vmem>> -> memref<1x128x128xf32, #tpu.memory_space<vmem>>
      %gather3A_593 = tpu.memref_squeeze %gather3A_592 : memref<1x128x128xf32, #tpu.memory_space<vmem>> -> memref<128x128xf32, #tpu.memory_space<vmem>>
      %gather3A_594 = tpu.vector_load_idx %gather3A_593[%add3A_590, %and3A_587] : memref<128x128xf32, #tpu.memory_space<vmem>>[vector<16xi32>, vector<16xi32>], vector<16xf32>,
      %add3A_595 = arith.constant 16 : i32
      %add3A_596 = vector.broadcast %add3A_595 : i32 to vector<16xi32>
      %add3A_597 = arith.addi %shift_right_logical3A_585, %add3A_596 : vector<16xi32>
      %gather3A_598 = arith.constant 0 : i32
      %gather3A_599 = arith.constant 0 : i32
      %gather3A_600 = tpu.memref_slice %arg8[%scan3A_113, %gather3A_598, %gather3A_599] : memref<3x128x128xf32, #tpu.memory_space<vmem>> -> memref<1x128x128xf32, #tpu.memory_space<vmem>>
      %gather3A_601 = tpu.memref_squeeze %gather3A_600 : memref<1x128x128xf32, #tpu.memory_space<vmem>> -> memref<128x128xf32, #tpu.memory_space<vmem>>
      %gather3A_602 = tpu.vector_load_idx %gather3A_601[%add3A_597, %and3A_587] : memref<128x128xf32, #tpu.memory_space<vmem>>[vector<16xi32>, vector<16xi32>], vector<16xf32>,
      %add3A_603 = arith.constant 32 : i32
      %add3A_604 = vector.broadcast %add3A_603 : i32 to vector<16xi32>
      %add3A_605 = arith.addi %shift_right_logical3A_585, %add3A_604 : vector<16xi32>
      %gather3A_606 = arith.constant 0 : i32
      %gather3A_607 = arith.constant 0 : i32
      %gather3A_608 = tpu.memref_slice %arg8[%scan3A_113, %gather3A_606, %gather3A_607] : memref<3x128x128xf32, #tpu.memory_space<vmem>> -> memref<1x128x128xf32, #tpu.memory_space<vmem>>
      %gather3A_609 = tpu.memref_squeeze %gather3A_608 : memref<1x128x128xf32, #tpu.memory_space<vmem>> -> memref<128x128xf32, #tpu.memory_space<vmem>>
      %gather3A_610 = tpu.vector_load_idx %gather3A_609[%add3A_605, %and3A_587] : memref<128x128xf32, #tpu.memory_space<vmem>>[vector<16xi32>, vector<16xi32>], vector<16xf32>,
      %add3A_611 = arith.constant 48 : i32
      %add3A_612 = vector.broadcast %add3A_611 : i32 to vector<16xi32>
      %add3A_613 = arith.addi %shift_right_logical3A_585, %add3A_612 : vector<16xi32>
      %gather3A_614 = arith.constant 0 : i32
      %gather3A_615 = arith.constant 0 : i32
      %gather3A_616 = tpu.memref_slice %arg8[%scan3A_113, %gather3A_614, %gather3A_615] : memref<3x128x128xf32, #tpu.memory_space<vmem>> -> memref<1x128x128xf32, #tpu.memory_space<vmem>>
      %gather3A_617 = tpu.memref_squeeze %gather3A_616 : memref<1x128x128xf32, #tpu.memory_space<vmem>> -> memref<128x128xf32, #tpu.memory_space<vmem>>
      %gather3A_618 = tpu.vector_load_idx %gather3A_617[%add3A_613, %and3A_587] : memref<128x128xf32, #tpu.memory_space<vmem>>[vector<16xi32>, vector<16xi32>], vector<16xf32>,
      %add3A_619 = arith.constant 64 : i32
      %add3A_620 = vector.broadcast %add3A_619 : i32 to vector<16xi32>
      %add3A_621 = arith.addi %shift_right_logical3A_585, %add3A_620 : vector<16xi32>
      %gather3A_622 = arith.constant 0 : i32
      %gather3A_623 = arith.constant 0 : i32
      %gather3A_624 = tpu.memref_slice %arg8[%scan3A_113, %gather3A_622, %gather3A_623] : memref<3x128x128xf32, #tpu.memory_space<vmem>> -> memref<1x128x128xf32, #tpu.memory_space<vmem>>
      %gather3A_625 = tpu.memref_squeeze %gather3A_624 : memref<1x128x128xf32, #tpu.memory_space<vmem>> -> memref<128x128xf32, #tpu.memory_space<vmem>>
      %gather3A_626 = tpu.vector_load_idx %gather3A_625[%add3A_621, %and3A_587] : memref<128x128xf32, #tpu.memory_space<vmem>>[vector<16xi32>, vector<16xi32>], vector<16xf32>,
      %add3A_627 = arith.constant 80 : i32
      %add3A_628 = vector.broadcast %add3A_627 : i32 to vector<16xi32>
      %add3A_629 = arith.addi %shift_right_logical3A_585, %add3A_628 : vector<16xi32>
      %gather3A_630 = arith.constant 0 : i32
      %gather3A_631 = arith.constant 0 : i32
      %gather3A_632 = tpu.memref_slice %arg8[%scan3A_113, %gather3A_630, %gather3A_631] : memref<3x128x128xf32, #tpu.memory_space<vmem>> -> memref<1x128x128xf32, #tpu.memory_space<vmem>>
      %gather3A_633 = tpu.memref_squeeze %gather3A_632 : memref<1x128x128xf32, #tpu.memory_space<vmem>> -> memref<128x128xf32, #tpu.memory_space<vmem>>
      %gather3A_634 = tpu.vector_load_idx %gather3A_633[%add3A_629, %and3A_587] : memref<128x128xf32, #tpu.memory_space<vmem>>[vector<16xi32>, vector<16xi32>], vector<16xf32>,
      %add3A_635 = arith.constant 96 : i32
      %add3A_636 = vector.broadcast %add3A_635 : i32 to vector<16xi32>
      %add3A_637 = arith.addi %shift_right_logical3A_585, %add3A_636 : vector<16xi32>
      %gather3A_638 = arith.constant 0 : i32
      %gather3A_639 = arith.constant 0 : i32
      %gather3A_640 = tpu.memref_slice %arg8[%scan3A_113, %gather3A_638, %gather3A_639] : memref<3x128x128xf32, #tpu.memory_space<vmem>> -> memref<1x128x128xf32, #tpu.memory_space<vmem>>
      %gather3A_641 = tpu.memref_squeeze %gather3A_640 : memref<1x128x128xf32, #tpu.memory_space<vmem>> -> memref<128x128xf32, #tpu.memory_space<vmem>>
      %gather3A_642 = tpu.vector_load_idx %gather3A_641[%add3A_637, %and3A_587] : memref<128x128xf32, #tpu.memory_space<vmem>>[vector<16xi32>, vector<16xi32>], vector<16xf32>,
      %add3A_643 = arith.constant 112 : i32
      %add3A_644 = vector.broadcast %add3A_643 : i32 to vector<16xi32>
      %add3A_645 = arith.addi %shift_right_logical3A_585, %add3A_644 : vector<16xi32>
      %gather3A_646 = arith.constant 0 : i32
      %gather3A_647 = arith.constant 0 : i32
      %gather3A_648 = tpu.memref_slice %arg8[%scan3A_113, %gather3A_646, %gather3A_647] : memref<3x128x128xf32, #tpu.memory_space<vmem>> -> memref<1x128x128xf32, #tpu.memory_space<vmem>>
      %gather3A_649 = tpu.memref_squeeze %gather3A_648 : memref<1x128x128xf32, #tpu.memory_space<vmem>> -> memref<128x128xf32, #tpu.memory_space<vmem>>
      %gather3A_650 = tpu.vector_load_idx %gather3A_649[%add3A_645, %and3A_587] : memref<128x128xf32, #tpu.memory_space<vmem>>[vector<16xi32>, vector<16xi32>], vector<16xf32>,
      %swap3A = arith.constant 0 : i32
      %swap3A_651 = arith.constant 0 : i32
      %swap3A_652 = tpu.memref_slice %arg9[%scan3A_114, %swap3A, %swap3A_651] : memref<2x8x2048xf32, #tpu.memory_space<vmem>> -> memref<1x8x2048xf32, #tpu.memory_space<vmem>>
      %swap3A_653 = tpu.memref_squeeze %swap3A_652 : memref<1x8x2048xf32, #tpu.memory_space<vmem>> -> memref<8x2048xf32, #tpu.memory_space<vmem>>
      %swap3A_654 = arith.constant 0 : i32
      %swap3A_655 = tpu.memref_slice %swap3A_653[%scan3A_115, %swap3A_654] : memref<8x2048xf32, #tpu.memory_space<vmem>> -> memref<1x2048xf32, #tpu.memory_space<vmem>>
      %swap3A_656 = tpu.memref_squeeze %swap3A_655 : memref<1x2048xf32, #tpu.memory_space<vmem>> -> memref<2048xf32, #tpu.memory_space<vmem>>
      %swap3A_657 = arith.index_cast %mul3A_582 : i32 to index
      %swap3A_658 = tpu.vector_load %swap3A_656[%swap3A_657] {strides = array<i32>} : memref<2048xf32, #tpu.memory_space<vmem>>, vector<16xf32>,
      tpu.vector_store %swap3A_656[%swap3A_657], %gather3A_594 {strides = array<i32>} : memref<2048xf32, #tpu.memory_space<vmem>>, vector<16xf32>,
      %swap3A_659 = arith.constant 0 : i32
      %swap3A_660 = arith.constant 0 : i32
      %swap3A_661 = tpu.memref_slice %arg9[%scan3A_116, %swap3A_659, %swap3A_660] : memref<2x8x2048xf32, #tpu.memory_space<vmem>> -> memref<1x8x2048xf32, #tpu.memory_space<vmem>>
      %swap3A_662 = tpu.memref_squeeze %swap3A_661 : memref<1x8x2048xf32, #tpu.memory_space<vmem>> -> memref<8x2048xf32, #tpu.memory_space<vmem>>
      %swap3A_663 = arith.constant 0 : i32
      %swap3A_664 = tpu.memref_slice %swap3A_662[%scan3A_117, %swap3A_663] : memref<8x2048xf32, #tpu.memory_space<vmem>> -> memref<1x2048xf32, #tpu.memory_space<vmem>>
      %swap3A_665 = tpu.memref_squeeze %swap3A_664 : memref<1x2048xf32, #tpu.memory_space<vmem>> -> memref<2048xf32, #tpu.memory_space<vmem>>
      %swap3A_666 = arith.index_cast %mul3A_582 : i32 to index
      %swap3A_667 = tpu.vector_load %swap3A_665[%swap3A_666] {strides = array<i32>} : memref<2048xf32, #tpu.memory_space<vmem>>, vector<16xf32>,
      tpu.vector_store %swap3A_665[%swap3A_666], %gather3A_602 {strides = array<i32>} : memref<2048xf32, #tpu.memory_space<vmem>>, vector<16xf32>,
      %swap3A_668 = arith.constant 0 : i32
      %swap3A_669 = arith.constant 0 : i32
      %swap3A_670 = tpu.memref_slice %arg9[%scan3A_118, %swap3A_668, %swap3A_669] : memref<2x8x2048xf32, #tpu.memory_space<vmem>> -> memref<1x8x2048xf32, #tpu.memory_space<vmem>>
      %swap3A_671 = tpu.memref_squeeze %swap3A_670 : memref<1x8x2048xf32, #tpu.memory_space<vmem>> -> memref<8x2048xf32, #tpu.memory_space<vmem>>
      %swap3A_672 = arith.constant 0 : i32
      %swap3A_673 = tpu.memref_slice %swap3A_671[%scan3A_119, %swap3A_672] : memref<8x2048xf32, #tpu.memory_space<vmem>> -> memref<1x2048xf32, #tpu.memory_space<vmem>>
      %swap3A_674 = tpu.memref_squeeze %swap3A_673 : memref<1x2048xf32, #tpu.memory_space<vmem>> -> memref<2048xf32, #tpu.memory_space<vmem>>
      %swap3A_675 = arith.index_cast %mul3A_582 : i32 to index
      %swap3A_676 = tpu.vector_load %swap3A_674[%swap3A_675] {strides = array<i32>} : memref<2048xf32, #tpu.memory_space<vmem>>, vector<16xf32>,
      tpu.vector_store %swap3A_674[%swap3A_675], %gather3A_610 {strides = array<i32>} : memref<2048xf32, #tpu.memory_space<vmem>>, vector<16xf32>,
      %swap3A_677 = arith.constant 0 : i32
      %swap3A_678 = arith.constant 0 : i32
      %swap3A_679 = tpu.memref_slice %arg9[%scan3A_120, %swap3A_677, %swap3A_678] : memref<2x8x2048xf32, #tpu.memory_space<vmem>> -> memref<1x8x2048xf32, #tpu.memory_space<vmem>>
      %swap3A_680 = tpu.memref_squeeze %swap3A_679 : memref<1x8x2048xf32, #tpu.memory_space<vmem>> -> memref<8x2048xf32, #tpu.memory_space<vmem>>
      %swap3A_681 = arith.constant 0 : i32
      %swap3A_682 = tpu.memref_slice %swap3A_680[%scan3A_121, %swap3A_681] : memref<8x2048xf32, #tpu.memory_space<vmem>> -> memref<1x2048xf32, #tpu.memory_space<vmem>>
      %swap3A_683 = tpu.memref_squeeze %swap3A_682 : memref<1x2048xf32, #tpu.memory_space<vmem>> -> memref<2048xf32, #tpu.memory_space<vmem>>
      %swap3A_684 = arith.index_cast %mul3A_582 : i32 to index
      %swap3A_685 = tpu.vector_load %swap3A_683[%swap3A_684] {strides = array<i32>} : memref<2048xf32, #tpu.memory_space<vmem>>, vector<16xf32>,
      tpu.vector_store %swap3A_683[%swap3A_684], %gather3A_618 {strides = array<i32>} : memref<2048xf32, #tpu.memory_space<vmem>>, vector<16xf32>,
      %swap3A_686 = arith.constant 0 : i32
      %swap3A_687 = arith.constant 0 : i32
      %swap3A_688 = tpu.memref_slice %arg9[%scan3A_122, %swap3A_686, %swap3A_687] : memref<2x8x2048xf32, #tpu.memory_space<vmem>> -> memref<1x8x2048xf32, #tpu.memory_space<vmem>>
      %swap3A_689 = tpu.memref_squeeze %swap3A_688 : memref<1x8x2048xf32, #tpu.memory_space<vmem>> -> memref<8x2048xf32, #tpu.memory_space<vmem>>
      %swap3A_690 = arith.constant 0 : i32
      %swap3A_691 = tpu.memref_slice %swap3A_689[%scan3A_123, %swap3A_690] : memref<8x2048xf32, #tpu.memory_space<vmem>> -> memref<1x2048xf32, #tpu.memory_space<vmem>>
      %swap3A_692 = tpu.memref_squeeze %swap3A_691 : memref<1x2048xf32, #tpu.memory_space<vmem>> -> memref<2048xf32, #tpu.memory_space<vmem>>
      %swap3A_693 = arith.index_cast %mul3A_582 : i32 to index
      %swap3A_694 = tpu.vector_load %swap3A_692[%swap3A_693] {strides = array<i32>} : memref<2048xf32, #tpu.memory_space<vmem>>, vector<16xf32>,
      tpu.vector_store %swap3A_692[%swap3A_693], %gather3A_626 {strides = array<i32>} : memref<2048xf32, #tpu.memory_space<vmem>>, vector<16xf32>,
      %swap3A_695 = arith.constant 0 : i32
      %swap3A_696 = arith.constant 0 : i32
      %swap3A_697 = tpu.memref_slice %arg9[%scan3A_124, %swap3A_695, %swap3A_696] : memref<2x8x2048xf32, #tpu.memory_space<vmem>> -> memref<1x8x2048xf32, #tpu.memory_space<vmem>>
      %swap3A_698 = tpu.memref_squeeze %swap3A_697 : memref<1x8x2048xf32, #tpu.memory_space<vmem>> -> memref<8x2048xf32, #tpu.memory_space<vmem>>
      %swap3A_699 = arith.constant 0 : i32
      %swap3A_700 = tpu.memref_slice %swap3A_698[%scan3A_125, %swap3A_699] : memref<8x2048xf32, #tpu.memory_space<vmem>> -> memref<1x2048xf32, #tpu.memory_space<vmem>>
      %swap3A_701 = tpu.memref_squeeze %swap3A_700 : memref<1x2048xf32, #tpu.memory_space<vmem>> -> memref<2048xf32, #tpu.memory_space<vmem>>
      %swap3A_702 = arith.index_cast %mul3A_582 : i32 to index
      %swap3A_703 = tpu.vector_load %swap3A_701[%swap3A_702] {strides = array<i32>} : memref<2048xf32, #tpu.memory_space<vmem>>, vector<16xf32>,
      tpu.vector_store %swap3A_701[%swap3A_702], %gather3A_634 {strides = array<i32>} : memref<2048xf32, #tpu.memory_space<vmem>>, vector<16xf32>,
      %swap3A_704 = arith.constant 0 : i32
      %swap3A_705 = arith.constant 0 : i32
      %swap3A_706 = tpu.memref_slice %arg9[%scan3A_126, %swap3A_704, %swap3A_705] : memref<2x8x2048xf32, #tpu.memory_space<vmem>> -> memref<1x8x2048xf32, #tpu.memory_space<vmem>>
      %swap3A_707 = tpu.memref_squeeze %swap3A_706 : memref<1x8x2048xf32, #tpu.memory_space<vmem>> -> memref<8x2048xf32, #tpu.memory_space<vmem>>
      %swap3A_708 = arith.constant 0 : i32
      %swap3A_709 = tpu.memref_slice %swap3A_707[%scan3A_127, %swap3A_708] : memref<8x2048xf32, #tpu.memory_space<vmem>> -> memref<1x2048xf32, #tpu.memory_space<vmem>>
      %swap3A_710 = tpu.memref_squeeze %swap3A_709 : memref<1x2048xf32, #tpu.memory_space<vmem>> -> memref<2048xf32, #tpu.memory_space<vmem>>
      %swap3A_711 = arith.index_cast %mul3A_582 : i32 to index
      %swap3A_712 = tpu.vector_load %swap3A_710[%swap3A_711] {strides = array<i32>} : memref<2048xf32, #tpu.memory_space<vmem>>, vector<16xf32>,
      tpu.vector_store %swap3A_710[%swap3A_711], %gather3A_642 {strides = array<i32>} : memref<2048xf32, #tpu.memory_space<vmem>>, vector<16xf32>,
      %swap3A_713 = arith.constant 0 : i32
      %swap3A_714 = arith.constant 0 : i32
      %swap3A_715 = tpu.memref_slice %arg9[%scan3A_128, %swap3A_713, %swap3A_714] : memref<2x8x2048xf32, #tpu.memory_space<vmem>> -> memref<1x8x2048xf32, #tpu.memory_space<vmem>>
      %swap3A_716 = tpu.memref_squeeze %swap3A_715 : memref<1x8x2048xf32, #tpu.memory_space<vmem>> -> memref<8x2048xf32, #tpu.memory_space<vmem>>
      %swap3A_717 = arith.constant 0 : i32
      %swap3A_718 = tpu.memref_slice %swap3A_716[%scan3A_129, %swap3A_717] : memref<8x2048xf32, #tpu.memory_space<vmem>> -> memref<1x2048xf32, #tpu.memory_space<vmem>>
      %swap3A_719 = tpu.memref_squeeze %swap3A_718 : memref<1x2048xf32, #tpu.memory_space<vmem>> -> memref<2048xf32, #tpu.memory_space<vmem>>
      %swap3A_720 = arith.index_cast %mul3A_582 : i32 to index
      %swap3A_721 = tpu.vector_load %swap3A_719[%swap3A_720] {strides = array<i32>} : memref<2048xf32, #tpu.memory_space<vmem>>, vector<16xf32>,
      tpu.vector_store %swap3A_719[%swap3A_720], %gather3A_650 {strides = array<i32>} : memref<2048xf32, #tpu.memory_space<vmem>>, vector<16xf32>,
    }
    %scan3A_134 = arith.constant 128 : i32
    %dma_start3A_135 = arith.constant 1 : i32
    %dma_start3A_136 = arith.constant 0 : i32
    %dma_start3A_137 = arith.constant 0 : i32
    %dma_start3A_138 = tpu.memref_slice %arg9[%dma_start3A_135, %dma_start3A_136, %dma_start3A_137] : memref<2x8x2048xf32, #tpu.memory_space<vmem>> -> memref<1x8x2048xf32, #tpu.memory_space<vmem>>
    %dma_start3A_139 = tpu.memref_squeeze %dma_start3A_138 : memref<1x8x2048xf32, #tpu.memory_space<vmem>> -> memref<8x2048xf32, #tpu.memory_space<vmem>>
    %dma_start3A_140 = arith.constant 0 : i32
    %dma_start3A_141 = tpu.memref_slice %arg4[%add3A_91, %dma_start3A_140] : memref<2048x2048xf32, #tpu.memory_space<hbm>> -> memref<8x2048xf32, #tpu.memory_space<hbm>>
    %dma_start3A_142 = arith.constant 0 : i32
    %dma_start3A_143 = tpu.memref_slice %arg4[%add3A_91, %dma_start3A_142] : memref<2048x2048xf32, #tpu.memory_space<hbm>> -> memref<8x2048xf32, #tpu.memory_space<hbm>>
    %dma_start3A_144 = arith.constant 0 : i32
    %dma_start3A_145 = arith.constant 0 : i32
    %dma_start3A_146 = tpu.memref_slice %arg9[%dma_start3A_135, %dma_start3A_144, %dma_start3A_145] : memref<2x8x2048xf32, #tpu.memory_space<vmem>> -> memref<1x8x2048xf32, #tpu.memory_space<vmem>>
    %dma_start3A_147 = tpu.memref_squeeze %dma_start3A_146 : memref<1x8x2048xf32, #tpu.memory_space<vmem>> -> memref<8x2048xf32, #tpu.memory_space<vmem>>
    tpu.enqueue_dma source(%dma_start3A_147 : memref<8x2048xf32, #tpu.memory_space<vmem>>) target(%dma_start3A_143 : memref<8x2048xf32, #tpu.memory_space<hbm>>) target_semaphore(%arg14 : memref<!tpu.dma_semaphore, #tpu.memory_space<semaphore_mem>>)
    %add3A_148 = arith.constant 16 : i32
    %add3A_149 = arith.addi %mul3A_2, %add3A_148 : i32
    %dma_wait3A_150 = arith.constant 2 : i32
    %dma_wait3A_151 = arith.constant 0 : i32
    %dma_wait3A_152 = arith.constant 0 : i32
    %dma_wait3A_153 = tpu.memref_slice %arg8[%dma_wait3A_150, %dma_wait3A_151, %dma_wait3A_152] : memref<3x128x128xf32, #tpu.memory_space<vmem>> -> memref<1x128x128xf32, #tpu.memory_space<vmem>>
    %dma_wait3A_154 = tpu.memref_squeeze %dma_wait3A_153 : memref<1x128x128xf32, #tpu.memory_space<vmem>> -> memref<128x128xf32, #tpu.memory_space<vmem>>
    %dma_wait3A_155 = arith.constant 256 : i32
    %dma_wait3A_156 = tpu.memref_slice %arg7[%dma_wait3A_155] : memref<1024xi32, #tpu.memory_space<vmem>> -> memref<128xi32, #tpu.memory_space<vmem>>
    %dma_wait3A_157 = arith.constant 0 : i32
    %dma_wait3A_158 = arith.constant 0 : i32
    %dma_wait3A_159 = tpu.memref_slice %arg2[%dma_wait3A_157, %dma_wait3A_158] : memref<32768x128xf32, #tpu.memory_space<hbm>> -> memref<32768x128xf32, #tpu.memory_space<hbm>>
    tpu.wait_indirect_dma semaphore(%arg12 : memref<!tpu.dma_semaphore, #tpu.memory_space<semaphore_mem>>) src(%dma_wait3A_159 : memref<32768x128xf32, #tpu.memory_space<hbm>>) dst(%dma_wait3A_154 : memref<128x128xf32, #tpu.memory_space<vmem>>)
    %dma_start3A_160 = arith.constant 1 : i32
    %dma_start3A_161 = arith.constant 0 : i32
    %dma_start3A_162 = arith.constant 0 : i32
    %dma_start3A_163 = tpu.memref_slice %arg8[%dma_start3A_160, %dma_start3A_161, %dma_start3A_162] : memref<3x128x128xf32, #tpu.memory_space<vmem>> -> memref<1x128x128xf32, #tpu.memory_space<vmem>>
    %dma_start3A_164 = tpu.memref_squeeze %dma_start3A_163 : memref<1x128x128xf32, #tpu.memory_space<vmem>> -> memref<128x128xf32, #tpu.memory_space<vmem>>
    %dma_start3A_165 = arith.constant 512 : i32
    %dma_start3A_166 = tpu.memref_slice %arg7[%dma_start3A_165] : memref<1024xi32, #tpu.memory_space<vmem>> -> memref<128xi32, #tpu.memory_space<vmem>>
    %dma_start3A_167 = arith.constant 0 : i32
    %dma_start3A_168 = arith.constant 0 : i32
    %dma_start3A_169 = tpu.memref_slice %arg2[%dma_start3A_167, %dma_start3A_168] : memref<32768x128xf32, #tpu.memory_space<hbm>> -> memref<32768x128xf32, #tpu.memory_space<hbm>>
    tpu.enqueue_indirect_dma source(%dma_start3A_169 : memref<32768x128xf32, #tpu.memory_space<hbm>>) target(%dma_start3A_164 : memref<128x128xf32, #tpu.memory_space<vmem>>) offsets(%dma_start3A_166 : memref<128xi32, #tpu.memory_space<vmem>>) semaphore(%arg11 : memref<!tpu.dma_semaphore, #tpu.memory_space<semaphore_mem>>)
    %dma_wait3A_170 = arith.constant 0 : i32
    %dma_wait3A_171 = arith.constant 0 : i32
    %dma_wait3A_172 = arith.constant 0 : i32
    %dma_wait3A_173 = tpu.memref_slice %arg9[%dma_wait3A_170, %dma_wait3A_171, %dma_wait3A_172] : memref<2x8x2048xf32, #tpu.memory_space<vmem>> -> memref<1x8x2048xf32, #tpu.memory_space<vmem>>
    %dma_wait3A_174 = tpu.memref_squeeze %dma_wait3A_173 : memref<1x8x2048xf32, #tpu.memory_space<vmem>> -> memref<8x2048xf32, #tpu.memory_space<vmem>>
    %dma_wait3A_175 = arith.constant 0 : i32
    %dma_wait3A_176 = tpu.memref_slice %arg4[%add3A_34, %dma_wait3A_175] : memref<2048x2048xf32, #tpu.memory_space<hbm>> -> memref<8x2048xf32, #tpu.memory_space<hbm>>
    %dma_wait3A_177 = arith.constant 0 : i32
    %dma_wait3A_178 = tpu.memref_slice %arg4[%add3A_34, %dma_wait3A_177] : memref<2048x2048xf32, #tpu.memory_space<hbm>> -> memref<8x2048xf32, #tpu.memory_space<hbm>>
    %dma_wait3A_179 = arith.constant 0 : i32
    %dma_wait3A_180 = arith.constant 0 : i32
    %dma_wait3A_181 = tpu.memref_slice %arg9[%dma_wait3A_170, %dma_wait3A_179, %dma_wait3A_180] : memref<2x8x2048xf32, #tpu.memory_space<vmem>> -> memref<1x8x2048xf32, #tpu.memory_space<vmem>>
    %dma_wait3A_182 = tpu.memref_squeeze %dma_wait3A_181 : memref<1x8x2048xf32, #tpu.memory_space<vmem>> -> memref<8x2048xf32, #tpu.memory_space<vmem>>
    tpu.wait_dma2 semaphore(%arg13 : memref<!tpu.dma_semaphore, #tpu.memory_space<semaphore_mem>>) src(%dma_wait3A_182 : memref<8x2048xf32, #tpu.memory_space<vmem>>) dst(%dma_wait3A_178 : memref<8x2048xf32, #tpu.memory_space<hbm>>)
    %scan3A_183 = arith.constant 0 : i32
    %scan3A_184 = arith.constant 2 : i32
    %scan3A_185 = arith.constant 0 : i32
    %scan3A_186 = arith.constant 0 : i32
    %scan3A_187 = arith.constant 0 : i32
    %scan3A_188 = arith.constant 1 : i32
    %scan3A_189 = arith.constant 0 : i32
    %scan3A_190 = arith.constant 2 : i32
    %scan3A_191 = arith.constant 0 : i32
    %scan3A_192 = arith.constant 3 : i32
    %scan3A_193 = arith.constant 0 : i32
    %scan3A_194 = arith.constant 4 : i32
    %scan3A_195 = arith.constant 0 : i32
    %scan3A_196 = arith.constant 5 : i32
    %scan3A_197 = arith.constant 0 : i32
    %scan3A_198 = arith.constant 6 : i32
    %scan3A_199 = arith.constant 0 : i32
    %scan3A_200 = arith.constant 7 : i32
    %scan3A_201 = arith.constant 0 : i32
    %scan3A_202 = arith.constant 128 : i32
    %scan3A_203 = arith.addi %scan3A_201, %scan3A_202 : i32
    %scan3A_204 = arith.constant 1 : i32
    scf.for %scan3A_580 = %scan3A_201 to %scan3A_203 step %scan3A_204  : i32 {
      %mul3A_581 = arith.constant 16 : i32
      %mul3A_582 = arith.muli %scan3A_580, %mul3A_581 : i32
      %get3A = arith.index_cast %mul3A_582 : i32 to index
      %get3A_583 = tpu.vector_load %arg6[%get3A] {strides = array<i32>} : memref<2048xi32, #tpu.memory_space<vmem>>, vector<16xi32>,
      %shift_right_logical3A = arith.constant 7 : i32
      %shift_right_logical3A_584 = vector.broadcast %shift_right_logical3A : i32 to vector<16xi32>
      %shift_right_logical3A_585 = arith.shrui %get3A_583, %shift_right_logical3A_584 : vector<16xi32>
      %and3A = arith.constant 127 : i32
      %and3A_586 = vector.broadcast %and3A : i32 to vector<16xi32>
      %and3A_587 = arith.andi %get3A_583, %and3A_586 : vector<16xi32>
      %add3A_588 = arith.constant 0 : i32
      %add3A_589 = vector.broadcast %add3A_588 : i32 to vector<16xi32>
      %add3A_590 = arith.addi %shift_right_logical3A_585, %add3A_589 : vector<16xi32>
      %gather3A = arith.constant 0 : i32
      %gather3A_591 = arith.constant 0 : i32
      %gather3A_592 = tpu.memref_slice %arg8[%scan3A_184, %gather3A, %gather3A_591] : memref<3x128x128xf32, #tpu.memory_space<vmem>> -> memref<1x128x128xf32, #tpu.memory_space<vmem>>
      %gather3A_593 = tpu.memref_squeeze %gather3A_592 : memref<1x128x128xf32, #tpu.memory_space<vmem>> -> memref<128x128xf32, #tpu.memory_space<vmem>>
      %gather3A_594 = tpu.vector_load_idx %gather3A_593[%add3A_590, %and3A_587] : memref<128x128xf32, #tpu.memory_space<vmem>>[vector<16xi32>, vector<16xi32>], vector<16xf32>,
      %add3A_595 = arith.constant 16 : i32
      %add3A_596 = vector.broadcast %add3A_595 : i32 to vector<16xi32>
      %add3A_597 = arith.addi %shift_right_logical3A_585, %add3A_596 : vector<16xi32>
      %gather3A_598 = arith.constant 0 : i32
      %gather3A_599 = arith.constant 0 : i32
      %gather3A_600 = tpu.memref_slice %arg8[%scan3A_184, %gather3A_598, %gather3A_599] : memref<3x128x128xf32, #tpu.memory_space<vmem>> -> memref<1x128x128xf32, #tpu.memory_space<vmem>>
      %gather3A_601 = tpu.memref_squeeze %gather3A_600 : memref<1x128x128xf32, #tpu.memory_space<vmem>> -> memref<128x128xf32, #tpu.memory_space<vmem>>
      %gather3A_602 = tpu.vector_load_idx %gather3A_601[%add3A_597, %and3A_587] : memref<128x128xf32, #tpu.memory_space<vmem>>[vector<16xi32>, vector<16xi32>], vector<16xf32>,
      %add3A_603 = arith.constant 32 : i32
      %add3A_604 = vector.broadcast %add3A_603 : i32 to vector<16xi32>
      %add3A_605 = arith.addi %shift_right_logical3A_585, %add3A_604 : vector<16xi32>
      %gather3A_606 = arith.constant 0 : i32
      %gather3A_607 = arith.constant 0 : i32
      %gather3A_608 = tpu.memref_slice %arg8[%scan3A_184, %gather3A_606, %gather3A_607] : memref<3x128x128xf32, #tpu.memory_space<vmem>> -> memref<1x128x128xf32, #tpu.memory_space<vmem>>
      %gather3A_609 = tpu.memref_squeeze %gather3A_608 : memref<1x128x128xf32, #tpu.memory_space<vmem>> -> memref<128x128xf32, #tpu.memory_space<vmem>>
      %gather3A_610 = tpu.vector_load_idx %gather3A_609[%add3A_605, %and3A_587] : memref<128x128xf32, #tpu.memory_space<vmem>>[vector<16xi32>, vector<16xi32>], vector<16xf32>,
      %add3A_611 = arith.constant 48 : i32
      %add3A_612 = vector.broadcast %add3A_611 : i32 to vector<16xi32>
      %add3A_613 = arith.addi %shift_right_logical3A_585, %add3A_612 : vector<16xi32>
      %gather3A_614 = arith.constant 0 : i32
      %gather3A_615 = arith.constant 0 : i32
      %gather3A_616 = tpu.memref_slice %arg8[%scan3A_184, %gather3A_614, %gather3A_615] : memref<3x128x128xf32, #tpu.memory_space<vmem>> -> memref<1x128x128xf32, #tpu.memory_space<vmem>>
      %gather3A_617 = tpu.memref_squeeze %gather3A_616 : memref<1x128x128xf32, #tpu.memory_space<vmem>> -> memref<128x128xf32, #tpu.memory_space<vmem>>
      %gather3A_618 = tpu.vector_load_idx %gather3A_617[%add3A_613, %and3A_587] : memref<128x128xf32, #tpu.memory_space<vmem>>[vector<16xi32>, vector<16xi32>], vector<16xf32>,
      %add3A_619 = arith.constant 64 : i32
      %add3A_620 = vector.broadcast %add3A_619 : i32 to vector<16xi32>
      %add3A_621 = arith.addi %shift_right_logical3A_585, %add3A_620 : vector<16xi32>
      %gather3A_622 = arith.constant 0 : i32
      %gather3A_623 = arith.constant 0 : i32
      %gather3A_624 = tpu.memref_slice %arg8[%scan3A_184, %gather3A_622, %gather3A_623] : memref<3x128x128xf32, #tpu.memory_space<vmem>> -> memref<1x128x128xf32, #tpu.memory_space<vmem>>
      %gather3A_625 = tpu.memref_squeeze %gather3A_624 : memref<1x128x128xf32, #tpu.memory_space<vmem>> -> memref<128x128xf32, #tpu.memory_space<vmem>>
      %gather3A_626 = tpu.vector_load_idx %gather3A_625[%add3A_621, %and3A_587] : memref<128x128xf32, #tpu.memory_space<vmem>>[vector<16xi32>, vector<16xi32>], vector<16xf32>,
      %add3A_627 = arith.constant 80 : i32
      %add3A_628 = vector.broadcast %add3A_627 : i32 to vector<16xi32>
      %add3A_629 = arith.addi %shift_right_logical3A_585, %add3A_628 : vector<16xi32>
      %gather3A_630 = arith.constant 0 : i32
      %gather3A_631 = arith.constant 0 : i32
      %gather3A_632 = tpu.memref_slice %arg8[%scan3A_184, %gather3A_630, %gather3A_631] : memref<3x128x128xf32, #tpu.memory_space<vmem>> -> memref<1x128x128xf32, #tpu.memory_space<vmem>>
      %gather3A_633 = tpu.memref_squeeze %gather3A_632 : memref<1x128x128xf32, #tpu.memory_space<vmem>> -> memref<128x128xf32, #tpu.memory_space<vmem>>
      %gather3A_634 = tpu.vector_load_idx %gather3A_633[%add3A_629, %and3A_587] : memref<128x128xf32, #tpu.memory_space<vmem>>[vector<16xi32>, vector<16xi32>], vector<16xf32>,
      %add3A_635 = arith.constant 96 : i32
      %add3A_636 = vector.broadcast %add3A_635 : i32 to vector<16xi32>
      %add3A_637 = arith.addi %shift_right_logical3A_585, %add3A_636 : vector<16xi32>
      %gather3A_638 = arith.constant 0 : i32
      %gather3A_639 = arith.constant 0 : i32
      %gather3A_640 = tpu.memref_slice %arg8[%scan3A_184, %gather3A_638, %gather3A_639] : memref<3x128x128xf32, #tpu.memory_space<vmem>> -> memref<1x128x128xf32, #tpu.memory_space<vmem>>
      %gather3A_641 = tpu.memref_squeeze %gather3A_640 : memref<1x128x128xf32, #tpu.memory_space<vmem>> -> memref<128x128xf32, #tpu.memory_space<vmem>>
      %gather3A_642 = tpu.vector_load_idx %gather3A_641[%add3A_637, %and3A_587] : memref<128x128xf32, #tpu.memory_space<vmem>>[vector<16xi32>, vector<16xi32>], vector<16xf32>,
      %add3A_643 = arith.constant 112 : i32
      %add3A_644 = vector.broadcast %add3A_643 : i32 to vector<16xi32>
      %add3A_645 = arith.addi %shift_right_logical3A_585, %add3A_644 : vector<16xi32>
      %gather3A_646 = arith.constant 0 : i32
      %gather3A_647 = arith.constant 0 : i32
      %gather3A_648 = tpu.memref_slice %arg8[%scan3A_184, %gather3A_646, %gather3A_647] : memref<3x128x128xf32, #tpu.memory_space<vmem>> -> memref<1x128x128xf32, #tpu.memory_space<vmem>>
      %gather3A_649 = tpu.memref_squeeze %gather3A_648 : memref<1x128x128xf32, #tpu.memory_space<vmem>> -> memref<128x128xf32, #tpu.memory_space<vmem>>
      %gather3A_650 = tpu.vector_load_idx %gather3A_649[%add3A_645, %and3A_587] : memref<128x128xf32, #tpu.memory_space<vmem>>[vector<16xi32>, vector<16xi32>], vector<16xf32>,
      %swap3A = arith.constant 0 : i32
      %swap3A_651 = arith.constant 0 : i32
      %swap3A_652 = tpu.memref_slice %arg9[%scan3A_185, %swap3A, %swap3A_651] : memref<2x8x2048xf32, #tpu.memory_space<vmem>> -> memref<1x8x2048xf32, #tpu.memory_space<vmem>>
      %swap3A_653 = tpu.memref_squeeze %swap3A_652 : memref<1x8x2048xf32, #tpu.memory_space<vmem>> -> memref<8x2048xf32, #tpu.memory_space<vmem>>
      %swap3A_654 = arith.constant 0 : i32
      %swap3A_655 = tpu.memref_slice %swap3A_653[%scan3A_186, %swap3A_654] : memref<8x2048xf32, #tpu.memory_space<vmem>> -> memref<1x2048xf32, #tpu.memory_space<vmem>>
      %swap3A_656 = tpu.memref_squeeze %swap3A_655 : memref<1x2048xf32, #tpu.memory_space<vmem>> -> memref<2048xf32, #tpu.memory_space<vmem>>
      %swap3A_657 = arith.index_cast %mul3A_582 : i32 to index
      %swap3A_658 = tpu.vector_load %swap3A_656[%swap3A_657] {strides = array<i32>} : memref<2048xf32, #tpu.memory_space<vmem>>, vector<16xf32>,
      tpu.vector_store %swap3A_656[%swap3A_657], %gather3A_594 {strides = array<i32>} : memref<2048xf32, #tpu.memory_space<vmem>>, vector<16xf32>,
      %swap3A_659 = arith.constant 0 : i32
      %swap3A_660 = arith.constant 0 : i32
      %swap3A_661 = tpu.memref_slice %arg9[%scan3A_187, %swap3A_659, %swap3A_660] : memref<2x8x2048xf32, #tpu.memory_space<vmem>> -> memref<1x8x2048xf32, #tpu.memory_space<vmem>>
      %swap3A_662 = tpu.memref_squeeze %swap3A_661 : memref<1x8x2048xf32, #tpu.memory_space<vmem>> -> memref<8x2048xf32, #tpu.memory_space<vmem>>
      %swap3A_663 = arith.constant 0 : i32
      %swap3A_664 = tpu.memref_slice %swap3A_662[%scan3A_188, %swap3A_663] : memref<8x2048xf32, #tpu.memory_space<vmem>> -> memref<1x2048xf32, #tpu.memory_space<vmem>>
      %swap3A_665 = tpu.memref_squeeze %swap3A_664 : memref<1x2048xf32, #tpu.memory_space<vmem>> -> memref<2048xf32, #tpu.memory_space<vmem>>
      %swap3A_666 = arith.index_cast %mul3A_582 : i32 to index
      %swap3A_667 = tpu.vector_load %swap3A_665[%swap3A_666] {strides = array<i32>} : memref<2048xf32, #tpu.memory_space<vmem>>, vector<16xf32>,
      tpu.vector_store %swap3A_665[%swap3A_666], %gather3A_602 {strides = array<i32>} : memref<2048xf32, #tpu.memory_space<vmem>>, vector<16xf32>,
      %swap3A_668 = arith.constant 0 : i32
      %swap3A_669 = arith.constant 0 : i32
      %swap3A_670 = tpu.memref_slice %arg9[%scan3A_189, %swap3A_668, %swap3A_669] : memref<2x8x2048xf32, #tpu.memory_space<vmem>> -> memref<1x8x2048xf32, #tpu.memory_space<vmem>>
      %swap3A_671 = tpu.memref_squeeze %swap3A_670 : memref<1x8x2048xf32, #tpu.memory_space<vmem>> -> memref<8x2048xf32, #tpu.memory_space<vmem>>
      %swap3A_672 = arith.constant 0 : i32
      %swap3A_673 = tpu.memref_slice %swap3A_671[%scan3A_190, %swap3A_672] : memref<8x2048xf32, #tpu.memory_space<vmem>> -> memref<1x2048xf32, #tpu.memory_space<vmem>>
      %swap3A_674 = tpu.memref_squeeze %swap3A_673 : memref<1x2048xf32, #tpu.memory_space<vmem>> -> memref<2048xf32, #tpu.memory_space<vmem>>
      %swap3A_675 = arith.index_cast %mul3A_582 : i32 to index
      %swap3A_676 = tpu.vector_load %swap3A_674[%swap3A_675] {strides = array<i32>} : memref<2048xf32, #tpu.memory_space<vmem>>, vector<16xf32>,
      tpu.vector_store %swap3A_674[%swap3A_675], %gather3A_610 {strides = array<i32>} : memref<2048xf32, #tpu.memory_space<vmem>>, vector<16xf32>,
      %swap3A_677 = arith.constant 0 : i32
      %swap3A_678 = arith.constant 0 : i32
      %swap3A_679 = tpu.memref_slice %arg9[%scan3A_191, %swap3A_677, %swap3A_678] : memref<2x8x2048xf32, #tpu.memory_space<vmem>> -> memref<1x8x2048xf32, #tpu.memory_space<vmem>>
      %swap3A_680 = tpu.memref_squeeze %swap3A_679 : memref<1x8x2048xf32, #tpu.memory_space<vmem>> -> memref<8x2048xf32, #tpu.memory_space<vmem>>
      %swap3A_681 = arith.constant 0 : i32
      %swap3A_682 = tpu.memref_slice %swap3A_680[%scan3A_192, %swap3A_681] : memref<8x2048xf32, #tpu.memory_space<vmem>> -> memref<1x2048xf32, #tpu.memory_space<vmem>>
      %swap3A_683 = tpu.memref_squeeze %swap3A_682 : memref<1x2048xf32, #tpu.memory_space<vmem>> -> memref<2048xf32, #tpu.memory_space<vmem>>
      %swap3A_684 = arith.index_cast %mul3A_582 : i32 to index
      %swap3A_685 = tpu.vector_load %swap3A_683[%swap3A_684] {strides = array<i32>} : memref<2048xf32, #tpu.memory_space<vmem>>, vector<16xf32>,
      tpu.vector_store %swap3A_683[%swap3A_684], %gather3A_618 {strides = array<i32>} : memref<2048xf32, #tpu.memory_space<vmem>>, vector<16xf32>,
      %swap3A_686 = arith.constant 0 : i32
      %swap3A_687 = arith.constant 0 : i32
      %swap3A_688 = tpu.memref_slice %arg9[%scan3A_193, %swap3A_686, %swap3A_687] : memref<2x8x2048xf32, #tpu.memory_space<vmem>> -> memref<1x8x2048xf32, #tpu.memory_space<vmem>>
      %swap3A_689 = tpu.memref_squeeze %swap3A_688 : memref<1x8x2048xf32, #tpu.memory_space<vmem>> -> memref<8x2048xf32, #tpu.memory_space<vmem>>
      %swap3A_690 = arith.constant 0 : i32
      %swap3A_691 = tpu.memref_slice %swap3A_689[%scan3A_194, %swap3A_690] : memref<8x2048xf32, #tpu.memory_space<vmem>> -> memref<1x2048xf32, #tpu.memory_space<vmem>>
      %swap3A_692 = tpu.memref_squeeze %swap3A_691 : memref<1x2048xf32, #tpu.memory_space<vmem>> -> memref<2048xf32, #tpu.memory_space<vmem>>
      %swap3A_693 = arith.index_cast %mul3A_582 : i32 to index
      %swap3A_694 = tpu.vector_load %swap3A_692[%swap3A_693] {strides = array<i32>} : memref<2048xf32, #tpu.memory_space<vmem>>, vector<16xf32>,
      tpu.vector_store %swap3A_692[%swap3A_693], %gather3A_626 {strides = array<i32>} : memref<2048xf32, #tpu.memory_space<vmem>>, vector<16xf32>,
      %swap3A_695 = arith.constant 0 : i32
      %swap3A_696 = arith.constant 0 : i32
      %swap3A_697 = tpu.memref_slice %arg9[%scan3A_195, %swap3A_695, %swap3A_696] : memref<2x8x2048xf32, #tpu.memory_space<vmem>> -> memref<1x8x2048xf32, #tpu.memory_space<vmem>>
      %swap3A_698 = tpu.memref_squeeze %swap3A_697 : memref<1x8x2048xf32, #tpu.memory_space<vmem>> -> memref<8x2048xf32, #tpu.memory_space<vmem>>
      %swap3A_699 = arith.constant 0 : i32
      %swap3A_700 = tpu.memref_slice %swap3A_698[%scan3A_196, %swap3A_699] : memref<8x2048xf32, #tpu.memory_space<vmem>> -> memref<1x2048xf32, #tpu.memory_space<vmem>>
      %swap3A_701 = tpu.memref_squeeze %swap3A_700 : memref<1x2048xf32, #tpu.memory_space<vmem>> -> memref<2048xf32, #tpu.memory_space<vmem>>
      %swap3A_702 = arith.index_cast %mul3A_582 : i32 to index
      %swap3A_703 = tpu.vector_load %swap3A_701[%swap3A_702] {strides = array<i32>} : memref<2048xf32, #tpu.memory_space<vmem>>, vector<16xf32>,
      tpu.vector_store %swap3A_701[%swap3A_702], %gather3A_634 {strides = array<i32>} : memref<2048xf32, #tpu.memory_space<vmem>>, vector<16xf32>,
      %swap3A_704 = arith.constant 0 : i32
      %swap3A_705 = arith.constant 0 : i32
      %swap3A_706 = tpu.memref_slice %arg9[%scan3A_197, %swap3A_704, %swap3A_705] : memref<2x8x2048xf32, #tpu.memory_space<vmem>> -> memref<1x8x2048xf32, #tpu.memory_space<vmem>>
      %swap3A_707 = tpu.memref_squeeze %swap3A_706 : memref<1x8x2048xf32, #tpu.memory_space<vmem>> -> memref<8x2048xf32, #tpu.memory_space<vmem>>
      %swap3A_708 = arith.constant 0 : i32
      %swap3A_709 = tpu.memref_slice %swap3A_707[%scan3A_198, %swap3A_708] : memref<8x2048xf32, #tpu.memory_space<vmem>> -> memref<1x2048xf32, #tpu.memory_space<vmem>>
      %swap3A_710 = tpu.memref_squeeze %swap3A_709 : memref<1x2048xf32, #tpu.memory_space<vmem>> -> memref<2048xf32, #tpu.memory_space<vmem>>
      %swap3A_711 = arith.index_cast %mul3A_582 : i32 to index
      %swap3A_712 = tpu.vector_load %swap3A_710[%swap3A_711] {strides = array<i32>} : memref<2048xf32, #tpu.memory_space<vmem>>, vector<16xf32>,
      tpu.vector_store %swap3A_710[%swap3A_711], %gather3A_642 {strides = array<i32>} : memref<2048xf32, #tpu.memory_space<vmem>>, vector<16xf32>,
      %swap3A_713 = arith.constant 0 : i32
      %swap3A_714 = arith.constant 0 : i32
      %swap3A_715 = tpu.memref_slice %arg9[%scan3A_199, %swap3A_713, %swap3A_714] : memref<2x8x2048xf32, #tpu.memory_space<vmem>> -> memref<1x8x2048xf32, #tpu.memory_space<vmem>>
      %swap3A_716 = tpu.memref_squeeze %swap3A_715 : memref<1x8x2048xf32, #tpu.memory_space<vmem>> -> memref<8x2048xf32, #tpu.memory_space<vmem>>
      %swap3A_717 = arith.constant 0 : i32
      %swap3A_718 = tpu.memref_slice %swap3A_716[%scan3A_200, %swap3A_717] : memref<8x2048xf32, #tpu.memory_space<vmem>> -> memref<1x2048xf32, #tpu.memory_space<vmem>>
      %swap3A_719 = tpu.memref_squeeze %swap3A_718 : memref<1x2048xf32, #tpu.memory_space<vmem>> -> memref<2048xf32, #tpu.memory_space<vmem>>
      %swap3A_720 = arith.index_cast %mul3A_582 : i32 to index
      %swap3A_721 = tpu.vector_load %swap3A_719[%swap3A_720] {strides = array<i32>} : memref<2048xf32, #tpu.memory_space<vmem>>, vector<16xf32>,
      tpu.vector_store %swap3A_719[%swap3A_720], %gather3A_650 {strides = array<i32>} : memref<2048xf32, #tpu.memory_space<vmem>>, vector<16xf32>,
    }
    %scan3A_205 = arith.constant 128 : i32
    %dma_start3A_206 = arith.constant 0 : i32
    %dma_start3A_207 = arith.constant 0 : i32
    %dma_start3A_208 = arith.constant 0 : i32
    %dma_start3A_209 = tpu.memref_slice %arg9[%dma_start3A_206, %dma_start3A_207, %dma_start3A_208] : memref<2x8x2048xf32, #tpu.memory_space<vmem>> -> memref<1x8x2048xf32, #tpu.memory_space<vmem>>
    %dma_start3A_210 = tpu.memref_squeeze %dma_start3A_209 : memref<1x8x2048xf32, #tpu.memory_space<vmem>> -> memref<8x2048xf32, #tpu.memory_space<vmem>>
    %dma_start3A_211 = arith.constant 0 : i32
    %dma_start3A_212 = tpu.memref_slice %arg4[%add3A_149, %dma_start3A_211] : memref<2048x2048xf32, #tpu.memory_space<hbm>> -> memref<8x2048xf32, #tpu.memory_space<hbm>>
    %dma_start3A_213 = arith.constant 0 : i32
    %dma_start3A_214 = tpu.memref_slice %arg4[%add3A_149, %dma_start3A_213] : memref<2048x2048xf32, #tpu.memory_space<hbm>> -> memref<8x2048xf32, #tpu.memory_space<hbm>>
    %dma_start3A_215 = arith.constant 0 : i32
    %dma_start3A_216 = arith.constant 0 : i32
    %dma_start3A_217 = tpu.memref_slice %arg9[%dma_start3A_206, %dma_start3A_215, %dma_start3A_216] : memref<2x8x2048xf32, #tpu.memory_space<vmem>> -> memref<1x8x2048xf32, #tpu.memory_space<vmem>>
    %dma_start3A_218 = tpu.memref_squeeze %dma_start3A_217 : memref<1x8x2048xf32, #tpu.memory_space<vmem>> -> memref<8x2048xf32, #tpu.memory_space<vmem>>
    tpu.enqueue_dma source(%dma_start3A_218 : memref<8x2048xf32, #tpu.memory_space<vmem>>) target(%dma_start3A_214 : memref<8x2048xf32, #tpu.memory_space<hbm>>) target_semaphore(%arg13 : memref<!tpu.dma_semaphore, #tpu.memory_space<semaphore_mem>>)
    %add3A_219 = arith.constant 24 : i32
    %add3A_220 = arith.addi %mul3A_2, %add3A_219 : i32
    %dma_wait3A_221 = arith.constant 0 : i32
    %dma_wait3A_222 = arith.constant 0 : i32
    %dma_wait3A_223 = arith.constant 0 : i32
    %dma_wait3A_224 = tpu.memref_slice %arg8[%dma_wait3A_221, %dma_wait3A_222, %dma_wait3A_223] : memref<3x128x128xf32, #tpu.memory_space<vmem>> -> memref<1x128x128xf32, #tpu.memory_space<vmem>>
    %dma_wait3A_225 = tpu.memref_squeeze %dma_wait3A_224 : memref<1x128x128xf32, #tpu.memory_space<vmem>> -> memref<128x128xf32, #tpu.memory_space<vmem>>
    %dma_wait3A_226 = arith.constant 384 : i32
    %dma_wait3A_227 = tpu.memref_slice %arg7[%dma_wait3A_226] : memref<1024xi32, #tpu.memory_space<vmem>> -> memref<128xi32, #tpu.memory_space<vmem>>
    %dma_wait3A_228 = arith.constant 0 : i32
    %dma_wait3A_229 = arith.constant 0 : i32
    %dma_wait3A_230 = tpu.memref_slice %arg2[%dma_wait3A_228, %dma_wait3A_229] : memref<32768x128xf32, #tpu.memory_space<hbm>> -> memref<32768x128xf32, #tpu.memory_space<hbm>>
    tpu.wait_indirect_dma semaphore(%arg10 : memref<!tpu.dma_semaphore, #tpu.memory_space<semaphore_mem>>) src(%dma_wait3A_230 : memref<32768x128xf32, #tpu.memory_space<hbm>>) dst(%dma_wait3A_225 : memref<128x128xf32, #tpu.memory_space<vmem>>)
    %dma_start3A_231 = arith.constant 2 : i32
    %dma_start3A_232 = arith.constant 0 : i32
    %dma_start3A_233 = arith.constant 0 : i32
    %dma_start3A_234 = tpu.memref_slice %arg8[%dma_start3A_231, %dma_start3A_232, %dma_start3A_233] : memref<3x128x128xf32, #tpu.memory_space<vmem>> -> memref<1x128x128xf32, #tpu.memory_space<vmem>>
    %dma_start3A_235 = tpu.memref_squeeze %dma_start3A_234 : memref<1x128x128xf32, #tpu.memory_space<vmem>> -> memref<128x128xf32, #tpu.memory_space<vmem>>
    %dma_start3A_236 = arith.constant 640 : i32
    %dma_start3A_237 = tpu.memref_slice %arg7[%dma_start3A_236] : memref<1024xi32, #tpu.memory_space<vmem>> -> memref<128xi32, #tpu.memory_space<vmem>>
    %dma_start3A_238 = arith.constant 0 : i32
    %dma_start3A_239 = arith.constant 0 : i32
    %dma_start3A_240 = tpu.memref_slice %arg2[%dma_start3A_238, %dma_start3A_239] : memref<32768x128xf32, #tpu.memory_space<hbm>> -> memref<32768x128xf32, #tpu.memory_space<hbm>>
    tpu.enqueue_indirect_dma source(%dma_start3A_240 : memref<32768x128xf32, #tpu.memory_space<hbm>>) target(%dma_start3A_235 : memref<128x128xf32, #tpu.memory_space<vmem>>) offsets(%dma_start3A_237 : memref<128xi32, #tpu.memory_space<vmem>>) semaphore(%arg12 : memref<!tpu.dma_semaphore, #tpu.memory_space<semaphore_mem>>)
    %dma_wait3A_241 = arith.constant 1 : i32
    %dma_wait3A_242 = arith.constant 0 : i32
    %dma_wait3A_243 = arith.constant 0 : i32
    %dma_wait3A_244 = tpu.memref_slice %arg9[%dma_wait3A_241, %dma_wait3A_242, %dma_wait3A_243] : memref<2x8x2048xf32, #tpu.memory_space<vmem>> -> memref<1x8x2048xf32, #tpu.memory_space<vmem>>
    %dma_wait3A_245 = tpu.memref_squeeze %dma_wait3A_244 : memref<1x8x2048xf32, #tpu.memory_space<vmem>> -> memref<8x2048xf32, #tpu.memory_space<vmem>>
    %dma_wait3A_246 = arith.constant 0 : i32
    %dma_wait3A_247 = tpu.memref_slice %arg4[%add3A_91, %dma_wait3A_246] : memref<2048x2048xf32, #tpu.memory_space<hbm>> -> memref<8x2048xf32, #tpu.memory_space<hbm>>
    %dma_wait3A_248 = arith.constant 0 : i32
    %dma_wait3A_249 = tpu.memref_slice %arg4[%add3A_91, %dma_wait3A_248] : memref<2048x2048xf32, #tpu.memory_space<hbm>> -> memref<8x2048xf32, #tpu.memory_space<hbm>>
    %dma_wait3A_250 = arith.constant 0 : i32
    %dma_wait3A_251 = arith.constant 0 : i32
    %dma_wait3A_252 = tpu.memref_slice %arg9[%dma_wait3A_241, %dma_wait3A_250, %dma_wait3A_251] : memref<2x8x2048xf32, #tpu.memory_space<vmem>> -> memref<1x8x2048xf32, #tpu.memory_space<vmem>>
    %dma_wait3A_253 = tpu.memref_squeeze %dma_wait3A_252 : memref<1x8x2048xf32, #tpu.memory_space<vmem>> -> memref<8x2048xf32, #tpu.memory_space<vmem>>
    tpu.wait_dma2 semaphore(%arg14 : memref<!tpu.dma_semaphore, #tpu.memory_space<semaphore_mem>>) src(%dma_wait3A_253 : memref<8x2048xf32, #tpu.memory_space<vmem>>) dst(%dma_wait3A_249 : memref<8x2048xf32, #tpu.memory_space<hbm>>)
    %scan3A_254 = arith.constant 0 : i32
    %scan3A_255 = arith.constant 0 : i32
    %scan3A_256 = arith.constant 1 : i32
    %scan3A_257 = arith.constant 0 : i32
    %scan3A_258 = arith.constant 1 : i32
    %scan3A_259 = arith.constant 1 : i32
    %scan3A_260 = arith.constant 1 : i32
    %scan3A_261 = arith.constant 2 : i32
    %scan3A_262 = arith.constant 1 : i32
    %scan3A_263 = arith.constant 3 : i32
    %scan3A_264 = arith.constant 1 : i32
    %scan3A_265 = arith.constant 4 : i32
    %scan3A_266 = arith.constant 1 : i32
    %scan3A_267 = arith.constant 5 : i32
    %scan3A_268 = arith.constant 1 : i32
    %scan3A_269 = arith.constant 6 : i32
    %scan3A_270 = arith.constant 1 : i32
    %scan3A_271 = arith.constant 7 : i32
    %scan3A_272 = arith.constant 0 : i32
    %scan3A_273 = arith.constant 128 : i32
    %scan3A_274 = arith.addi %scan3A_272, %scan3A_273 : i32
    %scan3A_275 = arith.constant 1 : i32
    scf.for %scan3A_580 = %scan3A_272 to %scan3A_274 step %scan3A_275  : i32 {
      %mul3A_581 = arith.constant 16 : i32
      %mul3A_582 = arith.muli %scan3A_580, %mul3A_581 : i32
      %get3A = arith.index_cast %mul3A_582 : i32 to index
      %get3A_583 = tpu.vector_load %arg6[%get3A] {strides = array<i32>} : memref<2048xi32, #tpu.memory_space<vmem>>, vector<16xi32>,
      %shift_right_logical3A = arith.constant 7 : i32
      %shift_right_logical3A_584 = vector.broadcast %shift_right_logical3A : i32 to vector<16xi32>
      %shift_right_logical3A_585 = arith.shrui %get3A_583, %shift_right_logical3A_584 : vector<16xi32>
      %and3A = arith.constant 127 : i32
      %and3A_586 = vector.broadcast %and3A : i32 to vector<16xi32>
      %and3A_587 = arith.andi %get3A_583, %and3A_586 : vector<16xi32>
      %add3A_588 = arith.constant 0 : i32
      %add3A_589 = vector.broadcast %add3A_588 : i32 to vector<16xi32>
      %add3A_590 = arith.addi %shift_right_logical3A_585, %add3A_589 : vector<16xi32>
      %gather3A = arith.constant 0 : i32
      %gather3A_591 = arith.constant 0 : i32
      %gather3A_592 = tpu.memref_slice %arg8[%scan3A_255, %gather3A, %gather3A_591] : memref<3x128x128xf32, #tpu.memory_space<vmem>> -> memref<1x128x128xf32, #tpu.memory_space<vmem>>
      %gather3A_593 = tpu.memref_squeeze %gather3A_592 : memref<1x128x128xf32, #tpu.memory_space<vmem>> -> memref<128x128xf32, #tpu.memory_space<vmem>>
      %gather3A_594 = tpu.vector_load_idx %gather3A_593[%add3A_590, %and3A_587] : memref<128x128xf32, #tpu.memory_space<vmem>>[vector<16xi32>, vector<16xi32>], vector<16xf32>,
      %add3A_595 = arith.constant 16 : i32
      %add3A_596 = vector.broadcast %add3A_595 : i32 to vector<16xi32>
      %add3A_597 = arith.addi %shift_right_logical3A_585, %add3A_596 : vector<16xi32>
      %gather3A_598 = arith.constant 0 : i32
      %gather3A_599 = arith.constant 0 : i32
      %gather3A_600 = tpu.memref_slice %arg8[%scan3A_255, %gather3A_598, %gather3A_599] : memref<3x128x128xf32, #tpu.memory_space<vmem>> -> memref<1x128x128xf32, #tpu.memory_space<vmem>>
      %gather3A_601 = tpu.memref_squeeze %gather3A_600 : memref<1x128x128xf32, #tpu.memory_space<vmem>> -> memref<128x128xf32, #tpu.memory_space<vmem>>
      %gather3A_602 = tpu.vector_load_idx %gather3A_601[%add3A_597, %and3A_587] : memref<128x128xf32, #tpu.memory_space<vmem>>[vector<16xi32>, vector<16xi32>], vector<16xf32>,
      %add3A_603 = arith.constant 32 : i32
      %add3A_604 = vector.broadcast %add3A_603 : i32 to vector<16xi32>
      %add3A_605 = arith.addi %shift_right_logical3A_585, %add3A_604 : vector<16xi32>
      %gather3A_606 = arith.constant 0 : i32
      %gather3A_607 = arith.constant 0 : i32
      %gather3A_608 = tpu.memref_slice %arg8[%scan3A_255, %gather3A_606, %gather3A_607] : memref<3x128x128xf32, #tpu.memory_space<vmem>> -> memref<1x128x128xf32, #tpu.memory_space<vmem>>
      %gather3A_609 = tpu.memref_squeeze %gather3A_608 : memref<1x128x128xf32, #tpu.memory_space<vmem>> -> memref<128x128xf32, #tpu.memory_space<vmem>>
      %gather3A_610 = tpu.vector_load_idx %gather3A_609[%add3A_605, %and3A_587] : memref<128x128xf32, #tpu.memory_space<vmem>>[vector<16xi32>, vector<16xi32>], vector<16xf32>,
      %add3A_611 = arith.constant 48 : i32
      %add3A_612 = vector.broadcast %add3A_611 : i32 to vector<16xi32>
      %add3A_613 = arith.addi %shift_right_logical3A_585, %add3A_612 : vector<16xi32>
      %gather3A_614 = arith.constant 0 : i32
      %gather3A_615 = arith.constant 0 : i32
      %gather3A_616 = tpu.memref_slice %arg8[%scan3A_255, %gather3A_614, %gather3A_615] : memref<3x128x128xf32, #tpu.memory_space<vmem>> -> memref<1x128x128xf32, #tpu.memory_space<vmem>>
      %gather3A_617 = tpu.memref_squeeze %gather3A_616 : memref<1x128x128xf32, #tpu.memory_space<vmem>> -> memref<128x128xf32, #tpu.memory_space<vmem>>
      %gather3A_618 = tpu.vector_load_idx %gather3A_617[%add3A_613, %and3A_587] : memref<128x128xf32, #tpu.memory_space<vmem>>[vector<16xi32>, vector<16xi32>], vector<16xf32>,
      %add3A_619 = arith.constant 64 : i32
      %add3A_620 = vector.broadcast %add3A_619 : i32 to vector<16xi32>
      %add3A_621 = arith.addi %shift_right_logical3A_585, %add3A_620 : vector<16xi32>
      %gather3A_622 = arith.constant 0 : i32
      %gather3A_623 = arith.constant 0 : i32
      %gather3A_624 = tpu.memref_slice %arg8[%scan3A_255, %gather3A_622, %gather3A_623] : memref<3x128x128xf32, #tpu.memory_space<vmem>> -> memref<1x128x128xf32, #tpu.memory_space<vmem>>
      %gather3A_625 = tpu.memref_squeeze %gather3A_624 : memref<1x128x128xf32, #tpu.memory_space<vmem>> -> memref<128x128xf32, #tpu.memory_space<vmem>>
      %gather3A_626 = tpu.vector_load_idx %gather3A_625[%add3A_621, %and3A_587] : memref<128x128xf32, #tpu.memory_space<vmem>>[vector<16xi32>, vector<16xi32>], vector<16xf32>,
      %add3A_627 = arith.constant 80 : i32
      %add3A_628 = vector.broadcast %add3A_627 : i32 to vector<16xi32>
      %add3A_629 = arith.addi %shift_right_logical3A_585, %add3A_628 : vector<16xi32>
      %gather3A_630 = arith.constant 0 : i32
      %gather3A_631 = arith.constant 0 : i32
      %gather3A_632 = tpu.memref_slice %arg8[%scan3A_255, %gather3A_630, %gather3A_631] : memref<3x128x128xf32, #tpu.memory_space<vmem>> -> memref<1x128x128xf32, #tpu.memory_space<vmem>>
      %gather3A_633 = tpu.memref_squeeze %gather3A_632 : memref<1x128x128xf32, #tpu.memory_space<vmem>> -> memref<128x128xf32, #tpu.memory_space<vmem>>
      %gather3A_634 = tpu.vector_load_idx %gather3A_633[%add3A_629, %and3A_587] : memref<128x128xf32, #tpu.memory_space<vmem>>[vector<16xi32>, vector<16xi32>], vector<16xf32>,
      %add3A_635 = arith.constant 96 : i32
      %add3A_636 = vector.broadcast %add3A_635 : i32 to vector<16xi32>
      %add3A_637 = arith.addi %shift_right_logical3A_585, %add3A_636 : vector<16xi32>
      %gather3A_638 = arith.constant 0 : i32
      %gather3A_639 = arith.constant 0 : i32
      %gather3A_640 = tpu.memref_slice %arg8[%scan3A_255, %gather3A_638, %gather3A_639] : memref<3x128x128xf32, #tpu.memory_space<vmem>> -> memref<1x128x128xf32, #tpu.memory_space<vmem>>
      %gather3A_641 = tpu.memref_squeeze %gather3A_640 : memref<1x128x128xf32, #tpu.memory_space<vmem>> -> memref<128x128xf32, #tpu.memory_space<vmem>>
      %gather3A_642 = tpu.vector_load_idx %gather3A_641[%add3A_637, %and3A_587] : memref<128x128xf32, #tpu.memory_space<vmem>>[vector<16xi32>, vector<16xi32>], vector<16xf32>,
      %add3A_643 = arith.constant 112 : i32
      %add3A_644 = vector.broadcast %add3A_643 : i32 to vector<16xi32>
      %add3A_645 = arith.addi %shift_right_logical3A_585, %add3A_644 : vector<16xi32>
      %gather3A_646 = arith.constant 0 : i32
      %gather3A_647 = arith.constant 0 : i32
      %gather3A_648 = tpu.memref_slice %arg8[%scan3A_255, %gather3A_646, %gather3A_647] : memref<3x128x128xf32, #tpu.memory_space<vmem>> -> memref<1x128x128xf32, #tpu.memory_space<vmem>>
      %gather3A_649 = tpu.memref_squeeze %gather3A_648 : memref<1x128x128xf32, #tpu.memory_space<vmem>> -> memref<128x128xf32, #tpu.memory_space<vmem>>
      %gather3A_650 = tpu.vector_load_idx %gather3A_649[%add3A_645, %and3A_587] : memref<128x128xf32, #tpu.memory_space<vmem>>[vector<16xi32>, vector<16xi32>], vector<16xf32>,
      %swap3A = arith.constant 0 : i32
      %swap3A_651 = arith.constant 0 : i32
      %swap3A_652 = tpu.memref_slice %arg9[%scan3A_256, %swap3A, %swap3A_651] : memref<2x8x2048xf32, #tpu.memory_space<vmem>> -> memref<1x8x2048xf32, #tpu.memory_space<vmem>>
      %swap3A_653 = tpu.memref_squeeze %swap3A_652 : memref<1x8x2048xf32, #tpu.memory_space<vmem>> -> memref<8x2048xf32, #tpu.memory_space<vmem>>
      %swap3A_654 = arith.constant 0 : i32
      %swap3A_655 = tpu.memref_slice %swap3A_653[%scan3A_257, %swap3A_654] : memref<8x2048xf32, #tpu.memory_space<vmem>> -> memref<1x2048xf32, #tpu.memory_space<vmem>>
      %swap3A_656 = tpu.memref_squeeze %swap3A_655 : memref<1x2048xf32, #tpu.memory_space<vmem>> -> memref<2048xf32, #tpu.memory_space<vmem>>
      %swap3A_657 = arith.index_cast %mul3A_582 : i32 to index
      %swap3A_658 = tpu.vector_load %swap3A_656[%swap3A_657] {strides = array<i32>} : memref<2048xf32, #tpu.memory_space<vmem>>, vector<16xf32>,
      tpu.vector_store %swap3A_656[%swap3A_657], %gather3A_594 {strides = array<i32>} : memref<2048xf32, #tpu.memory_space<vmem>>, vector<16xf32>,
      %swap3A_659 = arith.constant 0 : i32
      %swap3A_660 = arith.constant 0 : i32
      %swap3A_661 = tpu.memref_slice %arg9[%scan3A_258, %swap3A_659, %swap3A_660] : memref<2x8x2048xf32, #tpu.memory_space<vmem>> -> memref<1x8x2048xf32, #tpu.memory_space<vmem>>
      %swap3A_662 = tpu.memref_squeeze %swap3A_661 : memref<1x8x2048xf32, #tpu.memory_space<vmem>> -> memref<8x2048xf32, #tpu.memory_space<vmem>>
      %swap3A_663 = arith.constant 0 : i32
      %swap3A_664 = tpu.memref_slice %swap3A_662[%scan3A_259, %swap3A_663] : memref<8x2048xf32, #tpu.memory_space<vmem>> -> memref<1x2048xf32, #tpu.memory_space<vmem>>
      %swap3A_665 = tpu.memref_squeeze %swap3A_664 : memref<1x2048xf32, #tpu.memory_space<vmem>> -> memref<2048xf32, #tpu.memory_space<vmem>>
      %swap3A_666 = arith.index_cast %mul3A_582 : i32 to index
      %swap3A_667 = tpu.vector_load %swap3A_665[%swap3A_666] {strides = array<i32>} : memref<2048xf32, #tpu.memory_space<vmem>>, vector<16xf32>,
      tpu.vector_store %swap3A_665[%swap3A_666], %gather3A_602 {strides = array<i32>} : memref<2048xf32, #tpu.memory_space<vmem>>, vector<16xf32>,
      %swap3A_668 = arith.constant 0 : i32
      %swap3A_669 = arith.constant 0 : i32
      %swap3A_670 = tpu.memref_slice %arg9[%scan3A_260, %swap3A_668, %swap3A_669] : memref<2x8x2048xf32, #tpu.memory_space<vmem>> -> memref<1x8x2048xf32, #tpu.memory_space<vmem>>
      %swap3A_671 = tpu.memref_squeeze %swap3A_670 : memref<1x8x2048xf32, #tpu.memory_space<vmem>> -> memref<8x2048xf32, #tpu.memory_space<vmem>>
      %swap3A_672 = arith.constant 0 : i32
      %swap3A_673 = tpu.memref_slice %swap3A_671[%scan3A_261, %swap3A_672] : memref<8x2048xf32, #tpu.memory_space<vmem>> -> memref<1x2048xf32, #tpu.memory_space<vmem>>
      %swap3A_674 = tpu.memref_squeeze %swap3A_673 : memref<1x2048xf32, #tpu.memory_space<vmem>> -> memref<2048xf32, #tpu.memory_space<vmem>>
      %swap3A_675 = arith.index_cast %mul3A_582 : i32 to index
      %swap3A_676 = tpu.vector_load %swap3A_674[%swap3A_675] {strides = array<i32>} : memref<2048xf32, #tpu.memory_space<vmem>>, vector<16xf32>,
      tpu.vector_store %swap3A_674[%swap3A_675], %gather3A_610 {strides = array<i32>} : memref<2048xf32, #tpu.memory_space<vmem>>, vector<16xf32>,
      %swap3A_677 = arith.constant 0 : i32
      %swap3A_678 = arith.constant 0 : i32
      %swap3A_679 = tpu.memref_slice %arg9[%scan3A_262, %swap3A_677, %swap3A_678] : memref<2x8x2048xf32, #tpu.memory_space<vmem>> -> memref<1x8x2048xf32, #tpu.memory_space<vmem>>
      %swap3A_680 = tpu.memref_squeeze %swap3A_679 : memref<1x8x2048xf32, #tpu.memory_space<vmem>> -> memref<8x2048xf32, #tpu.memory_space<vmem>>
      %swap3A_681 = arith.constant 0 : i32
      %swap3A_682 = tpu.memref_slice %swap3A_680[%scan3A_263, %swap3A_681] : memref<8x2048xf32, #tpu.memory_space<vmem>> -> memref<1x2048xf32, #tpu.memory_space<vmem>>
      %swap3A_683 = tpu.memref_squeeze %swap3A_682 : memref<1x2048xf32, #tpu.memory_space<vmem>> -> memref<2048xf32, #tpu.memory_space<vmem>>
      %swap3A_684 = arith.index_cast %mul3A_582 : i32 to index
      %swap3A_685 = tpu.vector_load %swap3A_683[%swap3A_684] {strides = array<i32>} : memref<2048xf32, #tpu.memory_space<vmem>>, vector<16xf32>,
      tpu.vector_store %swap3A_683[%swap3A_684], %gather3A_618 {strides = array<i32>} : memref<2048xf32, #tpu.memory_space<vmem>>, vector<16xf32>,
      %swap3A_686 = arith.constant 0 : i32
      %swap3A_687 = arith.constant 0 : i32
      %swap3A_688 = tpu.memref_slice %arg9[%scan3A_264, %swap3A_686, %swap3A_687] : memref<2x8x2048xf32, #tpu.memory_space<vmem>> -> memref<1x8x2048xf32, #tpu.memory_space<vmem>>
      %swap3A_689 = tpu.memref_squeeze %swap3A_688 : memref<1x8x2048xf32, #tpu.memory_space<vmem>> -> memref<8x2048xf32, #tpu.memory_space<vmem>>
      %swap3A_690 = arith.constant 0 : i32
      %swap3A_691 = tpu.memref_slice %swap3A_689[%scan3A_265, %swap3A_690] : memref<8x2048xf32, #tpu.memory_space<vmem>> -> memref<1x2048xf32, #tpu.memory_space<vmem>>
      %swap3A_692 = tpu.memref_squeeze %swap3A_691 : memref<1x2048xf32, #tpu.memory_space<vmem>> -> memref<2048xf32, #tpu.memory_space<vmem>>
      %swap3A_693 = arith.index_cast %mul3A_582 : i32 to index
      %swap3A_694 = tpu.vector_load %swap3A_692[%swap3A_693] {strides = array<i32>} : memref<2048xf32, #tpu.memory_space<vmem>>, vector<16xf32>,
      tpu.vector_store %swap3A_692[%swap3A_693], %gather3A_626 {strides = array<i32>} : memref<2048xf32, #tpu.memory_space<vmem>>, vector<16xf32>,
      %swap3A_695 = arith.constant 0 : i32
      %swap3A_696 = arith.constant 0 : i32
      %swap3A_697 = tpu.memref_slice %arg9[%scan3A_266, %swap3A_695, %swap3A_696] : memref<2x8x2048xf32, #tpu.memory_space<vmem>> -> memref<1x8x2048xf32, #tpu.memory_space<vmem>>
      %swap3A_698 = tpu.memref_squeeze %swap3A_697 : memref<1x8x2048xf32, #tpu.memory_space<vmem>> -> memref<8x2048xf32, #tpu.memory_space<vmem>>
      %swap3A_699 = arith.constant 0 : i32
      %swap3A_700 = tpu.memref_slice %swap3A_698[%scan3A_267, %swap3A_699] : memref<8x2048xf32, #tpu.memory_space<vmem>> -> memref<1x2048xf32, #tpu.memory_space<vmem>>
      %swap3A_701 = tpu.memref_squeeze %swap3A_700 : memref<1x2048xf32, #tpu.memory_space<vmem>> -> memref<2048xf32, #tpu.memory_space<vmem>>
      %swap3A_702 = arith.index_cast %mul3A_582 : i32 to index
      %swap3A_703 = tpu.vector_load %swap3A_701[%swap3A_702] {strides = array<i32>} : memref<2048xf32, #tpu.memory_space<vmem>>, vector<16xf32>,
      tpu.vector_store %swap3A_701[%swap3A_702], %gather3A_634 {strides = array<i32>} : memref<2048xf32, #tpu.memory_space<vmem>>, vector<16xf32>,
      %swap3A_704 = arith.constant 0 : i32
      %swap3A_705 = arith.constant 0 : i32
      %swap3A_706 = tpu.memref_slice %arg9[%scan3A_268, %swap3A_704, %swap3A_705] : memref<2x8x2048xf32, #tpu.memory_space<vmem>> -> memref<1x8x2048xf32, #tpu.memory_space<vmem>>
      %swap3A_707 = tpu.memref_squeeze %swap3A_706 : memref<1x8x2048xf32, #tpu.memory_space<vmem>> -> memref<8x2048xf32, #tpu.memory_space<vmem>>
      %swap3A_708 = arith.constant 0 : i32
      %swap3A_709 = tpu.memref_slice %swap3A_707[%scan3A_269, %swap3A_708] : memref<8x2048xf32, #tpu.memory_space<vmem>> -> memref<1x2048xf32, #tpu.memory_space<vmem>>
      %swap3A_710 = tpu.memref_squeeze %swap3A_709 : memref<1x2048xf32, #tpu.memory_space<vmem>> -> memref<2048xf32, #tpu.memory_space<vmem>>
      %swap3A_711 = arith.index_cast %mul3A_582 : i32 to index
      %swap3A_712 = tpu.vector_load %swap3A_710[%swap3A_711] {strides = array<i32>} : memref<2048xf32, #tpu.memory_space<vmem>>, vector<16xf32>,
      tpu.vector_store %swap3A_710[%swap3A_711], %gather3A_642 {strides = array<i32>} : memref<2048xf32, #tpu.memory_space<vmem>>, vector<16xf32>,
      %swap3A_713 = arith.constant 0 : i32
      %swap3A_714 = arith.constant 0 : i32
      %swap3A_715 = tpu.memref_slice %arg9[%scan3A_270, %swap3A_713, %swap3A_714] : memref<2x8x2048xf32, #tpu.memory_space<vmem>> -> memref<1x8x2048xf32, #tpu.memory_space<vmem>>
      %swap3A_716 = tpu.memref_squeeze %swap3A_715 : memref<1x8x2048xf32, #tpu.memory_space<vmem>> -> memref<8x2048xf32, #tpu.memory_space<vmem>>
      %swap3A_717 = arith.constant 0 : i32
      %swap3A_718 = tpu.memref_slice %swap3A_716[%scan3A_271, %swap3A_717] : memref<8x2048xf32, #tpu.memory_space<vmem>> -> memref<1x2048xf32, #tpu.memory_space<vmem>>
      %swap3A_719 = tpu.memref_squeeze %swap3A_718 : memref<1x2048xf32, #tpu.memory_space<vmem>> -> memref<2048xf32, #tpu.memory_space<vmem>>
      %swap3A_720 = arith.index_cast %mul3A_582 : i32 to index
      %swap3A_721 = tpu.vector_load %swap3A_719[%swap3A_720] {strides = array<i32>} : memref<2048xf32, #tpu.memory_space<vmem>>, vector<16xf32>,
      tpu.vector_store %swap3A_719[%swap3A_720], %gather3A_650 {strides = array<i32>} : memref<2048xf32, #tpu.memory_space<vmem>>, vector<16xf32>,
    }
    %scan3A_276 = arith.constant 128 : i32
    %dma_start3A_277 = arith.constant 1 : i32
    %dma_start3A_278 = arith.constant 0 : i32
    %dma_start3A_279 = arith.constant 0 : i32
    %dma_start3A_280 = tpu.memref_slice %arg9[%dma_start3A_277, %dma_start3A_278, %dma_start3A_279] : memref<2x8x2048xf32, #tpu.memory_space<vmem>> -> memref<1x8x2048xf32, #tpu.memory_space<vmem>>
    %dma_start3A_281 = tpu.memref_squeeze %dma_start3A_280 : memref<1x8x2048xf32, #tpu.memory_space<vmem>> -> memref<8x2048xf32, #tpu.memory_space<vmem>>
    %dma_start3A_282 = arith.constant 0 : i32
    %dma_start3A_283 = tpu.memref_slice %arg4[%add3A_220, %dma_start3A_282] : memref<2048x2048xf32, #tpu.memory_space<hbm>> -> memref<8x2048xf32, #tpu.memory_space<hbm>>
    %dma_start3A_284 = arith.constant 0 : i32
    %dma_start3A_285 = tpu.memref_slice %arg4[%add3A_220, %dma_start3A_284] : memref<2048x2048xf32, #tpu.memory_space<hbm>> -> memref<8x2048xf32, #tpu.memory_space<hbm>>
    %dma_start3A_286 = arith.constant 0 : i32
    %dma_start3A_287 = arith.constant 0 : i32
    %dma_start3A_288 = tpu.memref_slice %arg9[%dma_start3A_277, %dma_start3A_286, %dma_start3A_287] : memref<2x8x2048xf32, #tpu.memory_space<vmem>> -> memref<1x8x2048xf32, #tpu.memory_space<vmem>>
    %dma_start3A_289 = tpu.memref_squeeze %dma_start3A_288 : memref<1x8x2048xf32, #tpu.memory_space<vmem>> -> memref<8x2048xf32, #tpu.memory_space<vmem>>
    tpu.enqueue_dma source(%dma_start3A_289 : memref<8x2048xf32, #tpu.memory_space<vmem>>) target(%dma_start3A_285 : memref<8x2048xf32, #tpu.memory_space<hbm>>) target_semaphore(%arg14 : memref<!tpu.dma_semaphore, #tpu.memory_space<semaphore_mem>>)
    %add3A_290 = arith.constant 32 : i32
    %add3A_291 = arith.addi %mul3A_2, %add3A_290 : i32
    %dma_wait3A_292 = arith.constant 1 : i32
    %dma_wait3A_293 = arith.constant 0 : i32
    %dma_wait3A_294 = arith.constant 0 : i32
    %dma_wait3A_295 = tpu.memref_slice %arg8[%dma_wait3A_292, %dma_wait3A_293, %dma_wait3A_294] : memref<3x128x128xf32, #tpu.memory_space<vmem>> -> memref<1x128x128xf32, #tpu.memory_space<vmem>>
    %dma_wait3A_296 = tpu.memref_squeeze %dma_wait3A_295 : memref<1x128x128xf32, #tpu.memory_space<vmem>> -> memref<128x128xf32, #tpu.memory_space<vmem>>
    %dma_wait3A_297 = arith.constant 512 : i32
    %dma_wait3A_298 = tpu.memref_slice %arg7[%dma_wait3A_297] : memref<1024xi32, #tpu.memory_space<vmem>> -> memref<128xi32, #tpu.memory_space<vmem>>
    %dma_wait3A_299 = arith.constant 0 : i32
    %dma_wait3A_300 = arith.constant 0 : i32
    %dma_wait3A_301 = tpu.memref_slice %arg2[%dma_wait3A_299, %dma_wait3A_300] : memref<32768x128xf32, #tpu.memory_space<hbm>> -> memref<32768x128xf32, #tpu.memory_space<hbm>>
    tpu.wait_indirect_dma semaphore(%arg11 : memref<!tpu.dma_semaphore, #tpu.memory_space<semaphore_mem>>) src(%dma_wait3A_301 : memref<32768x128xf32, #tpu.memory_space<hbm>>) dst(%dma_wait3A_296 : memref<128x128xf32, #tpu.memory_space<vmem>>)
    %dma_start3A_302 = arith.constant 0 : i32
    %dma_start3A_303 = arith.constant 0 : i32
    %dma_start3A_304 = arith.constant 0 : i32
    %dma_start3A_305 = tpu.memref_slice %arg8[%dma_start3A_302, %dma_start3A_303, %dma_start3A_304] : memref<3x128x128xf32, #tpu.memory_space<vmem>> -> memref<1x128x128xf32, #tpu.memory_space<vmem>>
    %dma_start3A_306 = tpu.memref_squeeze %dma_start3A_305 : memref<1x128x128xf32, #tpu.memory_space<vmem>> -> memref<128x128xf32, #tpu.memory_space<vmem>>
    %dma_start3A_307 = arith.constant 768 : i32
    %dma_start3A_308 = tpu.memref_slice %arg7[%dma_start3A_307] : memref<1024xi32, #tpu.memory_space<vmem>> -> memref<128xi32, #tpu.memory_space<vmem>>
    %dma_start3A_309 = arith.constant 0 : i32
    %dma_start3A_310 = arith.constant 0 : i32
    %dma_start3A_311 = tpu.memref_slice %arg2[%dma_start3A_309, %dma_start3A_310] : memref<32768x128xf32, #tpu.memory_space<hbm>> -> memref<32768x128xf32, #tpu.memory_space<hbm>>
    tpu.enqueue_indirect_dma source(%dma_start3A_311 : memref<32768x128xf32, #tpu.memory_space<hbm>>) target(%dma_start3A_306 : memref<128x128xf32, #tpu.memory_space<vmem>>) offsets(%dma_start3A_308 : memref<128xi32, #tpu.memory_space<vmem>>) semaphore(%arg10 : memref<!tpu.dma_semaphore, #tpu.memory_space<semaphore_mem>>)
    %dma_wait3A_312 = arith.constant 0 : i32
    %dma_wait3A_313 = arith.constant 0 : i32
    %dma_wait3A_314 = arith.constant 0 : i32
    %dma_wait3A_315 = tpu.memref_slice %arg9[%dma_wait3A_312, %dma_wait3A_313, %dma_wait3A_314] : memref<2x8x2048xf32, #tpu.memory_space<vmem>> -> memref<1x8x2048xf32, #tpu.memory_space<vmem>>
    %dma_wait3A_316 = tpu.memref_squeeze %dma_wait3A_315 : memref<1x8x2048xf32, #tpu.memory_space<vmem>> -> memref<8x2048xf32, #tpu.memory_space<vmem>>
    %dma_wait3A_317 = arith.constant 0 : i32
    %dma_wait3A_318 = tpu.memref_slice %arg4[%add3A_149, %dma_wait3A_317] : memref<2048x2048xf32, #tpu.memory_space<hbm>> -> memref<8x2048xf32, #tpu.memory_space<hbm>>
    %dma_wait3A_319 = arith.constant 0 : i32
    %dma_wait3A_320 = tpu.memref_slice %arg4[%add3A_149, %dma_wait3A_319] : memref<2048x2048xf32, #tpu.memory_space<hbm>> -> memref<8x2048xf32, #tpu.memory_space<hbm>>
    %dma_wait3A_321 = arith.constant 0 : i32
    %dma_wait3A_322 = arith.constant 0 : i32
    %dma_wait3A_323 = tpu.memref_slice %arg9[%dma_wait3A_312, %dma_wait3A_321, %dma_wait3A_322] : memref<2x8x2048xf32, #tpu.memory_space<vmem>> -> memref<1x8x2048xf32, #tpu.memory_space<vmem>>
    %dma_wait3A_324 = tpu.memref_squeeze %dma_wait3A_323 : memref<1x8x2048xf32, #tpu.memory_space<vmem>> -> memref<8x2048xf32, #tpu.memory_space<vmem>>
    tpu.wait_dma2 semaphore(%arg13 : memref<!tpu.dma_semaphore, #tpu.memory_space<semaphore_mem>>) src(%dma_wait3A_324 : memref<8x2048xf32, #tpu.memory_space<vmem>>) dst(%dma_wait3A_320 : memref<8x2048xf32, #tpu.memory_space<hbm>>)
    %scan3A_325 = arith.constant 0 : i32
    %scan3A_326 = arith.constant 1 : i32
    %scan3A_327 = arith.constant 0 : i32
    %scan3A_328 = arith.constant 0 : i32
    %scan3A_329 = arith.constant 0 : i32
    %scan3A_330 = arith.constant 1 : i32
    %scan3A_331 = arith.constant 0 : i32
    %scan3A_332 = arith.constant 2 : i32
    %scan3A_333 = arith.constant 0 : i32
    %scan3A_334 = arith.constant 3 : i32
    %scan3A_335 = arith.constant 0 : i32
    %scan3A_336 = arith.constant 4 : i32
    %scan3A_337 = arith.constant 0 : i32
    %scan3A_338 = arith.constant 5 : i32
    %scan3A_339 = arith.constant 0 : i32
    %scan3A_340 = arith.constant 6 : i32
    %scan3A_341 = arith.constant 0 : i32
    %scan3A_342 = arith.constant 7 : i32
    %scan3A_343 = arith.constant 0 : i32
    %scan3A_344 = arith.constant 128 : i32
    %scan3A_345 = arith.addi %scan3A_343, %scan3A_344 : i32
    %scan3A_346 = arith.constant 1 : i32
    scf.for %scan3A_580 = %scan3A_343 to %scan3A_345 step %scan3A_346  : i32 {
      %mul3A_581 = arith.constant 16 : i32
      %mul3A_582 = arith.muli %scan3A_580, %mul3A_581 : i32
      %get3A = arith.index_cast %mul3A_582 : i32 to index
      %get3A_583 = tpu.vector_load %arg6[%get3A] {strides = array<i32>} : memref<2048xi32, #tpu.memory_space<vmem>>, vector<16xi32>,
      %shift_right_logical3A = arith.constant 7 : i32
      %shift_right_logical3A_584 = vector.broadcast %shift_right_logical3A : i32 to vector<16xi32>
      %shift_right_logical3A_585 = arith.shrui %get3A_583, %shift_right_logical3A_584 : vector<16xi32>
      %and3A = arith.constant 127 : i32
      %and3A_586 = vector.broadcast %and3A : i32 to vector<16xi32>
      %and3A_587 = arith.andi %get3A_583, %and3A_586 : vector<16xi32>
      %add3A_588 = arith.constant 0 : i32
      %add3A_589 = vector.broadcast %add3A_588 : i32 to vector<16xi32>
      %add3A_590 = arith.addi %shift_right_logical3A_585, %add3A_589 : vector<16xi32>
      %gather3A = arith.constant 0 : i32
      %gather3A_591 = arith.constant 0 : i32
      %gather3A_592 = tpu.memref_slice %arg8[%scan3A_326, %gather3A, %gather3A_591] : memref<3x128x128xf32, #tpu.memory_space<vmem>> -> memref<1x128x128xf32, #tpu.memory_space<vmem>>
      %gather3A_593 = tpu.memref_squeeze %gather3A_592 : memref<1x128x128xf32, #tpu.memory_space<vmem>> -> memref<128x128xf32, #tpu.memory_space<vmem>>
      %gather3A_594 = tpu.vector_load_idx %gather3A_593[%add3A_590, %and3A_587] : memref<128x128xf32, #tpu.memory_space<vmem>>[vector<16xi32>, vector<16xi32>], vector<16xf32>,
      %add3A_595 = arith.constant 16 : i32
      %add3A_596 = vector.broadcast %add3A_595 : i32 to vector<16xi32>
      %add3A_597 = arith.addi %shift_right_logical3A_585, %add3A_596 : vector<16xi32>
      %gather3A_598 = arith.constant 0 : i32
      %gather3A_599 = arith.constant 0 : i32
      %gather3A_600 = tpu.memref_slice %arg8[%scan3A_326, %gather3A_598, %gather3A_599] : memref<3x128x128xf32, #tpu.memory_space<vmem>> -> memref<1x128x128xf32, #tpu.memory_space<vmem>>
      %gather3A_601 = tpu.memref_squeeze %gather3A_600 : memref<1x128x128xf32, #tpu.memory_space<vmem>> -> memref<128x128xf32, #tpu.memory_space<vmem>>
      %gather3A_602 = tpu.vector_load_idx %gather3A_601[%add3A_597, %and3A_587] : memref<128x128xf32, #tpu.memory_space<vmem>>[vector<16xi32>, vector<16xi32>], vector<16xf32>,
      %add3A_603 = arith.constant 32 : i32
      %add3A_604 = vector.broadcast %add3A_603 : i32 to vector<16xi32>
      %add3A_605 = arith.addi %shift_right_logical3A_585, %add3A_604 : vector<16xi32>
      %gather3A_606 = arith.constant 0 : i32
      %gather3A_607 = arith.constant 0 : i32
      %gather3A_608 = tpu.memref_slice %arg8[%scan3A_326, %gather3A_606, %gather3A_607] : memref<3x128x128xf32, #tpu.memory_space<vmem>> -> memref<1x128x128xf32, #tpu.memory_space<vmem>>
      %gather3A_609 = tpu.memref_squeeze %gather3A_608 : memref<1x128x128xf32, #tpu.memory_space<vmem>> -> memref<128x128xf32, #tpu.memory_space<vmem>>
      %gather3A_610 = tpu.vector_load_idx %gather3A_609[%add3A_605, %and3A_587] : memref<128x128xf32, #tpu.memory_space<vmem>>[vector<16xi32>, vector<16xi32>], vector<16xf32>,
      %add3A_611 = arith.constant 48 : i32
      %add3A_612 = vector.broadcast %add3A_611 : i32 to vector<16xi32>
      %add3A_613 = arith.addi %shift_right_logical3A_585, %add3A_612 : vector<16xi32>
      %gather3A_614 = arith.constant 0 : i32
      %gather3A_615 = arith.constant 0 : i32
      %gather3A_616 = tpu.memref_slice %arg8[%scan3A_326, %gather3A_614, %gather3A_615] : memref<3x128x128xf32, #tpu.memory_space<vmem>> -> memref<1x128x128xf32, #tpu.memory_space<vmem>>
      %gather3A_617 = tpu.memref_squeeze %gather3A_616 : memref<1x128x128xf32, #tpu.memory_space<vmem>> -> memref<128x128xf32, #tpu.memory_space<vmem>>
      %gather3A_618 = tpu.vector_load_idx %gather3A_617[%add3A_613, %and3A_587] : memref<128x128xf32, #tpu.memory_space<vmem>>[vector<16xi32>, vector<16xi32>], vector<16xf32>,
      %add3A_619 = arith.constant 64 : i32
      %add3A_620 = vector.broadcast %add3A_619 : i32 to vector<16xi32>
      %add3A_621 = arith.addi %shift_right_logical3A_585, %add3A_620 : vector<16xi32>
      %gather3A_622 = arith.constant 0 : i32
      %gather3A_623 = arith.constant 0 : i32
      %gather3A_624 = tpu.memref_slice %arg8[%scan3A_326, %gather3A_622, %gather3A_623] : memref<3x128x128xf32, #tpu.memory_space<vmem>> -> memref<1x128x128xf32, #tpu.memory_space<vmem>>
      %gather3A_625 = tpu.memref_squeeze %gather3A_624 : memref<1x128x128xf32, #tpu.memory_space<vmem>> -> memref<128x128xf32, #tpu.memory_space<vmem>>
      %gather3A_626 = tpu.vector_load_idx %gather3A_625[%add3A_621, %and3A_587] : memref<128x128xf32, #tpu.memory_space<vmem>>[vector<16xi32>, vector<16xi32>], vector<16xf32>,
      %add3A_627 = arith.constant 80 : i32
      %add3A_628 = vector.broadcast %add3A_627 : i32 to vector<16xi32>
      %add3A_629 = arith.addi %shift_right_logical3A_585, %add3A_628 : vector<16xi32>
      %gather3A_630 = arith.constant 0 : i32
      %gather3A_631 = arith.constant 0 : i32
      %gather3A_632 = tpu.memref_slice %arg8[%scan3A_326, %gather3A_630, %gather3A_631] : memref<3x128x128xf32, #tpu.memory_space<vmem>> -> memref<1x128x128xf32, #tpu.memory_space<vmem>>
      %gather3A_633 = tpu.memref_squeeze %gather3A_632 : memref<1x128x128xf32, #tpu.memory_space<vmem>> -> memref<128x128xf32, #tpu.memory_space<vmem>>
      %gather3A_634 = tpu.vector_load_idx %gather3A_633[%add3A_629, %and3A_587] : memref<128x128xf32, #tpu.memory_space<vmem>>[vector<16xi32>, vector<16xi32>], vector<16xf32>,
      %add3A_635 = arith.constant 96 : i32
      %add3A_636 = vector.broadcast %add3A_635 : i32 to vector<16xi32>
      %add3A_637 = arith.addi %shift_right_logical3A_585, %add3A_636 : vector<16xi32>
      %gather3A_638 = arith.constant 0 : i32
      %gather3A_639 = arith.constant 0 : i32
      %gather3A_640 = tpu.memref_slice %arg8[%scan3A_326, %gather3A_638, %gather3A_639] : memref<3x128x128xf32, #tpu.memory_space<vmem>> -> memref<1x128x128xf32, #tpu.memory_space<vmem>>
      %gather3A_641 = tpu.memref_squeeze %gather3A_640 : memref<1x128x128xf32, #tpu.memory_space<vmem>> -> memref<128x128xf32, #tpu.memory_space<vmem>>
      %gather3A_642 = tpu.vector_load_idx %gather3A_641[%add3A_637, %and3A_587] : memref<128x128xf32, #tpu.memory_space<vmem>>[vector<16xi32>, vector<16xi32>], vector<16xf32>,
      %add3A_643 = arith.constant 112 : i32
      %add3A_644 = vector.broadcast %add3A_643 : i32 to vector<16xi32>
      %add3A_645 = arith.addi %shift_right_logical3A_585, %add3A_644 : vector<16xi32>
      %gather3A_646 = arith.constant 0 : i32
      %gather3A_647 = arith.constant 0 : i32
      %gather3A_648 = tpu.memref_slice %arg8[%scan3A_326, %gather3A_646, %gather3A_647] : memref<3x128x128xf32, #tpu.memory_space<vmem>> -> memref<1x128x128xf32, #tpu.memory_space<vmem>>
      %gather3A_649 = tpu.memref_squeeze %gather3A_648 : memref<1x128x128xf32, #tpu.memory_space<vmem>> -> memref<128x128xf32, #tpu.memory_space<vmem>>
      %gather3A_650 = tpu.vector_load_idx %gather3A_649[%add3A_645, %and3A_587] : memref<128x128xf32, #tpu.memory_space<vmem>>[vector<16xi32>, vector<16xi32>], vector<16xf32>,
      %swap3A = arith.constant 0 : i32
      %swap3A_651 = arith.constant 0 : i32
      %swap3A_652 = tpu.memref_slice %arg9[%scan3A_327, %swap3A, %swap3A_651] : memref<2x8x2048xf32, #tpu.memory_space<vmem>> -> memref<1x8x2048xf32, #tpu.memory_space<vmem>>
      %swap3A_653 = tpu.memref_squeeze %swap3A_652 : memref<1x8x2048xf32, #tpu.memory_space<vmem>> -> memref<8x2048xf32, #tpu.memory_space<vmem>>
      %swap3A_654 = arith.constant 0 : i32
      %swap3A_655 = tpu.memref_slice %swap3A_653[%scan3A_328, %swap3A_654] : memref<8x2048xf32, #tpu.memory_space<vmem>> -> memref<1x2048xf32, #tpu.memory_space<vmem>>
      %swap3A_656 = tpu.memref_squeeze %swap3A_655 : memref<1x2048xf32, #tpu.memory_space<vmem>> -> memref<2048xf32, #tpu.memory_space<vmem>>
      %swap3A_657 = arith.index_cast %mul3A_582 : i32 to index
      %swap3A_658 = tpu.vector_load %swap3A_656[%swap3A_657] {strides = array<i32>} : memref<2048xf32, #tpu.memory_space<vmem>>, vector<16xf32>,
      tpu.vector_store %swap3A_656[%swap3A_657], %gather3A_594 {strides = array<i32>} : memref<2048xf32, #tpu.memory_space<vmem>>, vector<16xf32>,
      %swap3A_659 = arith.constant 0 : i32
      %swap3A_660 = arith.constant 0 : i32
      %swap3A_661 = tpu.memref_slice %arg9[%scan3A_329, %swap3A_659, %swap3A_660] : memref<2x8x2048xf32, #tpu.memory_space<vmem>> -> memref<1x8x2048xf32, #tpu.memory_space<vmem>>
      %swap3A_662 = tpu.memref_squeeze %swap3A_661 : memref<1x8x2048xf32, #tpu.memory_space<vmem>> -> memref<8x2048xf32, #tpu.memory_space<vmem>>
      %swap3A_663 = arith.constant 0 : i32
      %swap3A_664 = tpu.memref_slice %swap3A_662[%scan3A_330, %swap3A_663] : memref<8x2048xf32, #tpu.memory_space<vmem>> -> memref<1x2048xf32, #tpu.memory_space<vmem>>
      %swap3A_665 = tpu.memref_squeeze %swap3A_664 : memref<1x2048xf32, #tpu.memory_space<vmem>> -> memref<2048xf32, #tpu.memory_space<vmem>>
      %swap3A_666 = arith.index_cast %mul3A_582 : i32 to index
      %swap3A_667 = tpu.vector_load %swap3A_665[%swap3A_666] {strides = array<i32>} : memref<2048xf32, #tpu.memory_space<vmem>>, vector<16xf32>,
      tpu.vector_store %swap3A_665[%swap3A_666], %gather3A_602 {strides = array<i32>} : memref<2048xf32, #tpu.memory_space<vmem>>, vector<16xf32>,
      %swap3A_668 = arith.constant 0 : i32
      %swap3A_669 = arith.constant 0 : i32
      %swap3A_670 = tpu.memref_slice %arg9[%scan3A_331, %swap3A_668, %swap3A_669] : memref<2x8x2048xf32, #tpu.memory_space<vmem>> -> memref<1x8x2048xf32, #tpu.memory_space<vmem>>
      %swap3A_671 = tpu.memref_squeeze %swap3A_670 : memref<1x8x2048xf32, #tpu.memory_space<vmem>> -> memref<8x2048xf32, #tpu.memory_space<vmem>>
      %swap3A_672 = arith.constant 0 : i32
      %swap3A_673 = tpu.memref_slice %swap3A_671[%scan3A_332, %swap3A_672] : memref<8x2048xf32, #tpu.memory_space<vmem>> -> memref<1x2048xf32, #tpu.memory_space<vmem>>
      %swap3A_674 = tpu.memref_squeeze %swap3A_673 : memref<1x2048xf32, #tpu.memory_space<vmem>> -> memref<2048xf32, #tpu.memory_space<vmem>>
      %swap3A_675 = arith.index_cast %mul3A_582 : i32 to index
      %swap3A_676 = tpu.vector_load %swap3A_674[%swap3A_675] {strides = array<i32>} : memref<2048xf32, #tpu.memory_space<vmem>>, vector<16xf32>,
      tpu.vector_store %swap3A_674[%swap3A_675], %gather3A_610 {strides = array<i32>} : memref<2048xf32, #tpu.memory_space<vmem>>, vector<16xf32>,
      %swap3A_677 = arith.constant 0 : i32
      %swap3A_678 = arith.constant 0 : i32
      %swap3A_679 = tpu.memref_slice %arg9[%scan3A_333, %swap3A_677, %swap3A_678] : memref<2x8x2048xf32, #tpu.memory_space<vmem>> -> memref<1x8x2048xf32, #tpu.memory_space<vmem>>
      %swap3A_680 = tpu.memref_squeeze %swap3A_679 : memref<1x8x2048xf32, #tpu.memory_space<vmem>> -> memref<8x2048xf32, #tpu.memory_space<vmem>>
      %swap3A_681 = arith.constant 0 : i32
      %swap3A_682 = tpu.memref_slice %swap3A_680[%scan3A_334, %swap3A_681] : memref<8x2048xf32, #tpu.memory_space<vmem>> -> memref<1x2048xf32, #tpu.memory_space<vmem>>
      %swap3A_683 = tpu.memref_squeeze %swap3A_682 : memref<1x2048xf32, #tpu.memory_space<vmem>> -> memref<2048xf32, #tpu.memory_space<vmem>>
      %swap3A_684 = arith.index_cast %mul3A_582 : i32 to index
      %swap3A_685 = tpu.vector_load %swap3A_683[%swap3A_684] {strides = array<i32>} : memref<2048xf32, #tpu.memory_space<vmem>>, vector<16xf32>,
      tpu.vector_store %swap3A_683[%swap3A_684], %gather3A_618 {strides = array<i32>} : memref<2048xf32, #tpu.memory_space<vmem>>, vector<16xf32>,
      %swap3A_686 = arith.constant 0 : i32
      %swap3A_687 = arith.constant 0 : i32
      %swap3A_688 = tpu.memref_slice %arg9[%scan3A_335, %swap3A_686, %swap3A_687] : memref<2x8x2048xf32, #tpu.memory_space<vmem>> -> memref<1x8x2048xf32, #tpu.memory_space<vmem>>
      %swap3A_689 = tpu.memref_squeeze %swap3A_688 : memref<1x8x2048xf32, #tpu.memory_space<vmem>> -> memref<8x2048xf32, #tpu.memory_space<vmem>>
      %swap3A_690 = arith.constant 0 : i32
      %swap3A_691 = tpu.memref_slice %swap3A_689[%scan3A_336, %swap3A_690] : memref<8x2048xf32, #tpu.memory_space<vmem>> -> memref<1x2048xf32, #tpu.memory_space<vmem>>
      %swap3A_692 = tpu.memref_squeeze %swap3A_691 : memref<1x2048xf32, #tpu.memory_space<vmem>> -> memref<2048xf32, #tpu.memory_space<vmem>>
      %swap3A_693 = arith.index_cast %mul3A_582 : i32 to index
      %swap3A_694 = tpu.vector_load %swap3A_692[%swap3A_693] {strides = array<i32>} : memref<2048xf32, #tpu.memory_space<vmem>>, vector<16xf32>,
      tpu.vector_store %swap3A_692[%swap3A_693], %gather3A_626 {strides = array<i32>} : memref<2048xf32, #tpu.memory_space<vmem>>, vector<16xf32>,
      %swap3A_695 = arith.constant 0 : i32
      %swap3A_696 = arith.constant 0 : i32
      %swap3A_697 = tpu.memref_slice %arg9[%scan3A_337, %swap3A_695, %swap3A_696] : memref<2x8x2048xf32, #tpu.memory_space<vmem>> -> memref<1x8x2048xf32, #tpu.memory_space<vmem>>
      %swap3A_698 = tpu.memref_squeeze %swap3A_697 : memref<1x8x2048xf32, #tpu.memory_space<vmem>> -> memref<8x2048xf32, #tpu.memory_space<vmem>>
      %swap3A_699 = arith.constant 0 : i32
      %swap3A_700 = tpu.memref_slice %swap3A_698[%scan3A_338, %swap3A_699] : memref<8x2048xf32, #tpu.memory_space<vmem>> -> memref<1x2048xf32, #tpu.memory_space<vmem>>
      %swap3A_701 = tpu.memref_squeeze %swap3A_700 : memref<1x2048xf32, #tpu.memory_space<vmem>> -> memref<2048xf32, #tpu.memory_space<vmem>>
      %swap3A_702 = arith.index_cast %mul3A_582 : i32 to index
      %swap3A_703 = tpu.vector_load %swap3A_701[%swap3A_702] {strides = array<i32>} : memref<2048xf32, #tpu.memory_space<vmem>>, vector<16xf32>,
      tpu.vector_store %swap3A_701[%swap3A_702], %gather3A_634 {strides = array<i32>} : memref<2048xf32, #tpu.memory_space<vmem>>, vector<16xf32>,
      %swap3A_704 = arith.constant 0 : i32
      %swap3A_705 = arith.constant 0 : i32
      %swap3A_706 = tpu.memref_slice %arg9[%scan3A_339, %swap3A_704, %swap3A_705] : memref<2x8x2048xf32, #tpu.memory_space<vmem>> -> memref<1x8x2048xf32, #tpu.memory_space<vmem>>
      %swap3A_707 = tpu.memref_squeeze %swap3A_706 : memref<1x8x2048xf32, #tpu.memory_space<vmem>> -> memref<8x2048xf32, #tpu.memory_space<vmem>>
      %swap3A_708 = arith.constant 0 : i32
      %swap3A_709 = tpu.memref_slice %swap3A_707[%scan3A_340, %swap3A_708] : memref<8x2048xf32, #tpu.memory_space<vmem>> -> memref<1x2048xf32, #tpu.memory_space<vmem>>
      %swap3A_710 = tpu.memref_squeeze %swap3A_709 : memref<1x2048xf32, #tpu.memory_space<vmem>> -> memref<2048xf32, #tpu.memory_space<vmem>>
      %swap3A_711 = arith.index_cast %mul3A_582 : i32 to index
      %swap3A_712 = tpu.vector_load %swap3A_710[%swap3A_711] {strides = array<i32>} : memref<2048xf32, #tpu.memory_space<vmem>>, vector<16xf32>,
      tpu.vector_store %swap3A_710[%swap3A_711], %gather3A_642 {strides = array<i32>} : memref<2048xf32, #tpu.memory_space<vmem>>, vector<16xf32>,
      %swap3A_713 = arith.constant 0 : i32
      %swap3A_714 = arith.constant 0 : i32
      %swap3A_715 = tpu.memref_slice %arg9[%scan3A_341, %swap3A_713, %swap3A_714] : memref<2x8x2048xf32, #tpu.memory_space<vmem>> -> memref<1x8x2048xf32, #tpu.memory_space<vmem>>
      %swap3A_716 = tpu.memref_squeeze %swap3A_715 : memref<1x8x2048xf32, #tpu.memory_space<vmem>> -> memref<8x2048xf32, #tpu.memory_space<vmem>>
      %swap3A_717 = arith.constant 0 : i32
      %swap3A_718 = tpu.memref_slice %swap3A_716[%scan3A_342, %swap3A_717] : memref<8x2048xf32, #tpu.memory_space<vmem>> -> memref<1x2048xf32, #tpu.memory_space<vmem>>
      %swap3A_719 = tpu.memref_squeeze %swap3A_718 : memref<1x2048xf32, #tpu.memory_space<vmem>> -> memref<2048xf32, #tpu.memory_space<vmem>>
      %swap3A_720 = arith.index_cast %mul3A_582 : i32 to index
      %swap3A_721 = tpu.vector_load %swap3A_719[%swap3A_720] {strides = array<i32>} : memref<2048xf32, #tpu.memory_space<vmem>>, vector<16xf32>,
      tpu.vector_store %swap3A_719[%swap3A_720], %gather3A_650 {strides = array<i32>} : memref<2048xf32, #tpu.memory_space<vmem>>, vector<16xf32>,
    }
    %scan3A_347 = arith.constant 128 : i32
    %dma_start3A_348 = arith.constant 0 : i32
    %dma_start3A_349 = arith.constant 0 : i32
    %dma_start3A_350 = arith.constant 0 : i32
    %dma_start3A_351 = tpu.memref_slice %arg9[%dma_start3A_348, %dma_start3A_349, %dma_start3A_350] : memref<2x8x2048xf32, #tpu.memory_space<vmem>> -> memref<1x8x2048xf32, #tpu.memory_space<vmem>>
    %dma_start3A_352 = tpu.memref_squeeze %dma_start3A_351 : memref<1x8x2048xf32, #tpu.memory_space<vmem>> -> memref<8x2048xf32, #tpu.memory_space<vmem>>
    %dma_start3A_353 = arith.constant 0 : i32
    %dma_start3A_354 = tpu.memref_slice %arg4[%add3A_291, %dma_start3A_353] : memref<2048x2048xf32, #tpu.memory_space<hbm>> -> memref<8x2048xf32, #tpu.memory_space<hbm>>
    %dma_start3A_355 = arith.constant 0 : i32
    %dma_start3A_356 = tpu.memref_slice %arg4[%add3A_291, %dma_start3A_355] : memref<2048x2048xf32, #tpu.memory_space<hbm>> -> memref<8x2048xf32, #tpu.memory_space<hbm>>
    %dma_start3A_357 = arith.constant 0 : i32
    %dma_start3A_358 = arith.constant 0 : i32
    %dma_start3A_359 = tpu.memref_slice %arg9[%dma_start3A_348, %dma_start3A_357, %dma_start3A_358] : memref<2x8x2048xf32, #tpu.memory_space<vmem>> -> memref<1x8x2048xf32, #tpu.memory_space<vmem>>
    %dma_start3A_360 = tpu.memref_squeeze %dma_start3A_359 : memref<1x8x2048xf32, #tpu.memory_space<vmem>> -> memref<8x2048xf32, #tpu.memory_space<vmem>>
    tpu.enqueue_dma source(%dma_start3A_360 : memref<8x2048xf32, #tpu.memory_space<vmem>>) target(%dma_start3A_356 : memref<8x2048xf32, #tpu.memory_space<hbm>>) target_semaphore(%arg13 : memref<!tpu.dma_semaphore, #tpu.memory_space<semaphore_mem>>)
    %add3A_361 = arith.constant 40 : i32
    %add3A_362 = arith.addi %mul3A_2, %add3A_361 : i32
    %dma_wait3A_363 = arith.constant 2 : i32
    %dma_wait3A_364 = arith.constant 0 : i32
    %dma_wait3A_365 = arith.constant 0 : i32
    %dma_wait3A_366 = tpu.memref_slice %arg8[%dma_wait3A_363, %dma_wait3A_364, %dma_wait3A_365] : memref<3x128x128xf32, #tpu.memory_space<vmem>> -> memref<1x128x128xf32, #tpu.memory_space<vmem>>
    %dma_wait3A_367 = tpu.memref_squeeze %dma_wait3A_366 : memref<1x128x128xf32, #tpu.memory_space<vmem>> -> memref<128x128xf32, #tpu.memory_space<vmem>>
    %dma_wait3A_368 = arith.constant 640 : i32
    %dma_wait3A_369 = tpu.memref_slice %arg7[%dma_wait3A_368] : memref<1024xi32, #tpu.memory_space<vmem>> -> memref<128xi32, #tpu.memory_space<vmem>>
    %dma_wait3A_370 = arith.constant 0 : i32
    %dma_wait3A_371 = arith.constant 0 : i32
    %dma_wait3A_372 = tpu.memref_slice %arg2[%dma_wait3A_370, %dma_wait3A_371] : memref<32768x128xf32, #tpu.memory_space<hbm>> -> memref<32768x128xf32, #tpu.memory_space<hbm>>
    tpu.wait_indirect_dma semaphore(%arg12 : memref<!tpu.dma_semaphore, #tpu.memory_space<semaphore_mem>>) src(%dma_wait3A_372 : memref<32768x128xf32, #tpu.memory_space<hbm>>) dst(%dma_wait3A_367 : memref<128x128xf32, #tpu.memory_space<vmem>>)
    %dma_start3A_373 = arith.constant 1 : i32
    %dma_start3A_374 = arith.constant 0 : i32
    %dma_start3A_375 = arith.constant 0 : i32
    %dma_start3A_376 = tpu.memref_slice %arg8[%dma_start3A_373, %dma_start3A_374, %dma_start3A_375] : memref<3x128x128xf32, #tpu.memory_space<vmem>> -> memref<1x128x128xf32, #tpu.memory_space<vmem>>
    %dma_start3A_377 = tpu.memref_squeeze %dma_start3A_376 : memref<1x128x128xf32, #tpu.memory_space<vmem>> -> memref<128x128xf32, #tpu.memory_space<vmem>>
    %dma_start3A_378 = arith.constant 896 : i32
    %dma_start3A_379 = tpu.memref_slice %arg7[%dma_start3A_378] : memref<1024xi32, #tpu.memory_space<vmem>> -> memref<128xi32, #tpu.memory_space<vmem>>
    %dma_start3A_380 = arith.constant 0 : i32
    %dma_start3A_381 = arith.constant 0 : i32
    %dma_start3A_382 = tpu.memref_slice %arg2[%dma_start3A_380, %dma_start3A_381] : memref<32768x128xf32, #tpu.memory_space<hbm>> -> memref<32768x128xf32, #tpu.memory_space<hbm>>
    tpu.enqueue_indirect_dma source(%dma_start3A_382 : memref<32768x128xf32, #tpu.memory_space<hbm>>) target(%dma_start3A_377 : memref<128x128xf32, #tpu.memory_space<vmem>>) offsets(%dma_start3A_379 : memref<128xi32, #tpu.memory_space<vmem>>) semaphore(%arg11 : memref<!tpu.dma_semaphore, #tpu.memory_space<semaphore_mem>>)
    %dma_wait3A_383 = arith.constant 1 : i32
    %dma_wait3A_384 = arith.constant 0 : i32
    %dma_wait3A_385 = arith.constant 0 : i32
    %dma_wait3A_386 = tpu.memref_slice %arg9[%dma_wait3A_383, %dma_wait3A_384, %dma_wait3A_385] : memref<2x8x2048xf32, #tpu.memory_space<vmem>> -> memref<1x8x2048xf32, #tpu.memory_space<vmem>>
    %dma_wait3A_387 = tpu.memref_squeeze %dma_wait3A_386 : memref<1x8x2048xf32, #tpu.memory_space<vmem>> -> memref<8x2048xf32, #tpu.memory_space<vmem>>
    %dma_wait3A_388 = arith.constant 0 : i32
    %dma_wait3A_389 = tpu.memref_slice %arg4[%add3A_220, %dma_wait3A_388] : memref<2048x2048xf32, #tpu.memory_space<hbm>> -> memref<8x2048xf32, #tpu.memory_space<hbm>>
    %dma_wait3A_390 = arith.constant 0 : i32
    %dma_wait3A_391 = tpu.memref_slice %arg4[%add3A_220, %dma_wait3A_390] : memref<2048x2048xf32, #tpu.memory_space<hbm>> -> memref<8x2048xf32, #tpu.memory_space<hbm>>
    %dma_wait3A_392 = arith.constant 0 : i32
    %dma_wait3A_393 = arith.constant 0 : i32
    %dma_wait3A_394 = tpu.memref_slice %arg9[%dma_wait3A_383, %dma_wait3A_392, %dma_wait3A_393] : memref<2x8x2048xf32, #tpu.memory_space<vmem>> -> memref<1x8x2048xf32, #tpu.memory_space<vmem>>
    %dma_wait3A_395 = tpu.memref_squeeze %dma_wait3A_394 : memref<1x8x2048xf32, #tpu.memory_space<vmem>> -> memref<8x2048xf32, #tpu.memory_space<vmem>>
    tpu.wait_dma2 semaphore(%arg14 : memref<!tpu.dma_semaphore, #tpu.memory_space<semaphore_mem>>) src(%dma_wait3A_395 : memref<8x2048xf32, #tpu.memory_space<vmem>>) dst(%dma_wait3A_391 : memref<8x2048xf32, #tpu.memory_space<hbm>>)
    %scan3A_396 = arith.constant 0 : i32
    %scan3A_397 = arith.constant 2 : i32
    %scan3A_398 = arith.constant 1 : i32
    %scan3A_399 = arith.constant 0 : i32
    %scan3A_400 = arith.constant 1 : i32
    %scan3A_401 = arith.constant 1 : i32
    %scan3A_402 = arith.constant 1 : i32
    %scan3A_403 = arith.constant 2 : i32
    %scan3A_404 = arith.constant 1 : i32
    %scan3A_405 = arith.constant 3 : i32
    %scan3A_406 = arith.constant 1 : i32
    %scan3A_407 = arith.constant 4 : i32
    %scan3A_408 = arith.constant 1 : i32
    %scan3A_409 = arith.constant 5 : i32
    %scan3A_410 = arith.constant 1 : i32
    %scan3A_411 = arith.constant 6 : i32
    %scan3A_412 = arith.constant 1 : i32
    %scan3A_413 = arith.constant 7 : i32
    %scan3A_414 = arith.constant 0 : i32
    %scan3A_415 = arith.constant 128 : i32
    %scan3A_416 = arith.addi %scan3A_414, %scan3A_415 : i32
    %scan3A_417 = arith.constant 1 : i32
    scf.for %scan3A_580 = %scan3A_414 to %scan3A_416 step %scan3A_417  : i32 {
      %mul3A_581 = arith.constant 16 : i32
      %mul3A_582 = arith.muli %scan3A_580, %mul3A_581 : i32
      %get3A = arith.index_cast %mul3A_582 : i32 to index
      %get3A_583 = tpu.vector_load %arg6[%get3A] {strides = array<i32>} : memref<2048xi32, #tpu.memory_space<vmem>>, vector<16xi32>,
      %shift_right_logical3A = arith.constant 7 : i32
      %shift_right_logical3A_584 = vector.broadcast %shift_right_logical3A : i32 to vector<16xi32>
      %shift_right_logical3A_585 = arith.shrui %get3A_583, %shift_right_logical3A_584 : vector<16xi32>
      %and3A = arith.constant 127 : i32
      %and3A_586 = vector.broadcast %and3A : i32 to vector<16xi32>
      %and3A_587 = arith.andi %get3A_583, %and3A_586 : vector<16xi32>
      %add3A_588 = arith.constant 0 : i32
      %add3A_589 = vector.broadcast %add3A_588 : i32 to vector<16xi32>
      %add3A_590 = arith.addi %shift_right_logical3A_585, %add3A_589 : vector<16xi32>
      %gather3A = arith.constant 0 : i32
      %gather3A_591 = arith.constant 0 : i32
      %gather3A_592 = tpu.memref_slice %arg8[%scan3A_397, %gather3A, %gather3A_591] : memref<3x128x128xf32, #tpu.memory_space<vmem>> -> memref<1x128x128xf32, #tpu.memory_space<vmem>>
      %gather3A_593 = tpu.memref_squeeze %gather3A_592 : memref<1x128x128xf32, #tpu.memory_space<vmem>> -> memref<128x128xf32, #tpu.memory_space<vmem>>
      %gather3A_594 = tpu.vector_load_idx %gather3A_593[%add3A_590, %and3A_587] : memref<128x128xf32, #tpu.memory_space<vmem>>[vector<16xi32>, vector<16xi32>], vector<16xf32>,
      %add3A_595 = arith.constant 16 : i32
      %add3A_596 = vector.broadcast %add3A_595 : i32 to vector<16xi32>
      %add3A_597 = arith.addi %shift_right_logical3A_585, %add3A_596 : vector<16xi32>
      %gather3A_598 = arith.constant 0 : i32
      %gather3A_599 = arith.constant 0 : i32
      %gather3A_600 = tpu.memref_slice %arg8[%scan3A_397, %gather3A_598, %gather3A_599] : memref<3x128x128xf32, #tpu.memory_space<vmem>> -> memref<1x128x128xf32, #tpu.memory_space<vmem>>
      %gather3A_601 = tpu.memref_squeeze %gather3A_600 : memref<1x128x128xf32, #tpu.memory_space<vmem>> -> memref<128x128xf32, #tpu.memory_space<vmem>>
      %gather3A_602 = tpu.vector_load_idx %gather3A_601[%add3A_597, %and3A_587] : memref<128x128xf32, #tpu.memory_space<vmem>>[vector<16xi32>, vector<16xi32>], vector<16xf32>,
      %add3A_603 = arith.constant 32 : i32
      %add3A_604 = vector.broadcast %add3A_603 : i32 to vector<16xi32>
      %add3A_605 = arith.addi %shift_right_logical3A_585, %add3A_604 : vector<16xi32>
      %gather3A_606 = arith.constant 0 : i32
      %gather3A_607 = arith.constant 0 : i32
      %gather3A_608 = tpu.memref_slice %arg8[%scan3A_397, %gather3A_606, %gather3A_607] : memref<3x128x128xf32, #tpu.memory_space<vmem>> -> memref<1x128x128xf32, #tpu.memory_space<vmem>>
      %gather3A_609 = tpu.memref_squeeze %gather3A_608 : memref<1x128x128xf32, #tpu.memory_space<vmem>> -> memref<128x128xf32, #tpu.memory_space<vmem>>
      %gather3A_610 = tpu.vector_load_idx %gather3A_609[%add3A_605, %and3A_587] : memref<128x128xf32, #tpu.memory_space<vmem>>[vector<16xi32>, vector<16xi32>], vector<16xf32>,
      %add3A_611 = arith.constant 48 : i32
      %add3A_612 = vector.broadcast %add3A_611 : i32 to vector<16xi32>
      %add3A_613 = arith.addi %shift_right_logical3A_585, %add3A_612 : vector<16xi32>
      %gather3A_614 = arith.constant 0 : i32
      %gather3A_615 = arith.constant 0 : i32
      %gather3A_616 = tpu.memref_slice %arg8[%scan3A_397, %gather3A_614, %gather3A_615] : memref<3x128x128xf32, #tpu.memory_space<vmem>> -> memref<1x128x128xf32, #tpu.memory_space<vmem>>
      %gather3A_617 = tpu.memref_squeeze %gather3A_616 : memref<1x128x128xf32, #tpu.memory_space<vmem>> -> memref<128x128xf32, #tpu.memory_space<vmem>>
      %gather3A_618 = tpu.vector_load_idx %gather3A_617[%add3A_613, %and3A_587] : memref<128x128xf32, #tpu.memory_space<vmem>>[vector<16xi32>, vector<16xi32>], vector<16xf32>,
      %add3A_619 = arith.constant 64 : i32
      %add3A_620 = vector.broadcast %add3A_619 : i32 to vector<16xi32>
      %add3A_621 = arith.addi %shift_right_logical3A_585, %add3A_620 : vector<16xi32>
      %gather3A_622 = arith.constant 0 : i32
      %gather3A_623 = arith.constant 0 : i32
      %gather3A_624 = tpu.memref_slice %arg8[%scan3A_397, %gather3A_622, %gather3A_623] : memref<3x128x128xf32, #tpu.memory_space<vmem>> -> memref<1x128x128xf32, #tpu.memory_space<vmem>>
      %gather3A_625 = tpu.memref_squeeze %gather3A_624 : memref<1x128x128xf32, #tpu.memory_space<vmem>> -> memref<128x128xf32, #tpu.memory_space<vmem>>
      %gather3A_626 = tpu.vector_load_idx %gather3A_625[%add3A_621, %and3A_587] : memref<128x128xf32, #tpu.memory_space<vmem>>[vector<16xi32>, vector<16xi32>], vector<16xf32>,
      %add3A_627 = arith.constant 80 : i32
      %add3A_628 = vector.broadcast %add3A_627 : i32 to vector<16xi32>
      %add3A_629 = arith.addi %shift_right_logical3A_585, %add3A_628 : vector<16xi32>
      %gather3A_630 = arith.constant 0 : i32
      %gather3A_631 = arith.constant 0 : i32
      %gather3A_632 = tpu.memref_slice %arg8[%scan3A_397, %gather3A_630, %gather3A_631] : memref<3x128x128xf32, #tpu.memory_space<vmem>> -> memref<1x128x128xf32, #tpu.memory_space<vmem>>
      %gather3A_633 = tpu.memref_squeeze %gather3A_632 : memref<1x128x128xf32, #tpu.memory_space<vmem>> -> memref<128x128xf32, #tpu.memory_space<vmem>>
      %gather3A_634 = tpu.vector_load_idx %gather3A_633[%add3A_629, %and3A_587] : memref<128x128xf32, #tpu.memory_space<vmem>>[vector<16xi32>, vector<16xi32>], vector<16xf32>,
      %add3A_635 = arith.constant 96 : i32
      %add3A_636 = vector.broadcast %add3A_635 : i32 to vector<16xi32>
      %add3A_637 = arith.addi %shift_right_logical3A_585, %add3A_636 : vector<16xi32>
      %gather3A_638 = arith.constant 0 : i32
      %gather3A_639 = arith.constant 0 : i32
      %gather3A_640 = tpu.memref_slice %arg8[%scan3A_397, %gather3A_638, %gather3A_639] : memref<3x128x128xf32, #tpu.memory_space<vmem>> -> memref<1x128x128xf32, #tpu.memory_space<vmem>>
      %gather3A_641 = tpu.memref_squeeze %gather3A_640 : memref<1x128x128xf32, #tpu.memory_space<vmem>> -> memref<128x128xf32, #tpu.memory_space<vmem>>
      %gather3A_642 = tpu.vector_load_idx %gather3A_641[%add3A_637, %and3A_587] : memref<128x128xf32, #tpu.memory_space<vmem>>[vector<16xi32>, vector<16xi32>], vector<16xf32>,
      %add3A_643 = arith.constant 112 : i32
      %add3A_644 = vector.broadcast %add3A_643 : i32 to vector<16xi32>
      %add3A_645 = arith.addi %shift_right_logical3A_585, %add3A_644 : vector<16xi32>
      %gather3A_646 = arith.constant 0 : i32
      %gather3A_647 = arith.constant 0 : i32
      %gather3A_648 = tpu.memref_slice %arg8[%scan3A_397, %gather3A_646, %gather3A_647] : memref<3x128x128xf32, #tpu.memory_space<vmem>> -> memref<1x128x128xf32, #tpu.memory_space<vmem>>
      %gather3A_649 = tpu.memref_squeeze %gather3A_648 : memref<1x128x128xf32, #tpu.memory_space<vmem>> -> memref<128x128xf32, #tpu.memory_space<vmem>>
      %gather3A_650 = tpu.vector_load_idx %gather3A_649[%add3A_645, %and3A_587] : memref<128x128xf32, #tpu.memory_space<vmem>>[vector<16xi32>, vector<16xi32>], vector<16xf32>,
      %swap3A = arith.constant 0 : i32
      %swap3A_651 = arith.constant 0 : i32
      %swap3A_652 = tpu.memref_slice %arg9[%scan3A_398, %swap3A, %swap3A_651] : memref<2x8x2048xf32, #tpu.memory_space<vmem>> -> memref<1x8x2048xf32, #tpu.memory_space<vmem>>
      %swap3A_653 = tpu.memref_squeeze %swap3A_652 : memref<1x8x2048xf32, #tpu.memory_space<vmem>> -> memref<8x2048xf32, #tpu.memory_space<vmem>>
      %swap3A_654 = arith.constant 0 : i32
      %swap3A_655 = tpu.memref_slice %swap3A_653[%scan3A_399, %swap3A_654] : memref<8x2048xf32, #tpu.memory_space<vmem>> -> memref<1x2048xf32, #tpu.memory_space<vmem>>
      %swap3A_656 = tpu.memref_squeeze %swap3A_655 : memref<1x2048xf32, #tpu.memory_space<vmem>> -> memref<2048xf32, #tpu.memory_space<vmem>>
      %swap3A_657 = arith.index_cast %mul3A_582 : i32 to index
      %swap3A_658 = tpu.vector_load %swap3A_656[%swap3A_657] {strides = array<i32>} : memref<2048xf32, #tpu.memory_space<vmem>>, vector<16xf32>,
      tpu.vector_store %swap3A_656[%swap3A_657], %gather3A_594 {strides = array<i32>} : memref<2048xf32, #tpu.memory_space<vmem>>, vector<16xf32>,
      %swap3A_659 = arith.constant 0 : i32
      %swap3A_660 = arith.constant 0 : i32
      %swap3A_661 = tpu.memref_slice %arg9[%scan3A_400, %swap3A_659, %swap3A_660] : memref<2x8x2048xf32, #tpu.memory_space<vmem>> -> memref<1x8x2048xf32, #tpu.memory_space<vmem>>
      %swap3A_662 = tpu.memref_squeeze %swap3A_661 : memref<1x8x2048xf32, #tpu.memory_space<vmem>> -> memref<8x2048xf32, #tpu.memory_space<vmem>>
      %swap3A_663 = arith.constant 0 : i32
      %swap3A_664 = tpu.memref_slice %swap3A_662[%scan3A_401, %swap3A_663] : memref<8x2048xf32, #tpu.memory_space<vmem>> -> memref<1x2048xf32, #tpu.memory_space<vmem>>
      %swap3A_665 = tpu.memref_squeeze %swap3A_664 : memref<1x2048xf32, #tpu.memory_space<vmem>> -> memref<2048xf32, #tpu.memory_space<vmem>>
      %swap3A_666 = arith.index_cast %mul3A_582 : i32 to index
      %swap3A_667 = tpu.vector_load %swap3A_665[%swap3A_666] {strides = array<i32>} : memref<2048xf32, #tpu.memory_space<vmem>>, vector<16xf32>,
      tpu.vector_store %swap3A_665[%swap3A_666], %gather3A_602 {strides = array<i32>} : memref<2048xf32, #tpu.memory_space<vmem>>, vector<16xf32>,
      %swap3A_668 = arith.constant 0 : i32
      %swap3A_669 = arith.constant 0 : i32
      %swap3A_670 = tpu.memref_slice %arg9[%scan3A_402, %swap3A_668, %swap3A_669] : memref<2x8x2048xf32, #tpu.memory_space<vmem>> -> memref<1x8x2048xf32, #tpu.memory_space<vmem>>
      %swap3A_671 = tpu.memref_squeeze %swap3A_670 : memref<1x8x2048xf32, #tpu.memory_space<vmem>> -> memref<8x2048xf32, #tpu.memory_space<vmem>>
      %swap3A_672 = arith.constant 0 : i32
      %swap3A_673 = tpu.memref_slice %swap3A_671[%scan3A_403, %swap3A_672] : memref<8x2048xf32, #tpu.memory_space<vmem>> -> memref<1x2048xf32, #tpu.memory_space<vmem>>
      %swap3A_674 = tpu.memref_squeeze %swap3A_673 : memref<1x2048xf32, #tpu.memory_space<vmem>> -> memref<2048xf32, #tpu.memory_space<vmem>>
      %swap3A_675 = arith.index_cast %mul3A_582 : i32 to index
      %swap3A_676 = tpu.vector_load %swap3A_674[%swap3A_675] {strides = array<i32>} : memref<2048xf32, #tpu.memory_space<vmem>>, vector<16xf32>,
      tpu.vector_store %swap3A_674[%swap3A_675], %gather3A_610 {strides = array<i32>} : memref<2048xf32, #tpu.memory_space<vmem>>, vector<16xf32>,
      %swap3A_677 = arith.constant 0 : i32
      %swap3A_678 = arith.constant 0 : i32
      %swap3A_679 = tpu.memref_slice %arg9[%scan3A_404, %swap3A_677, %swap3A_678] : memref<2x8x2048xf32, #tpu.memory_space<vmem>> -> memref<1x8x2048xf32, #tpu.memory_space<vmem>>
      %swap3A_680 = tpu.memref_squeeze %swap3A_679 : memref<1x8x2048xf32, #tpu.memory_space<vmem>> -> memref<8x2048xf32, #tpu.memory_space<vmem>>
      %swap3A_681 = arith.constant 0 : i32
      %swap3A_682 = tpu.memref_slice %swap3A_680[%scan3A_405, %swap3A_681] : memref<8x2048xf32, #tpu.memory_space<vmem>> -> memref<1x2048xf32, #tpu.memory_space<vmem>>
      %swap3A_683 = tpu.memref_squeeze %swap3A_682 : memref<1x2048xf32, #tpu.memory_space<vmem>> -> memref<2048xf32, #tpu.memory_space<vmem>>
      %swap3A_684 = arith.index_cast %mul3A_582 : i32 to index
      %swap3A_685 = tpu.vector_load %swap3A_683[%swap3A_684] {strides = array<i32>} : memref<2048xf32, #tpu.memory_space<vmem>>, vector<16xf32>,
      tpu.vector_store %swap3A_683[%swap3A_684], %gather3A_618 {strides = array<i32>} : memref<2048xf32, #tpu.memory_space<vmem>>, vector<16xf32>,
      %swap3A_686 = arith.constant 0 : i32
      %swap3A_687 = arith.constant 0 : i32
      %swap3A_688 = tpu.memref_slice %arg9[%scan3A_406, %swap3A_686, %swap3A_687] : memref<2x8x2048xf32, #tpu.memory_space<vmem>> -> memref<1x8x2048xf32, #tpu.memory_space<vmem>>
      %swap3A_689 = tpu.memref_squeeze %swap3A_688 : memref<1x8x2048xf32, #tpu.memory_space<vmem>> -> memref<8x2048xf32, #tpu.memory_space<vmem>>
      %swap3A_690 = arith.constant 0 : i32
      %swap3A_691 = tpu.memref_slice %swap3A_689[%scan3A_407, %swap3A_690] : memref<8x2048xf32, #tpu.memory_space<vmem>> -> memref<1x2048xf32, #tpu.memory_space<vmem>>
      %swap3A_692 = tpu.memref_squeeze %swap3A_691 : memref<1x2048xf32, #tpu.memory_space<vmem>> -> memref<2048xf32, #tpu.memory_space<vmem>>
      %swap3A_693 = arith.index_cast %mul3A_582 : i32 to index
      %swap3A_694 = tpu.vector_load %swap3A_692[%swap3A_693] {strides = array<i32>} : memref<2048xf32, #tpu.memory_space<vmem>>, vector<16xf32>,
      tpu.vector_store %swap3A_692[%swap3A_693], %gather3A_626 {strides = array<i32>} : memref<2048xf32, #tpu.memory_space<vmem>>, vector<16xf32>,
      %swap3A_695 = arith.constant 0 : i32
      %swap3A_696 = arith.constant 0 : i32
      %swap3A_697 = tpu.memref_slice %arg9[%scan3A_408, %swap3A_695, %swap3A_696] : memref<2x8x2048xf32, #tpu.memory_space<vmem>> -> memref<1x8x2048xf32, #tpu.memory_space<vmem>>
      %swap3A_698 = tpu.memref_squeeze %swap3A_697 : memref<1x8x2048xf32, #tpu.memory_space<vmem>> -> memref<8x2048xf32, #tpu.memory_space<vmem>>
      %swap3A_699 = arith.constant 0 : i32
      %swap3A_700 = tpu.memref_slice %swap3A_698[%scan3A_409, %swap3A_699] : memref<8x2048xf32, #tpu.memory_space<vmem>> -> memref<1x2048xf32, #tpu.memory_space<vmem>>
      %swap3A_701 = tpu.memref_squeeze %swap3A_700 : memref<1x2048xf32, #tpu.memory_space<vmem>> -> memref<2048xf32, #tpu.memory_space<vmem>>
      %swap3A_702 = arith.index_cast %mul3A_582 : i32 to index
      %swap3A_703 = tpu.vector_load %swap3A_701[%swap3A_702] {strides = array<i32>} : memref<2048xf32, #tpu.memory_space<vmem>>, vector<16xf32>,
      tpu.vector_store %swap3A_701[%swap3A_702], %gather3A_634 {strides = array<i32>} : memref<2048xf32, #tpu.memory_space<vmem>>, vector<16xf32>,
      %swap3A_704 = arith.constant 0 : i32
      %swap3A_705 = arith.constant 0 : i32
      %swap3A_706 = tpu.memref_slice %arg9[%scan3A_410, %swap3A_704, %swap3A_705] : memref<2x8x2048xf32, #tpu.memory_space<vmem>> -> memref<1x8x2048xf32, #tpu.memory_space<vmem>>
      %swap3A_707 = tpu.memref_squeeze %swap3A_706 : memref<1x8x2048xf32, #tpu.memory_space<vmem>> -> memref<8x2048xf32, #tpu.memory_space<vmem>>
      %swap3A_708 = arith.constant 0 : i32
      %swap3A_709 = tpu.memref_slice %swap3A_707[%scan3A_411, %swap3A_708] : memref<8x2048xf32, #tpu.memory_space<vmem>> -> memref<1x2048xf32, #tpu.memory_space<vmem>>
      %swap3A_710 = tpu.memref_squeeze %swap3A_709 : memref<1x2048xf32, #tpu.memory_space<vmem>> -> memref<2048xf32, #tpu.memory_space<vmem>>
      %swap3A_711 = arith.index_cast %mul3A_582 : i32 to index
      %swap3A_712 = tpu.vector_load %swap3A_710[%swap3A_711] {strides = array<i32>} : memref<2048xf32, #tpu.memory_space<vmem>>, vector<16xf32>,
      tpu.vector_store %swap3A_710[%swap3A_711], %gather3A_642 {strides = array<i32>} : memref<2048xf32, #tpu.memory_space<vmem>>, vector<16xf32>,
      %swap3A_713 = arith.constant 0 : i32
      %swap3A_714 = arith.constant 0 : i32
      %swap3A_715 = tpu.memref_slice %arg9[%scan3A_412, %swap3A_713, %swap3A_714] : memref<2x8x2048xf32, #tpu.memory_space<vmem>> -> memref<1x8x2048xf32, #tpu.memory_space<vmem>>
      %swap3A_716 = tpu.memref_squeeze %swap3A_715 : memref<1x8x2048xf32, #tpu.memory_space<vmem>> -> memref<8x2048xf32, #tpu.memory_space<vmem>>
      %swap3A_717 = arith.constant 0 : i32
      %swap3A_718 = tpu.memref_slice %swap3A_716[%scan3A_413, %swap3A_717] : memref<8x2048xf32, #tpu.memory_space<vmem>> -> memref<1x2048xf32, #tpu.memory_space<vmem>>
      %swap3A_719 = tpu.memref_squeeze %swap3A_718 : memref<1x2048xf32, #tpu.memory_space<vmem>> -> memref<2048xf32, #tpu.memory_space<vmem>>
      %swap3A_720 = arith.index_cast %mul3A_582 : i32 to index
      %swap3A_721 = tpu.vector_load %swap3A_719[%swap3A_720] {strides = array<i32>} : memref<2048xf32, #tpu.memory_space<vmem>>, vector<16xf32>,
      tpu.vector_store %swap3A_719[%swap3A_720], %gather3A_650 {strides = array<i32>} : memref<2048xf32, #tpu.memory_space<vmem>>, vector<16xf32>,
    }
    %scan3A_418 = arith.constant 128 : i32
    %dma_start3A_419 = arith.constant 1 : i32
    %dma_start3A_420 = arith.constant 0 : i32
    %dma_start3A_421 = arith.constant 0 : i32
    %dma_start3A_422 = tpu.memref_slice %arg9[%dma_start3A_419, %dma_start3A_420, %dma_start3A_421] : memref<2x8x2048xf32, #tpu.memory_space<vmem>> -> memref<1x8x2048xf32, #tpu.memory_space<vmem>>
    %dma_start3A_423 = tpu.memref_squeeze %dma_start3A_422 : memref<1x8x2048xf32, #tpu.memory_space<vmem>> -> memref<8x2048xf32, #tpu.memory_space<vmem>>
    %dma_start3A_424 = arith.constant 0 : i32
    %dma_start3A_425 = tpu.memref_slice %arg4[%add3A_362, %dma_start3A_424] : memref<2048x2048xf32, #tpu.memory_space<hbm>> -> memref<8x2048xf32, #tpu.memory_space<hbm>>
    %dma_start3A_426 = arith.constant 0 : i32
    %dma_start3A_427 = tpu.memref_slice %arg4[%add3A_362, %dma_start3A_426] : memref<2048x2048xf32, #tpu.memory_space<hbm>> -> memref<8x2048xf32, #tpu.memory_space<hbm>>
    %dma_start3A_428 = arith.constant 0 : i32
    %dma_start3A_429 = arith.constant 0 : i32
    %dma_start3A_430 = tpu.memref_slice %arg9[%dma_start3A_419, %dma_start3A_428, %dma_start3A_429] : memref<2x8x2048xf32, #tpu.memory_space<vmem>> -> memref<1x8x2048xf32, #tpu.memory_space<vmem>>
    %dma_start3A_431 = tpu.memref_squeeze %dma_start3A_430 : memref<1x8x2048xf32, #tpu.memory_space<vmem>> -> memref<8x2048xf32, #tpu.memory_space<vmem>>
    tpu.enqueue_dma source(%dma_start3A_431 : memref<8x2048xf32, #tpu.memory_space<vmem>>) target(%dma_start3A_427 : memref<8x2048xf32, #tpu.memory_space<hbm>>) target_semaphore(%arg14 : memref<!tpu.dma_semaphore, #tpu.memory_space<semaphore_mem>>)
    %add3A_432 = arith.constant 48 : i32
    %add3A_433 = arith.addi %mul3A_2, %add3A_432 : i32
    %dma_wait3A_434 = arith.constant 0 : i32
    %dma_wait3A_435 = arith.constant 0 : i32
    %dma_wait3A_436 = arith.constant 0 : i32
    %dma_wait3A_437 = tpu.memref_slice %arg8[%dma_wait3A_434, %dma_wait3A_435, %dma_wait3A_436] : memref<3x128x128xf32, #tpu.memory_space<vmem>> -> memref<1x128x128xf32, #tpu.memory_space<vmem>>
    %dma_wait3A_438 = tpu.memref_squeeze %dma_wait3A_437 : memref<1x128x128xf32, #tpu.memory_space<vmem>> -> memref<128x128xf32, #tpu.memory_space<vmem>>
    %dma_wait3A_439 = arith.constant 768 : i32
    %dma_wait3A_440 = tpu.memref_slice %arg7[%dma_wait3A_439] : memref<1024xi32, #tpu.memory_space<vmem>> -> memref<128xi32, #tpu.memory_space<vmem>>
    %dma_wait3A_441 = arith.constant 0 : i32
    %dma_wait3A_442 = arith.constant 0 : i32
    %dma_wait3A_443 = tpu.memref_slice %arg2[%dma_wait3A_441, %dma_wait3A_442] : memref<32768x128xf32, #tpu.memory_space<hbm>> -> memref<32768x128xf32, #tpu.memory_space<hbm>>
    tpu.wait_indirect_dma semaphore(%arg10 : memref<!tpu.dma_semaphore, #tpu.memory_space<semaphore_mem>>) src(%dma_wait3A_443 : memref<32768x128xf32, #tpu.memory_space<hbm>>) dst(%dma_wait3A_438 : memref<128x128xf32, #tpu.memory_space<vmem>>)
    %dma_wait3A_444 = arith.constant 0 : i32
    %dma_wait3A_445 = arith.constant 0 : i32
    %dma_wait3A_446 = arith.constant 0 : i32
    %dma_wait3A_447 = tpu.memref_slice %arg9[%dma_wait3A_444, %dma_wait3A_445, %dma_wait3A_446] : memref<2x8x2048xf32, #tpu.memory_space<vmem>> -> memref<1x8x2048xf32, #tpu.memory_space<vmem>>
    %dma_wait3A_448 = tpu.memref_squeeze %dma_wait3A_447 : memref<1x8x2048xf32, #tpu.memory_space<vmem>> -> memref<8x2048xf32, #tpu.memory_space<vmem>>
    %dma_wait3A_449 = arith.constant 0 : i32
    %dma_wait3A_450 = tpu.memref_slice %arg4[%add3A_291, %dma_wait3A_449] : memref<2048x2048xf32, #tpu.memory_space<hbm>> -> memref<8x2048xf32, #tpu.memory_space<hbm>>
    %dma_wait3A_451 = arith.constant 0 : i32
    %dma_wait3A_452 = tpu.memref_slice %arg4[%add3A_291, %dma_wait3A_451] : memref<2048x2048xf32, #tpu.memory_space<hbm>> -> memref<8x2048xf32, #tpu.memory_space<hbm>>
    %dma_wait3A_453 = arith.constant 0 : i32
    %dma_wait3A_454 = arith.constant 0 : i32
    %dma_wait3A_455 = tpu.memref_slice %arg9[%dma_wait3A_444, %dma_wait3A_453, %dma_wait3A_454] : memref<2x8x2048xf32, #tpu.memory_space<vmem>> -> memref<1x8x2048xf32, #tpu.memory_space<vmem>>
    %dma_wait3A_456 = tpu.memref_squeeze %dma_wait3A_455 : memref<1x8x2048xf32, #tpu.memory_space<vmem>> -> memref<8x2048xf32, #tpu.memory_space<vmem>>
    tpu.wait_dma2 semaphore(%arg13 : memref<!tpu.dma_semaphore, #tpu.memory_space<semaphore_mem>>) src(%dma_wait3A_456 : memref<8x2048xf32, #tpu.memory_space<vmem>>) dst(%dma_wait3A_452 : memref<8x2048xf32, #tpu.memory_space<hbm>>)
    %scan3A_457 = arith.constant 0 : i32
    %scan3A_458 = arith.constant 0 : i32
    %scan3A_459 = arith.constant 0 : i32
    %scan3A_460 = arith.constant 0 : i32
    %scan3A_461 = arith.constant 0 : i32
    %scan3A_462 = arith.constant 1 : i32
    %scan3A_463 = arith.constant 0 : i32
    %scan3A_464 = arith.constant 2 : i32
    %scan3A_465 = arith.constant 0 : i32
    %scan3A_466 = arith.constant 3 : i32
    %scan3A_467 = arith.constant 0 : i32
    %scan3A_468 = arith.constant 4 : i32
    %scan3A_469 = arith.constant 0 : i32
    %scan3A_470 = arith.constant 5 : i32
    %scan3A_471 = arith.constant 0 : i32
    %scan3A_472 = arith.constant 6 : i32
    %scan3A_473 = arith.constant 0 : i32
    %scan3A_474 = arith.constant 7 : i32
    %scan3A_475 = arith.constant 0 : i32
    %scan3A_476 = arith.constant 128 : i32
    %scan3A_477 = arith.addi %scan3A_475, %scan3A_476 : i32
    %scan3A_478 = arith.constant 1 : i32
    scf.for %scan3A_580 = %scan3A_475 to %scan3A_477 step %scan3A_478  : i32 {
      %mul3A_581 = arith.constant 16 : i32
      %mul3A_582 = arith.muli %scan3A_580, %mul3A_581 : i32
      %get3A = arith.index_cast %mul3A_582 : i32 to index
      %get3A_583 = tpu.vector_load %arg6[%get3A] {strides = array<i32>} : memref<2048xi32, #tpu.memory_space<vmem>>, vector<16xi32>,
      %shift_right_logical3A = arith.constant 7 : i32
      %shift_right_logical3A_584 = vector.broadcast %shift_right_logical3A : i32 to vector<16xi32>
      %shift_right_logical3A_585 = arith.shrui %get3A_583, %shift_right_logical3A_584 : vector<16xi32>
      %and3A = arith.constant 127 : i32
      %and3A_586 = vector.broadcast %and3A : i32 to vector<16xi32>
      %and3A_587 = arith.andi %get3A_583, %and3A_586 : vector<16xi32>
      %add3A_588 = arith.constant 0 : i32
      %add3A_589 = vector.broadcast %add3A_588 : i32 to vector<16xi32>
      %add3A_590 = arith.addi %shift_right_logical3A_585, %add3A_589 : vector<16xi32>
      %gather3A = arith.constant 0 : i32
      %gather3A_591 = arith.constant 0 : i32
      %gather3A_592 = tpu.memref_slice %arg8[%scan3A_458, %gather3A, %gather3A_591] : memref<3x128x128xf32, #tpu.memory_space<vmem>> -> memref<1x128x128xf32, #tpu.memory_space<vmem>>
      %gather3A_593 = tpu.memref_squeeze %gather3A_592 : memref<1x128x128xf32, #tpu.memory_space<vmem>> -> memref<128x128xf32, #tpu.memory_space<vmem>>
      %gather3A_594 = tpu.vector_load_idx %gather3A_593[%add3A_590, %and3A_587] : memref<128x128xf32, #tpu.memory_space<vmem>>[vector<16xi32>, vector<16xi32>], vector<16xf32>,
      %add3A_595 = arith.constant 16 : i32
      %add3A_596 = vector.broadcast %add3A_595 : i32 to vector<16xi32>
      %add3A_597 = arith.addi %shift_right_logical3A_585, %add3A_596 : vector<16xi32>
      %gather3A_598 = arith.constant 0 : i32
      %gather3A_599 = arith.constant 0 : i32
      %gather3A_600 = tpu.memref_slice %arg8[%scan3A_458, %gather3A_598, %gather3A_599] : memref<3x128x128xf32, #tpu.memory_space<vmem>> -> memref<1x128x128xf32, #tpu.memory_space<vmem>>
      %gather3A_601 = tpu.memref_squeeze %gather3A_600 : memref<1x128x128xf32, #tpu.memory_space<vmem>> -> memref<128x128xf32, #tpu.memory_space<vmem>>
      %gather3A_602 = tpu.vector_load_idx %gather3A_601[%add3A_597, %and3A_587] : memref<128x128xf32, #tpu.memory_space<vmem>>[vector<16xi32>, vector<16xi32>], vector<16xf32>,
      %add3A_603 = arith.constant 32 : i32
      %add3A_604 = vector.broadcast %add3A_603 : i32 to vector<16xi32>
      %add3A_605 = arith.addi %shift_right_logical3A_585, %add3A_604 : vector<16xi32>
      %gather3A_606 = arith.constant 0 : i32
      %gather3A_607 = arith.constant 0 : i32
      %gather3A_608 = tpu.memref_slice %arg8[%scan3A_458, %gather3A_606, %gather3A_607] : memref<3x128x128xf32, #tpu.memory_space<vmem>> -> memref<1x128x128xf32, #tpu.memory_space<vmem>>
      %gather3A_609 = tpu.memref_squeeze %gather3A_608 : memref<1x128x128xf32, #tpu.memory_space<vmem>> -> memref<128x128xf32, #tpu.memory_space<vmem>>
      %gather3A_610 = tpu.vector_load_idx %gather3A_609[%add3A_605, %and3A_587] : memref<128x128xf32, #tpu.memory_space<vmem>>[vector<16xi32>, vector<16xi32>], vector<16xf32>,
      %add3A_611 = arith.constant 48 : i32
      %add3A_612 = vector.broadcast %add3A_611 : i32 to vector<16xi32>
      %add3A_613 = arith.addi %shift_right_logical3A_585, %add3A_612 : vector<16xi32>
      %gather3A_614 = arith.constant 0 : i32
      %gather3A_615 = arith.constant 0 : i32
      %gather3A_616 = tpu.memref_slice %arg8[%scan3A_458, %gather3A_614, %gather3A_615] : memref<3x128x128xf32, #tpu.memory_space<vmem>> -> memref<1x128x128xf32, #tpu.memory_space<vmem>>
      %gather3A_617 = tpu.memref_squeeze %gather3A_616 : memref<1x128x128xf32, #tpu.memory_space<vmem>> -> memref<128x128xf32, #tpu.memory_space<vmem>>
      %gather3A_618 = tpu.vector_load_idx %gather3A_617[%add3A_613, %and3A_587] : memref<128x128xf32, #tpu.memory_space<vmem>>[vector<16xi32>, vector<16xi32>], vector<16xf32>,
      %add3A_619 = arith.constant 64 : i32
      %add3A_620 = vector.broadcast %add3A_619 : i32 to vector<16xi32>
      %add3A_621 = arith.addi %shift_right_logical3A_585, %add3A_620 : vector<16xi32>
      %gather3A_622 = arith.constant 0 : i32
      %gather3A_623 = arith.constant 0 : i32
      %gather3A_624 = tpu.memref_slice %arg8[%scan3A_458, %gather3A_622, %gather3A_623] : memref<3x128x128xf32, #tpu.memory_space<vmem>> -> memref<1x128x128xf32, #tpu.memory_space<vmem>>
      %gather3A_625 = tpu.memref_squeeze %gather3A_624 : memref<1x128x128xf32, #tpu.memory_space<vmem>> -> memref<128x128xf32, #tpu.memory_space<vmem>>
      %gather3A_626 = tpu.vector_load_idx %gather3A_625[%add3A_621, %and3A_587] : memref<128x128xf32, #tpu.memory_space<vmem>>[vector<16xi32>, vector<16xi32>], vector<16xf32>,
      %add3A_627 = arith.constant 80 : i32
      %add3A_628 = vector.broadcast %add3A_627 : i32 to vector<16xi32>
      %add3A_629 = arith.addi %shift_right_logical3A_585, %add3A_628 : vector<16xi32>
      %gather3A_630 = arith.constant 0 : i32
      %gather3A_631 = arith.constant 0 : i32
      %gather3A_632 = tpu.memref_slice %arg8[%scan3A_458, %gather3A_630, %gather3A_631] : memref<3x128x128xf32, #tpu.memory_space<vmem>> -> memref<1x128x128xf32, #tpu.memory_space<vmem>>
      %gather3A_633 = tpu.memref_squeeze %gather3A_632 : memref<1x128x128xf32, #tpu.memory_space<vmem>> -> memref<128x128xf32, #tpu.memory_space<vmem>>
      %gather3A_634 = tpu.vector_load_idx %gather3A_633[%add3A_629, %and3A_587] : memref<128x128xf32, #tpu.memory_space<vmem>>[vector<16xi32>, vector<16xi32>], vector<16xf32>,
      %add3A_635 = arith.constant 96 : i32
      %add3A_636 = vector.broadcast %add3A_635 : i32 to vector<16xi32>
      %add3A_637 = arith.addi %shift_right_logical3A_585, %add3A_636 : vector<16xi32>
      %gather3A_638 = arith.constant 0 : i32
      %gather3A_639 = arith.constant 0 : i32
      %gather3A_640 = tpu.memref_slice %arg8[%scan3A_458, %gather3A_638, %gather3A_639] : memref<3x128x128xf32, #tpu.memory_space<vmem>> -> memref<1x128x128xf32, #tpu.memory_space<vmem>>
      %gather3A_641 = tpu.memref_squeeze %gather3A_640 : memref<1x128x128xf32, #tpu.memory_space<vmem>> -> memref<128x128xf32, #tpu.memory_space<vmem>>
      %gather3A_642 = tpu.vector_load_idx %gather3A_641[%add3A_637, %and3A_587] : memref<128x128xf32, #tpu.memory_space<vmem>>[vector<16xi32>, vector<16xi32>], vector<16xf32>,
      %add3A_643 = arith.constant 112 : i32
      %add3A_644 = vector.broadcast %add3A_643 : i32 to vector<16xi32>
      %add3A_645 = arith.addi %shift_right_logical3A_585, %add3A_644 : vector<16xi32>
      %gather3A_646 = arith.constant 0 : i32
      %gather3A_647 = arith.constant 0 : i32
      %gather3A_648 = tpu.memref_slice %arg8[%scan3A_458, %gather3A_646, %gather3A_647] : memref<3x128x128xf32, #tpu.memory_space<vmem>> -> memref<1x128x128xf32, #tpu.memory_space<vmem>>
      %gather3A_649 = tpu.memref_squeeze %gather3A_648 : memref<1x128x128xf32, #tpu.memory_space<vmem>> -> memref<128x128xf32, #tpu.memory_space<vmem>>
      %gather3A_650 = tpu.vector_load_idx %gather3A_649[%add3A_645, %and3A_587] : memref<128x128xf32, #tpu.memory_space<vmem>>[vector<16xi32>, vector<16xi32>], vector<16xf32>,
      %swap3A = arith.constant 0 : i32
      %swap3A_651 = arith.constant 0 : i32
      %swap3A_652 = tpu.memref_slice %arg9[%scan3A_459, %swap3A, %swap3A_651] : memref<2x8x2048xf32, #tpu.memory_space<vmem>> -> memref<1x8x2048xf32, #tpu.memory_space<vmem>>
      %swap3A_653 = tpu.memref_squeeze %swap3A_652 : memref<1x8x2048xf32, #tpu.memory_space<vmem>> -> memref<8x2048xf32, #tpu.memory_space<vmem>>
      %swap3A_654 = arith.constant 0 : i32
      %swap3A_655 = tpu.memref_slice %swap3A_653[%scan3A_460, %swap3A_654] : memref<8x2048xf32, #tpu.memory_space<vmem>> -> memref<1x2048xf32, #tpu.memory_space<vmem>>
      %swap3A_656 = tpu.memref_squeeze %swap3A_655 : memref<1x2048xf32, #tpu.memory_space<vmem>> -> memref<2048xf32, #tpu.memory_space<vmem>>
      %swap3A_657 = arith.index_cast %mul3A_582 : i32 to index
      %swap3A_658 = tpu.vector_load %swap3A_656[%swap3A_657] {strides = array<i32>} : memref<2048xf32, #tpu.memory_space<vmem>>, vector<16xf32>,
      tpu.vector_store %swap3A_656[%swap3A_657], %gather3A_594 {strides = array<i32>} : memref<2048xf32, #tpu.memory_space<vmem>>, vector<16xf32>,
      %swap3A_659 = arith.constant 0 : i32
      %swap3A_660 = arith.constant 0 : i32
      %swap3A_661 = tpu.memref_slice %arg9[%scan3A_461, %swap3A_659, %swap3A_660] : memref<2x8x2048xf32, #tpu.memory_space<vmem>> -> memref<1x8x2048xf32, #tpu.memory_space<vmem>>
      %swap3A_662 = tpu.memref_squeeze %swap3A_661 : memref<1x8x2048xf32, #tpu.memory_space<vmem>> -> memref<8x2048xf32, #tpu.memory_space<vmem>>
      %swap3A_663 = arith.constant 0 : i32
      %swap3A_664 = tpu.memref_slice %swap3A_662[%scan3A_462, %swap3A_663] : memref<8x2048xf32, #tpu.memory_space<vmem>> -> memref<1x2048xf32, #tpu.memory_space<vmem>>
      %swap3A_665 = tpu.memref_squeeze %swap3A_664 : memref<1x2048xf32, #tpu.memory_space<vmem>> -> memref<2048xf32, #tpu.memory_space<vmem>>
      %swap3A_666 = arith.index_cast %mul3A_582 : i32 to index
      %swap3A_667 = tpu.vector_load %swap3A_665[%swap3A_666] {strides = array<i32>} : memref<2048xf32, #tpu.memory_space<vmem>>, vector<16xf32>,
      tpu.vector_store %swap3A_665[%swap3A_666], %gather3A_602 {strides = array<i32>} : memref<2048xf32, #tpu.memory_space<vmem>>, vector<16xf32>,
      %swap3A_668 = arith.constant 0 : i32
      %swap3A_669 = arith.constant 0 : i32
      %swap3A_670 = tpu.memref_slice %arg9[%scan3A_463, %swap3A_668, %swap3A_669] : memref<2x8x2048xf32, #tpu.memory_space<vmem>> -> memref<1x8x2048xf32, #tpu.memory_space<vmem>>
      %swap3A_671 = tpu.memref_squeeze %swap3A_670 : memref<1x8x2048xf32, #tpu.memory_space<vmem>> -> memref<8x2048xf32, #tpu.memory_space<vmem>>
      %swap3A_672 = arith.constant 0 : i32
      %swap3A_673 = tpu.memref_slice %swap3A_671[%scan3A_464, %swap3A_672] : memref<8x2048xf32, #tpu.memory_space<vmem>> -> memref<1x2048xf32, #tpu.memory_space<vmem>>
      %swap3A_674 = tpu.memref_squeeze %swap3A_673 : memref<1x2048xf32, #tpu.memory_space<vmem>> -> memref<2048xf32, #tpu.memory_space<vmem>>
      %swap3A_675 = arith.index_cast %mul3A_582 : i32 to index
      %swap3A_676 = tpu.vector_load %swap3A_674[%swap3A_675] {strides = array<i32>} : memref<2048xf32, #tpu.memory_space<vmem>>, vector<16xf32>,
      tpu.vector_store %swap3A_674[%swap3A_675], %gather3A_610 {strides = array<i32>} : memref<2048xf32, #tpu.memory_space<vmem>>, vector<16xf32>,
      %swap3A_677 = arith.constant 0 : i32
      %swap3A_678 = arith.constant 0 : i32
      %swap3A_679 = tpu.memref_slice %arg9[%scan3A_465, %swap3A_677, %swap3A_678] : memref<2x8x2048xf32, #tpu.memory_space<vmem>> -> memref<1x8x2048xf32, #tpu.memory_space<vmem>>
      %swap3A_680 = tpu.memref_squeeze %swap3A_679 : memref<1x8x2048xf32, #tpu.memory_space<vmem>> -> memref<8x2048xf32, #tpu.memory_space<vmem>>
      %swap3A_681 = arith.constant 0 : i32
      %swap3A_682 = tpu.memref_slice %swap3A_680[%scan3A_466, %swap3A_681] : memref<8x2048xf32, #tpu.memory_space<vmem>> -> memref<1x2048xf32, #tpu.memory_space<vmem>>
      %swap3A_683 = tpu.memref_squeeze %swap3A_682 : memref<1x2048xf32, #tpu.memory_space<vmem>> -> memref<2048xf32, #tpu.memory_space<vmem>>
      %swap3A_684 = arith.index_cast %mul3A_582 : i32 to index
      %swap3A_685 = tpu.vector_load %swap3A_683[%swap3A_684] {strides = array<i32>} : memref<2048xf32, #tpu.memory_space<vmem>>, vector<16xf32>,
      tpu.vector_store %swap3A_683[%swap3A_684], %gather3A_618 {strides = array<i32>} : memref<2048xf32, #tpu.memory_space<vmem>>, vector<16xf32>,
      %swap3A_686 = arith.constant 0 : i32
      %swap3A_687 = arith.constant 0 : i32
      %swap3A_688 = tpu.memref_slice %arg9[%scan3A_467, %swap3A_686, %swap3A_687] : memref<2x8x2048xf32, #tpu.memory_space<vmem>> -> memref<1x8x2048xf32, #tpu.memory_space<vmem>>
      %swap3A_689 = tpu.memref_squeeze %swap3A_688 : memref<1x8x2048xf32, #tpu.memory_space<vmem>> -> memref<8x2048xf32, #tpu.memory_space<vmem>>
      %swap3A_690 = arith.constant 0 : i32
      %swap3A_691 = tpu.memref_slice %swap3A_689[%scan3A_468, %swap3A_690] : memref<8x2048xf32, #tpu.memory_space<vmem>> -> memref<1x2048xf32, #tpu.memory_space<vmem>>
      %swap3A_692 = tpu.memref_squeeze %swap3A_691 : memref<1x2048xf32, #tpu.memory_space<vmem>> -> memref<2048xf32, #tpu.memory_space<vmem>>
      %swap3A_693 = arith.index_cast %mul3A_582 : i32 to index
      %swap3A_694 = tpu.vector_load %swap3A_692[%swap3A_693] {strides = array<i32>} : memref<2048xf32, #tpu.memory_space<vmem>>, vector<16xf32>,
      tpu.vector_store %swap3A_692[%swap3A_693], %gather3A_626 {strides = array<i32>} : memref<2048xf32, #tpu.memory_space<vmem>>, vector<16xf32>,
      %swap3A_695 = arith.constant 0 : i32
      %swap3A_696 = arith.constant 0 : i32
      %swap3A_697 = tpu.memref_slice %arg9[%scan3A_469, %swap3A_695, %swap3A_696] : memref<2x8x2048xf32, #tpu.memory_space<vmem>> -> memref<1x8x2048xf32, #tpu.memory_space<vmem>>
      %swap3A_698 = tpu.memref_squeeze %swap3A_697 : memref<1x8x2048xf32, #tpu.memory_space<vmem>> -> memref<8x2048xf32, #tpu.memory_space<vmem>>
      %swap3A_699 = arith.constant 0 : i32
      %swap3A_700 = tpu.memref_slice %swap3A_698[%scan3A_470, %swap3A_699] : memref<8x2048xf32, #tpu.memory_space<vmem>> -> memref<1x2048xf32, #tpu.memory_space<vmem>>
      %swap3A_701 = tpu.memref_squeeze %swap3A_700 : memref<1x2048xf32, #tpu.memory_space<vmem>> -> memref<2048xf32, #tpu.memory_space<vmem>>
      %swap3A_702 = arith.index_cast %mul3A_582 : i32 to index
      %swap3A_703 = tpu.vector_load %swap3A_701[%swap3A_702] {strides = array<i32>} : memref<2048xf32, #tpu.memory_space<vmem>>, vector<16xf32>,
      tpu.vector_store %swap3A_701[%swap3A_702], %gather3A_634 {strides = array<i32>} : memref<2048xf32, #tpu.memory_space<vmem>>, vector<16xf32>,
      %swap3A_704 = arith.constant 0 : i32
      %swap3A_705 = arith.constant 0 : i32
      %swap3A_706 = tpu.memref_slice %arg9[%scan3A_471, %swap3A_704, %swap3A_705] : memref<2x8x2048xf32, #tpu.memory_space<vmem>> -> memref<1x8x2048xf32, #tpu.memory_space<vmem>>
      %swap3A_707 = tpu.memref_squeeze %swap3A_706 : memref<1x8x2048xf32, #tpu.memory_space<vmem>> -> memref<8x2048xf32, #tpu.memory_space<vmem>>
      %swap3A_708 = arith.constant 0 : i32
      %swap3A_709 = tpu.memref_slice %swap3A_707[%scan3A_472, %swap3A_708] : memref<8x2048xf32, #tpu.memory_space<vmem>> -> memref<1x2048xf32, #tpu.memory_space<vmem>>
      %swap3A_710 = tpu.memref_squeeze %swap3A_709 : memref<1x2048xf32, #tpu.memory_space<vmem>> -> memref<2048xf32, #tpu.memory_space<vmem>>
      %swap3A_711 = arith.index_cast %mul3A_582 : i32 to index
      %swap3A_712 = tpu.vector_load %swap3A_710[%swap3A_711] {strides = array<i32>} : memref<2048xf32, #tpu.memory_space<vmem>>, vector<16xf32>,
      tpu.vector_store %swap3A_710[%swap3A_711], %gather3A_642 {strides = array<i32>} : memref<2048xf32, #tpu.memory_space<vmem>>, vector<16xf32>,
      %swap3A_713 = arith.constant 0 : i32
      %swap3A_714 = arith.constant 0 : i32
      %swap3A_715 = tpu.memref_slice %arg9[%scan3A_473, %swap3A_713, %swap3A_714] : memref<2x8x2048xf32, #tpu.memory_space<vmem>> -> memref<1x8x2048xf32, #tpu.memory_space<vmem>>
      %swap3A_716 = tpu.memref_squeeze %swap3A_715 : memref<1x8x2048xf32, #tpu.memory_space<vmem>> -> memref<8x2048xf32, #tpu.memory_space<vmem>>
      %swap3A_717 = arith.constant 0 : i32
      %swap3A_718 = tpu.memref_slice %swap3A_716[%scan3A_474, %swap3A_717] : memref<8x2048xf32, #tpu.memory_space<vmem>> -> memref<1x2048xf32, #tpu.memory_space<vmem>>
      %swap3A_719 = tpu.memref_squeeze %swap3A_718 : memref<1x2048xf32, #tpu.memory_space<vmem>> -> memref<2048xf32, #tpu.memory_space<vmem>>
      %swap3A_720 = arith.index_cast %mul3A_582 : i32 to index
      %swap3A_721 = tpu.vector_load %swap3A_719[%swap3A_720] {strides = array<i32>} : memref<2048xf32, #tpu.memory_space<vmem>>, vector<16xf32>,
      tpu.vector_store %swap3A_719[%swap3A_720], %gather3A_650 {strides = array<i32>} : memref<2048xf32, #tpu.memory_space<vmem>>, vector<16xf32>,
    }
    %scan3A_479 = arith.constant 128 : i32
    %dma_start3A_480 = arith.constant 0 : i32
    %dma_start3A_481 = arith.constant 0 : i32
    %dma_start3A_482 = arith.constant 0 : i32
    %dma_start3A_483 = tpu.memref_slice %arg9[%dma_start3A_480, %dma_start3A_481, %dma_start3A_482] : memref<2x8x2048xf32, #tpu.memory_space<vmem>> -> memref<1x8x2048xf32, #tpu.memory_space<vmem>>
    %dma_start3A_484 = tpu.memref_squeeze %dma_start3A_483 : memref<1x8x2048xf32, #tpu.memory_space<vmem>> -> memref<8x2048xf32, #tpu.memory_space<vmem>>
    %dma_start3A_485 = arith.constant 0 : i32
    %dma_start3A_486 = tpu.memref_slice %arg4[%add3A_433, %dma_start3A_485] : memref<2048x2048xf32, #tpu.memory_space<hbm>> -> memref<8x2048xf32, #tpu.memory_space<hbm>>
    %dma_start3A_487 = arith.constant 0 : i32
    %dma_start3A_488 = tpu.memref_slice %arg4[%add3A_433, %dma_start3A_487] : memref<2048x2048xf32, #tpu.memory_space<hbm>> -> memref<8x2048xf32, #tpu.memory_space<hbm>>
    %dma_start3A_489 = arith.constant 0 : i32
    %dma_start3A_490 = arith.constant 0 : i32
    %dma_start3A_491 = tpu.memref_slice %arg9[%dma_start3A_480, %dma_start3A_489, %dma_start3A_490] : memref<2x8x2048xf32, #tpu.memory_space<vmem>> -> memref<1x8x2048xf32, #tpu.memory_space<vmem>>
    %dma_start3A_492 = tpu.memref_squeeze %dma_start3A_491 : memref<1x8x2048xf32, #tpu.memory_space<vmem>> -> memref<8x2048xf32, #tpu.memory_space<vmem>>
    tpu.enqueue_dma source(%dma_start3A_492 : memref<8x2048xf32, #tpu.memory_space<vmem>>) target(%dma_start3A_488 : memref<8x2048xf32, #tpu.memory_space<hbm>>) target_semaphore(%arg13 : memref<!tpu.dma_semaphore, #tpu.memory_space<semaphore_mem>>)
    %add3A_493 = arith.constant 56 : i32
    %add3A_494 = arith.addi %mul3A_2, %add3A_493 : i32
    %dma_wait3A_495 = arith.constant 1 : i32
    %dma_wait3A_496 = arith.constant 0 : i32
    %dma_wait3A_497 = arith.constant 0 : i32
    %dma_wait3A_498 = tpu.memref_slice %arg8[%dma_wait3A_495, %dma_wait3A_496, %dma_wait3A_497] : memref<3x128x128xf32, #tpu.memory_space<vmem>> -> memref<1x128x128xf32, #tpu.memory_space<vmem>>
    %dma_wait3A_499 = tpu.memref_squeeze %dma_wait3A_498 : memref<1x128x128xf32, #tpu.memory_space<vmem>> -> memref<128x128xf32, #tpu.memory_space<vmem>>
    %dma_wait3A_500 = arith.constant 896 : i32
    %dma_wait3A_501 = tpu.memref_slice %arg7[%dma_wait3A_500] : memref<1024xi32, #tpu.memory_space<vmem>> -> memref<128xi32, #tpu.memory_space<vmem>>
    %dma_wait3A_502 = arith.constant 0 : i32
    %dma_wait3A_503 = arith.constant 0 : i32
    %dma_wait3A_504 = tpu.memref_slice %arg2[%dma_wait3A_502, %dma_wait3A_503] : memref<32768x128xf32, #tpu.memory_space<hbm>> -> memref<32768x128xf32, #tpu.memory_space<hbm>>
    tpu.wait_indirect_dma semaphore(%arg11 : memref<!tpu.dma_semaphore, #tpu.memory_space<semaphore_mem>>) src(%dma_wait3A_504 : memref<32768x128xf32, #tpu.memory_space<hbm>>) dst(%dma_wait3A_499 : memref<128x128xf32, #tpu.memory_space<vmem>>)
    %dma_wait3A_505 = arith.constant 1 : i32
    %dma_wait3A_506 = arith.constant 0 : i32
    %dma_wait3A_507 = arith.constant 0 : i32
    %dma_wait3A_508 = tpu.memref_slice %arg9[%dma_wait3A_505, %dma_wait3A_506, %dma_wait3A_507] : memref<2x8x2048xf32, #tpu.memory_space<vmem>> -> memref<1x8x2048xf32, #tpu.memory_space<vmem>>
    %dma_wait3A_509 = tpu.memref_squeeze %dma_wait3A_508 : memref<1x8x2048xf32, #tpu.memory_space<vmem>> -> memref<8x2048xf32, #tpu.memory_space<vmem>>
    %dma_wait3A_510 = arith.constant 0 : i32
    %dma_wait3A_511 = tpu.memref_slice %arg4[%add3A_362, %dma_wait3A_510] : memref<2048x2048xf32, #tpu.memory_space<hbm>> -> memref<8x2048xf32, #tpu.memory_space<hbm>>
    %dma_wait3A_512 = arith.constant 0 : i32
    %dma_wait3A_513 = tpu.memref_slice %arg4[%add3A_362, %dma_wait3A_512] : memref<2048x2048xf32, #tpu.memory_space<hbm>> -> memref<8x2048xf32, #tpu.memory_space<hbm>>
    %dma_wait3A_514 = arith.constant 0 : i32
    %dma_wait3A_515 = arith.constant 0 : i32
    %dma_wait3A_516 = tpu.memref_slice %arg9[%dma_wait3A_505, %dma_wait3A_514, %dma_wait3A_515] : memref<2x8x2048xf32, #tpu.memory_space<vmem>> -> memref<1x8x2048xf32, #tpu.memory_space<vmem>>
    %dma_wait3A_517 = tpu.memref_squeeze %dma_wait3A_516 : memref<1x8x2048xf32, #tpu.memory_space<vmem>> -> memref<8x2048xf32, #tpu.memory_space<vmem>>
    tpu.wait_dma2 semaphore(%arg14 : memref<!tpu.dma_semaphore, #tpu.memory_space<semaphore_mem>>) src(%dma_wait3A_517 : memref<8x2048xf32, #tpu.memory_space<vmem>>) dst(%dma_wait3A_513 : memref<8x2048xf32, #tpu.memory_space<hbm>>)
    %scan3A_518 = arith.constant 0 : i32
    %scan3A_519 = arith.constant 1 : i32
    %scan3A_520 = arith.constant 1 : i32
    %scan3A_521 = arith.constant 0 : i32
    %scan3A_522 = arith.constant 1 : i32
    %scan3A_523 = arith.constant 1 : i32
    %scan3A_524 = arith.constant 1 : i32
    %scan3A_525 = arith.constant 2 : i32
    %scan3A_526 = arith.constant 1 : i32
    %scan3A_527 = arith.constant 3 : i32
    %scan3A_528 = arith.constant 1 : i32
    %scan3A_529 = arith.constant 4 : i32
    %scan3A_530 = arith.constant 1 : i32
    %scan3A_531 = arith.constant 5 : i32
    %scan3A_532 = arith.constant 1 : i32
    %scan3A_533 = arith.constant 6 : i32
    %scan3A_534 = arith.constant 1 : i32
    %scan3A_535 = arith.constant 7 : i32
    %scan3A_536 = arith.constant 0 : i32
    %scan3A_537 = arith.constant 128 : i32
    %scan3A_538 = arith.addi %scan3A_536, %scan3A_537 : i32
    %scan3A_539 = arith.constant 1 : i32
    scf.for %scan3A_580 = %scan3A_536 to %scan3A_538 step %scan3A_539  : i32 {
      %mul3A_581 = arith.constant 16 : i32
      %mul3A_582 = arith.muli %scan3A_580, %mul3A_581 : i32
      %get3A = arith.index_cast %mul3A_582 : i32 to index
      %get3A_583 = tpu.vector_load %arg6[%get3A] {strides = array<i32>} : memref<2048xi32, #tpu.memory_space<vmem>>, vector<16xi32>,
      %shift_right_logical3A = arith.constant 7 : i32
      %shift_right_logical3A_584 = vector.broadcast %shift_right_logical3A : i32 to vector<16xi32>
      %shift_right_logical3A_585 = arith.shrui %get3A_583, %shift_right_logical3A_584 : vector<16xi32>
      %and3A = arith.constant 127 : i32
      %and3A_586 = vector.broadcast %and3A : i32 to vector<16xi32>
      %and3A_587 = arith.andi %get3A_583, %and3A_586 : vector<16xi32>
      %add3A_588 = arith.constant 0 : i32
      %add3A_589 = vector.broadcast %add3A_588 : i32 to vector<16xi32>
      %add3A_590 = arith.addi %shift_right_logical3A_585, %add3A_589 : vector<16xi32>
      %gather3A = arith.constant 0 : i32
      %gather3A_591 = arith.constant 0 : i32
      %gather3A_592 = tpu.memref_slice %arg8[%scan3A_519, %gather3A, %gather3A_591] : memref<3x128x128xf32, #tpu.memory_space<vmem>> -> memref<1x128x128xf32, #tpu.memory_space<vmem>>
      %gather3A_593 = tpu.memref_squeeze %gather3A_592 : memref<1x128x128xf32, #tpu.memory_space<vmem>> -> memref<128x128xf32, #tpu.memory_space<vmem>>
      %gather3A_594 = tpu.vector_load_idx %gather3A_593[%add3A_590, %and3A_587] : memref<128x128xf32, #tpu.memory_space<vmem>>[vector<16xi32>, vector<16xi32>], vector<16xf32>,
      %add3A_595 = arith.constant 16 : i32
      %add3A_596 = vector.broadcast %add3A_595 : i32 to vector<16xi32>
      %add3A_597 = arith.addi %shift_right_logical3A_585, %add3A_596 : vector<16xi32>
      %gather3A_598 = arith.constant 0 : i32
      %gather3A_599 = arith.constant 0 : i32
      %gather3A_600 = tpu.memref_slice %arg8[%scan3A_519, %gather3A_598, %gather3A_599] : memref<3x128x128xf32, #tpu.memory_space<vmem>> -> memref<1x128x128xf32, #tpu.memory_space<vmem>>
      %gather3A_601 = tpu.memref_squeeze %gather3A_600 : memref<1x128x128xf32, #tpu.memory_space<vmem>> -> memref<128x128xf32, #tpu.memory_space<vmem>>
      %gather3A_602 = tpu.vector_load_idx %gather3A_601[%add3A_597, %and3A_587] : memref<128x128xf32, #tpu.memory_space<vmem>>[vector<16xi32>, vector<16xi32>], vector<16xf32>,
      %add3A_603 = arith.constant 32 : i32
      %add3A_604 = vector.broadcast %add3A_603 : i32 to vector<16xi32>
      %add3A_605 = arith.addi %shift_right_logical3A_585, %add3A_604 : vector<16xi32>
      %gather3A_606 = arith.constant 0 : i32
      %gather3A_607 = arith.constant 0 : i32
      %gather3A_608 = tpu.memref_slice %arg8[%scan3A_519, %gather3A_606, %gather3A_607] : memref<3x128x128xf32, #tpu.memory_space<vmem>> -> memref<1x128x128xf32, #tpu.memory_space<vmem>>
      %gather3A_609 = tpu.memref_squeeze %gather3A_608 : memref<1x128x128xf32, #tpu.memory_space<vmem>> -> memref<128x128xf32, #tpu.memory_space<vmem>>
      %gather3A_610 = tpu.vector_load_idx %gather3A_609[%add3A_605, %and3A_587] : memref<128x128xf32, #tpu.memory_space<vmem>>[vector<16xi32>, vector<16xi32>], vector<16xf32>,
      %add3A_611 = arith.constant 48 : i32
      %add3A_612 = vector.broadcast %add3A_611 : i32 to vector<16xi32>
      %add3A_613 = arith.addi %shift_right_logical3A_585, %add3A_612 : vector<16xi32>
      %gather3A_614 = arith.constant 0 : i32
      %gather3A_615 = arith.constant 0 : i32
      %gather3A_616 = tpu.memref_slice %arg8[%scan3A_519, %gather3A_614, %gather3A_615] : memref<3x128x128xf32, #tpu.memory_space<vmem>> -> memref<1x128x128xf32, #tpu.memory_space<vmem>>
      %gather3A_617 = tpu.memref_squeeze %gather3A_616 : memref<1x128x128xf32, #tpu.memory_space<vmem>> -> memref<128x128xf32, #tpu.memory_space<vmem>>
      %gather3A_618 = tpu.vector_load_idx %gather3A_617[%add3A_613, %and3A_587] : memref<128x128xf32, #tpu.memory_space<vmem>>[vector<16xi32>, vector<16xi32>], vector<16xf32>,
      %add3A_619 = arith.constant 64 : i32
      %add3A_620 = vector.broadcast %add3A_619 : i32 to vector<16xi32>
      %add3A_621 = arith.addi %shift_right_logical3A_585, %add3A_620 : vector<16xi32>
      %gather3A_622 = arith.constant 0 : i32
      %gather3A_623 = arith.constant 0 : i32
      %gather3A_624 = tpu.memref_slice %arg8[%scan3A_519, %gather3A_622, %gather3A_623] : memref<3x128x128xf32, #tpu.memory_space<vmem>> -> memref<1x128x128xf32, #tpu.memory_space<vmem>>
      %gather3A_625 = tpu.memref_squeeze %gather3A_624 : memref<1x128x128xf32, #tpu.memory_space<vmem>> -> memref<128x128xf32, #tpu.memory_space<vmem>>
      %gather3A_626 = tpu.vector_load_idx %gather3A_625[%add3A_621, %and3A_587] : memref<128x128xf32, #tpu.memory_space<vmem>>[vector<16xi32>, vector<16xi32>], vector<16xf32>,
      %add3A_627 = arith.constant 80 : i32
      %add3A_628 = vector.broadcast %add3A_627 : i32 to vector<16xi32>
      %add3A_629 = arith.addi %shift_right_logical3A_585, %add3A_628 : vector<16xi32>
      %gather3A_630 = arith.constant 0 : i32
      %gather3A_631 = arith.constant 0 : i32
      %gather3A_632 = tpu.memref_slice %arg8[%scan3A_519, %gather3A_630, %gather3A_631] : memref<3x128x128xf32, #tpu.memory_space<vmem>> -> memref<1x128x128xf32, #tpu.memory_space<vmem>>
      %gather3A_633 = tpu.memref_squeeze %gather3A_632 : memref<1x128x128xf32, #tpu.memory_space<vmem>> -> memref<128x128xf32, #tpu.memory_space<vmem>>
      %gather3A_634 = tpu.vector_load_idx %gather3A_633[%add3A_629, %and3A_587] : memref<128x128xf32, #tpu.memory_space<vmem>>[vector<16xi32>, vector<16xi32>], vector<16xf32>,
      %add3A_635 = arith.constant 96 : i32
      %add3A_636 = vector.broadcast %add3A_635 : i32 to vector<16xi32>
      %add3A_637 = arith.addi %shift_right_logical3A_585, %add3A_636 : vector<16xi32>
      %gather3A_638 = arith.constant 0 : i32
      %gather3A_639 = arith.constant 0 : i32
      %gather3A_640 = tpu.memref_slice %arg8[%scan3A_519, %gather3A_638, %gather3A_639] : memref<3x128x128xf32, #tpu.memory_space<vmem>> -> memref<1x128x128xf32, #tpu.memory_space<vmem>>
      %gather3A_641 = tpu.memref_squeeze %gather3A_640 : memref<1x128x128xf32, #tpu.memory_space<vmem>> -> memref<128x128xf32, #tpu.memory_space<vmem>>
      %gather3A_642 = tpu.vector_load_idx %gather3A_641[%add3A_637, %and3A_587] : memref<128x128xf32, #tpu.memory_space<vmem>>[vector<16xi32>, vector<16xi32>], vector<16xf32>,
      %add3A_643 = arith.constant 112 : i32
      %add3A_644 = vector.broadcast %add3A_643 : i32 to vector<16xi32>
      %add3A_645 = arith.addi %shift_right_logical3A_585, %add3A_644 : vector<16xi32>
      %gather3A_646 = arith.constant 0 : i32
      %gather3A_647 = arith.constant 0 : i32
      %gather3A_648 = tpu.memref_slice %arg8[%scan3A_519, %gather3A_646, %gather3A_647] : memref<3x128x128xf32, #tpu.memory_space<vmem>> -> memref<1x128x128xf32, #tpu.memory_space<vmem>>
      %gather3A_649 = tpu.memref_squeeze %gather3A_648 : memref<1x128x128xf32, #tpu.memory_space<vmem>> -> memref<128x128xf32, #tpu.memory_space<vmem>>
      %gather3A_650 = tpu.vector_load_idx %gather3A_649[%add3A_645, %and3A_587] : memref<128x128xf32, #tpu.memory_space<vmem>>[vector<16xi32>, vector<16xi32>], vector<16xf32>,
      %swap3A = arith.constant 0 : i32
      %swap3A_651 = arith.constant 0 : i32
      %swap3A_652 = tpu.memref_slice %arg9[%scan3A_520, %swap3A, %swap3A_651] : memref<2x8x2048xf32, #tpu.memory_space<vmem>> -> memref<1x8x2048xf32, #tpu.memory_space<vmem>>
      %swap3A_653 = tpu.memref_squeeze %swap3A_652 : memref<1x8x2048xf32, #tpu.memory_space<vmem>> -> memref<8x2048xf32, #tpu.memory_space<vmem>>
      %swap3A_654 = arith.constant 0 : i32
      %swap3A_655 = tpu.memref_slice %swap3A_653[%scan3A_521, %swap3A_654] : memref<8x2048xf32, #tpu.memory_space<vmem>> -> memref<1x2048xf32, #tpu.memory_space<vmem>>
      %swap3A_656 = tpu.memref_squeeze %swap3A_655 : memref<1x2048xf32, #tpu.memory_space<vmem>> -> memref<2048xf32, #tpu.memory_space<vmem>>
      %swap3A_657 = arith.index_cast %mul3A_582 : i32 to index
      %swap3A_658 = tpu.vector_load %swap3A_656[%swap3A_657] {strides = array<i32>} : memref<2048xf32, #tpu.memory_space<vmem>>, vector<16xf32>,
      tpu.vector_store %swap3A_656[%swap3A_657], %gather3A_594 {strides = array<i32>} : memref<2048xf32, #tpu.memory_space<vmem>>, vector<16xf32>,
      %swap3A_659 = arith.constant 0 : i32
      %swap3A_660 = arith.constant 0 : i32
      %swap3A_661 = tpu.memref_slice %arg9[%scan3A_522, %swap3A_659, %swap3A_660] : memref<2x8x2048xf32, #tpu.memory_space<vmem>> -> memref<1x8x2048xf32, #tpu.memory_space<vmem>>
      %swap3A_662 = tpu.memref_squeeze %swap3A_661 : memref<1x8x2048xf32, #tpu.memory_space<vmem>> -> memref<8x2048xf32, #tpu.memory_space<vmem>>
      %swap3A_663 = arith.constant 0 : i32
      %swap3A_664 = tpu.memref_slice %swap3A_662[%scan3A_523, %swap3A_663] : memref<8x2048xf32, #tpu.memory_space<vmem>> -> memref<1x2048xf32, #tpu.memory_space<vmem>>
      %swap3A_665 = tpu.memref_squeeze %swap3A_664 : memref<1x2048xf32, #tpu.memory_space<vmem>> -> memref<2048xf32, #tpu.memory_space<vmem>>
      %swap3A_666 = arith.index_cast %mul3A_582 : i32 to index
      %swap3A_667 = tpu.vector_load %swap3A_665[%swap3A_666] {strides = array<i32>} : memref<2048xf32, #tpu.memory_space<vmem>>, vector<16xf32>,
      tpu.vector_store %swap3A_665[%swap3A_666], %gather3A_602 {strides = array<i32>} : memref<2048xf32, #tpu.memory_space<vmem>>, vector<16xf32>,
      %swap3A_668 = arith.constant 0 : i32
      %swap3A_669 = arith.constant 0 : i32
      %swap3A_670 = tpu.memref_slice %arg9[%scan3A_524, %swap3A_668, %swap3A_669] : memref<2x8x2048xf32, #tpu.memory_space<vmem>> -> memref<1x8x2048xf32, #tpu.memory_space<vmem>>
      %swap3A_671 = tpu.memref_squeeze %swap3A_670 : memref<1x8x2048xf32, #tpu.memory_space<vmem>> -> memref<8x2048xf32, #tpu.memory_space<vmem>>
      %swap3A_672 = arith.constant 0 : i32
      %swap3A_673 = tpu.memref_slice %swap3A_671[%scan3A_525, %swap3A_672] : memref<8x2048xf32, #tpu.memory_space<vmem>> -> memref<1x2048xf32, #tpu.memory_space<vmem>>
      %swap3A_674 = tpu.memref_squeeze %swap3A_673 : memref<1x2048xf32, #tpu.memory_space<vmem>> -> memref<2048xf32, #tpu.memory_space<vmem>>
      %swap3A_675 = arith.index_cast %mul3A_582 : i32 to index
      %swap3A_676 = tpu.vector_load %swap3A_674[%swap3A_675] {strides = array<i32>} : memref<2048xf32, #tpu.memory_space<vmem>>, vector<16xf32>,
      tpu.vector_store %swap3A_674[%swap3A_675], %gather3A_610 {strides = array<i32>} : memref<2048xf32, #tpu.memory_space<vmem>>, vector<16xf32>,
      %swap3A_677 = arith.constant 0 : i32
      %swap3A_678 = arith.constant 0 : i32
      %swap3A_679 = tpu.memref_slice %arg9[%scan3A_526, %swap3A_677, %swap3A_678] : memref<2x8x2048xf32, #tpu.memory_space<vmem>> -> memref<1x8x2048xf32, #tpu.memory_space<vmem>>
      %swap3A_680 = tpu.memref_squeeze %swap3A_679 : memref<1x8x2048xf32, #tpu.memory_space<vmem>> -> memref<8x2048xf32, #tpu.memory_space<vmem>>
      %swap3A_681 = arith.constant 0 : i32
      %swap3A_682 = tpu.memref_slice %swap3A_680[%scan3A_527, %swap3A_681] : memref<8x2048xf32, #tpu.memory_space<vmem>> -> memref<1x2048xf32, #tpu.memory_space<vmem>>
      %swap3A_683 = tpu.memref_squeeze %swap3A_682 : memref<1x2048xf32, #tpu.memory_space<vmem>> -> memref<2048xf32, #tpu.memory_space<vmem>>
      %swap3A_684 = arith.index_cast %mul3A_582 : i32 to index
      %swap3A_685 = tpu.vector_load %swap3A_683[%swap3A_684] {strides = array<i32>} : memref<2048xf32, #tpu.memory_space<vmem>>, vector<16xf32>,
      tpu.vector_store %swap3A_683[%swap3A_684], %gather3A_618 {strides = array<i32>} : memref<2048xf32, #tpu.memory_space<vmem>>, vector<16xf32>,
      %swap3A_686 = arith.constant 0 : i32
      %swap3A_687 = arith.constant 0 : i32
      %swap3A_688 = tpu.memref_slice %arg9[%scan3A_528, %swap3A_686, %swap3A_687] : memref<2x8x2048xf32, #tpu.memory_space<vmem>> -> memref<1x8x2048xf32, #tpu.memory_space<vmem>>
      %swap3A_689 = tpu.memref_squeeze %swap3A_688 : memref<1x8x2048xf32, #tpu.memory_space<vmem>> -> memref<8x2048xf32, #tpu.memory_space<vmem>>
      %swap3A_690 = arith.constant 0 : i32
      %swap3A_691 = tpu.memref_slice %swap3A_689[%scan3A_529, %swap3A_690] : memref<8x2048xf32, #tpu.memory_space<vmem>> -> memref<1x2048xf32, #tpu.memory_space<vmem>>
      %swap3A_692 = tpu.memref_squeeze %swap3A_691 : memref<1x2048xf32, #tpu.memory_space<vmem>> -> memref<2048xf32, #tpu.memory_space<vmem>>
      %swap3A_693 = arith.index_cast %mul3A_582 : i32 to index
      %swap3A_694 = tpu.vector_load %swap3A_692[%swap3A_693] {strides = array<i32>} : memref<2048xf32, #tpu.memory_space<vmem>>, vector<16xf32>,
      tpu.vector_store %swap3A_692[%swap3A_693], %gather3A_626 {strides = array<i32>} : memref<2048xf32, #tpu.memory_space<vmem>>, vector<16xf32>,
      %swap3A_695 = arith.constant 0 : i32
      %swap3A_696 = arith.constant 0 : i32
      %swap3A_697 = tpu.memref_slice %arg9[%scan3A_530, %swap3A_695, %swap3A_696] : memref<2x8x2048xf32, #tpu.memory_space<vmem>> -> memref<1x8x2048xf32, #tpu.memory_space<vmem>>
      %swap3A_698 = tpu.memref_squeeze %swap3A_697 : memref<1x8x2048xf32, #tpu.memory_space<vmem>> -> memref<8x2048xf32, #tpu.memory_space<vmem>>
      %swap3A_699 = arith.constant 0 : i32
      %swap3A_700 = tpu.memref_slice %swap3A_698[%scan3A_531, %swap3A_699] : memref<8x2048xf32, #tpu.memory_space<vmem>> -> memref<1x2048xf32, #tpu.memory_space<vmem>>
      %swap3A_701 = tpu.memref_squeeze %swap3A_700 : memref<1x2048xf32, #tpu.memory_space<vmem>> -> memref<2048xf32, #tpu.memory_space<vmem>>
      %swap3A_702 = arith.index_cast %mul3A_582 : i32 to index
      %swap3A_703 = tpu.vector_load %swap3A_701[%swap3A_702] {strides = array<i32>} : memref<2048xf32, #tpu.memory_space<vmem>>, vector<16xf32>,
      tpu.vector_store %swap3A_701[%swap3A_702], %gather3A_634 {strides = array<i32>} : memref<2048xf32, #tpu.memory_space<vmem>>, vector<16xf32>,
      %swap3A_704 = arith.constant 0 : i32
      %swap3A_705 = arith.constant 0 : i32
      %swap3A_706 = tpu.memref_slice %arg9[%scan3A_532, %swap3A_704, %swap3A_705] : memref<2x8x2048xf32, #tpu.memory_space<vmem>> -> memref<1x8x2048xf32, #tpu.memory_space<vmem>>
      %swap3A_707 = tpu.memref_squeeze %swap3A_706 : memref<1x8x2048xf32, #tpu.memory_space<vmem>> -> memref<8x2048xf32, #tpu.memory_space<vmem>>
      %swap3A_708 = arith.constant 0 : i32
      %swap3A_709 = tpu.memref_slice %swap3A_707[%scan3A_533, %swap3A_708] : memref<8x2048xf32, #tpu.memory_space<vmem>> -> memref<1x2048xf32, #tpu.memory_space<vmem>>
      %swap3A_710 = tpu.memref_squeeze %swap3A_709 : memref<1x2048xf32, #tpu.memory_space<vmem>> -> memref<2048xf32, #tpu.memory_space<vmem>>
      %swap3A_711 = arith.index_cast %mul3A_582 : i32 to index
      %swap3A_712 = tpu.vector_load %swap3A_710[%swap3A_711] {strides = array<i32>} : memref<2048xf32, #tpu.memory_space<vmem>>, vector<16xf32>,
      tpu.vector_store %swap3A_710[%swap3A_711], %gather3A_642 {strides = array<i32>} : memref<2048xf32, #tpu.memory_space<vmem>>, vector<16xf32>,
      %swap3A_713 = arith.constant 0 : i32
      %swap3A_714 = arith.constant 0 : i32
      %swap3A_715 = tpu.memref_slice %arg9[%scan3A_534, %swap3A_713, %swap3A_714] : memref<2x8x2048xf32, #tpu.memory_space<vmem>> -> memref<1x8x2048xf32, #tpu.memory_space<vmem>>
      %swap3A_716 = tpu.memref_squeeze %swap3A_715 : memref<1x8x2048xf32, #tpu.memory_space<vmem>> -> memref<8x2048xf32, #tpu.memory_space<vmem>>
      %swap3A_717 = arith.constant 0 : i32
      %swap3A_718 = tpu.memref_slice %swap3A_716[%scan3A_535, %swap3A_717] : memref<8x2048xf32, #tpu.memory_space<vmem>> -> memref<1x2048xf32, #tpu.memory_space<vmem>>
      %swap3A_719 = tpu.memref_squeeze %swap3A_718 : memref<1x2048xf32, #tpu.memory_space<vmem>> -> memref<2048xf32, #tpu.memory_space<vmem>>
      %swap3A_720 = arith.index_cast %mul3A_582 : i32 to index
      %swap3A_721 = tpu.vector_load %swap3A_719[%swap3A_720] {strides = array<i32>} : memref<2048xf32, #tpu.memory_space<vmem>>, vector<16xf32>,
      tpu.vector_store %swap3A_719[%swap3A_720], %gather3A_650 {strides = array<i32>} : memref<2048xf32, #tpu.memory_space<vmem>>, vector<16xf32>,
    }
    %scan3A_540 = arith.constant 128 : i32
    %dma_start3A_541 = arith.constant 1 : i32
    %dma_start3A_542 = arith.constant 0 : i32
    %dma_start3A_543 = arith.constant 0 : i32
    %dma_start3A_544 = tpu.memref_slice %arg9[%dma_start3A_541, %dma_start3A_542, %dma_start3A_543] : memref<2x8x2048xf32, #tpu.memory_space<vmem>> -> memref<1x8x2048xf32, #tpu.memory_space<vmem>>
    %dma_start3A_545 = tpu.memref_squeeze %dma_start3A_544 : memref<1x8x2048xf32, #tpu.memory_space<vmem>> -> memref<8x2048xf32, #tpu.memory_space<vmem>>
    %dma_start3A_546 = arith.constant 0 : i32
    %dma_start3A_547 = tpu.memref_slice %arg4[%add3A_494, %dma_start3A_546] : memref<2048x2048xf32, #tpu.memory_space<hbm>> -> memref<8x2048xf32, #tpu.memory_space<hbm>>
    %dma_start3A_548 = arith.constant 0 : i32
    %dma_start3A_549 = tpu.memref_slice %arg4[%add3A_494, %dma_start3A_548] : memref<2048x2048xf32, #tpu.memory_space<hbm>> -> memref<8x2048xf32, #tpu.memory_space<hbm>>
    %dma_start3A_550 = arith.constant 0 : i32
    %dma_start3A_551 = arith.constant 0 : i32
    %dma_start3A_552 = tpu.memref_slice %arg9[%dma_start3A_541, %dma_start3A_550, %dma_start3A_551] : memref<2x8x2048xf32, #tpu.memory_space<vmem>> -> memref<1x8x2048xf32, #tpu.memory_space<vmem>>
    %dma_start3A_553 = tpu.memref_squeeze %dma_start3A_552 : memref<1x8x2048xf32, #tpu.memory_space<vmem>> -> memref<8x2048xf32, #tpu.memory_space<vmem>>
    tpu.enqueue_dma source(%dma_start3A_553 : memref<8x2048xf32, #tpu.memory_space<vmem>>) target(%dma_start3A_549 : memref<8x2048xf32, #tpu.memory_space<hbm>>) target_semaphore(%arg14 : memref<!tpu.dma_semaphore, #tpu.memory_space<semaphore_mem>>)
    %dma_wait3A_554 = arith.constant 0 : i32
    %dma_wait3A_555 = arith.constant 0 : i32
    %dma_wait3A_556 = arith.constant 0 : i32
    %dma_wait3A_557 = tpu.memref_slice %arg9[%dma_wait3A_554, %dma_wait3A_555, %dma_wait3A_556] : memref<2x8x2048xf32, #tpu.memory_space<vmem>> -> memref<1x8x2048xf32, #tpu.memory_space<vmem>>
    %dma_wait3A_558 = tpu.memref_squeeze %dma_wait3A_557 : memref<1x8x2048xf32, #tpu.memory_space<vmem>> -> memref<8x2048xf32, #tpu.memory_space<vmem>>
    %dma_wait3A_559 = arith.constant 0 : i32
    %dma_wait3A_560 = tpu.memref_slice %arg4[%add3A_433, %dma_wait3A_559] : memref<2048x2048xf32, #tpu.memory_space<hbm>> -> memref<8x2048xf32, #tpu.memory_space<hbm>>
    %dma_wait3A_561 = arith.constant 0 : i32
    %dma_wait3A_562 = tpu.memref_slice %arg4[%add3A_433, %dma_wait3A_561] : memref<2048x2048xf32, #tpu.memory_space<hbm>> -> memref<8x2048xf32, #tpu.memory_space<hbm>>
    %dma_wait3A_563 = arith.constant 0 : i32
    %dma_wait3A_564 = arith.constant 0 : i32
    %dma_wait3A_565 = tpu.memref_slice %arg9[%dma_wait3A_554, %dma_wait3A_563, %dma_wait3A_564] : memref<2x8x2048xf32, #tpu.memory_space<vmem>> -> memref<1x8x2048xf32, #tpu.memory_space<vmem>>
    %dma_wait3A_566 = tpu.memref_squeeze %dma_wait3A_565 : memref<1x8x2048xf32, #tpu.memory_space<vmem>> -> memref<8x2048xf32, #tpu.memory_space<vmem>>
    tpu.wait_dma2 semaphore(%arg13 : memref<!tpu.dma_semaphore, #tpu.memory_space<semaphore_mem>>) src(%dma_wait3A_566 : memref<8x2048xf32, #tpu.memory_space<vmem>>) dst(%dma_wait3A_562 : memref<8x2048xf32, #tpu.memory_space<hbm>>)
    %dma_wait3A_567 = arith.constant 1 : i32
    %dma_wait3A_568 = arith.constant 0 : i32
    %dma_wait3A_569 = arith.constant 0 : i32
    %dma_wait3A_570 = tpu.memref_slice %arg9[%dma_wait3A_567, %dma_wait3A_568, %dma_wait3A_569] : memref<2x8x2048xf32, #tpu.memory_space<vmem>> -> memref<1x8x2048xf32, #tpu.memory_space<vmem>>
    %dma_wait3A_571 = tpu.memref_squeeze %dma_wait3A_570 : memref<1x8x2048xf32, #tpu.memory_space<vmem>> -> memref<8x2048xf32, #tpu.memory_space<vmem>>
    %dma_wait3A_572 = arith.constant 0 : i32
    %dma_wait3A_573 = tpu.memref_slice %arg4[%add3A_494, %dma_wait3A_572] : memref<2048x2048xf32, #tpu.memory_space<hbm>> -> memref<8x2048xf32, #tpu.memory_space<hbm>>
    %dma_wait3A_574 = arith.constant 0 : i32
    %dma_wait3A_575 = tpu.memref_slice %arg4[%add3A_494, %dma_wait3A_574] : memref<2048x2048xf32, #tpu.memory_space<hbm>> -> memref<8x2048xf32, #tpu.memory_space<hbm>>
    %dma_wait3A_576 = arith.constant 0 : i32
    %dma_wait3A_577 = arith.constant 0 : i32
    %dma_wait3A_578 = tpu.memref_slice %arg9[%dma_wait3A_567, %dma_wait3A_576, %dma_wait3A_577] : memref<2x8x2048xf32, #tpu.memory_space<vmem>> -> memref<1x8x2048xf32, #tpu.memory_space<vmem>>
    %dma_wait3A_579 = tpu.memref_squeeze %dma_wait3A_578 : memref<1x8x2048xf32, #tpu.memory_space<vmem>> -> memref<8x2048xf32, #tpu.memory_space<vmem>>
    tpu.wait_dma2 semaphore(%arg14 : memref<!tpu.dma_semaphore, #tpu.memory_space<semaphore_mem>>) src(%dma_wait3A_579 : memref<8x2048xf32, #tpu.memory_space<vmem>>) dst(%dma_wait3A_575 : memref<8x2048xf32, #tpu.memory_space<hbm>>)
    return
  }
}

module attributes {stable_mosaic.version = 14 : i64} {
  func.func @_combine_body(%arg0: i32, %arg1: memref<8x256xf32, #tpu.memory_space<vmem>>, %arg2: memref<1x256xf32, #tpu.memory_space<vmem>>, %arg3: memref<1x1xf32, #tpu.memory_space<vmem>>, %arg4: memref<8x128x2048xf32, #tpu.memory_space<vmem>>, %arg5: memref<2048x128xf32, #tpu.memory_space<vmem>>) attributes {dimension_semantics = [#tpu.dimension_semantics<arbitrary>], iteration_bounds = array<i64: 16>, scalar_prefetch = 0 : i64, scratch_operands = 0 : i64, tpu.core_type = #tpu.core_type<tc>, window_params = [{pipeline_mode = #tpu.pipeline_mode<synchronous>, transform_indices = @transform_0, window_bounds = array<i64: 8, 256>}, {pipeline_mode = #tpu.pipeline_mode<synchronous>, transform_indices = @transform_1, window_bounds = array<i64: 1, 256>}, {pipeline_mode = #tpu.pipeline_mode<synchronous>, transform_indices = @transform_2, window_bounds = array<i64: 1, 1>}, {transform_indices = @transform_3, window_bounds = array<i64: 8, 128, 2048>}, {transform_indices = @transform_4, window_bounds = array<i64: 2048, 128>}]} {
    %get3A = arith.constant 0 : index
    %get3A_0 = arith.constant 0 : index
    %get3A_1 = vector.load %arg1[%get3A, %get3A_0] : memref<8x256xf32, #tpu.memory_space<vmem>>, vector<8x256xf32>
    %get3A_2 = arith.constant 0 : index
    %get3A_3 = arith.constant 0 : index
    %get3A_4 = vector.load %arg2[%get3A_2, %get3A_3] : memref<1x256xf32, #tpu.memory_space<vmem>>, vector<1x256xf32>
    %mul3A = vector.broadcast %get3A_4 : vector<1x256xf32> to vector<8x256xf32>
    %mul3A_5 = arith.mulf %get3A_1, %mul3A : vector<8x256xf32>
    %reduce_sum3A = arith.constant dense<0.000000e+00> : vector<8xf32>
    %reduce_sum3A_6 = vector.multi_reduction <add>, %mul3A_5, %reduce_sum3A [1] : vector<8x256xf32> to vector<8xf32>
    %broadcast_in_dim3A = vector.shape_cast %reduce_sum3A_6 : vector<8xf32> to vector<8x1xf32>
    %get3A_7 = arith.constant 0 : index
    %get3A_8 = arith.constant 0 : index
    %get3A_9 = vector.load %arg3[%get3A_7, %get3A_8] : memref<1x1xf32, #tpu.memory_space<vmem>>, vector<1x1xf32>
    %add3A = vector.broadcast %get3A_9 : vector<1x1xf32> to vector<8x1xf32>
    %add3A_10 = arith.addf %broadcast_in_dim3A, %add3A : vector<8x1xf32>
    %reduce_max3A = vector.shape_cast %add3A_10 : vector<8x1xf32> to vector<1x8x1xf32>
    %reduce_max3A_11 = arith.constant dense<0xFF800000> : vector<1xf32>
    %reduce_max3A_12 = vector.multi_reduction <maximumf>, %reduce_max3A, %reduce_max3A_11 [1, 2] : vector<1x8x1xf32> to vector<1xf32>
    %reduce_max3A_13 = vector.shape_cast %reduce_max3A_12 : vector<1xf32> to vector<1x1x1xf32>
    %reduce_max3A_14 = vector.extract %reduce_max3A_13[0, 0, 0] : f32 from vector<1x1x1xf32>
    %sub3A = vector.broadcast %reduce_max3A_14 : f32 to vector<8x1xf32>
    %sub3A_15 = arith.subf %add3A_10, %sub3A : vector<8x1xf32>
    %exp3A = math.exp %sub3A_15 : vector<8x1xf32>
    %reduce_sum3A_16 = vector.shape_cast %exp3A : vector<8x1xf32> to vector<1x8x1xf32>
    %reduce_sum3A_17 = arith.constant dense<0.000000e+00> : vector<1xf32>
    %reduce_sum3A_18 = vector.multi_reduction <add>, %reduce_sum3A_16, %reduce_sum3A_17 [1, 2] : vector<1x8x1xf32> to vector<1xf32>
    %reduce_sum3A_19 = vector.shape_cast %reduce_sum3A_18 : vector<1xf32> to vector<1x1x1xf32>
    %reduce_sum3A_20 = vector.extract %reduce_sum3A_19[0, 0, 0] : f32 from vector<1x1x1xf32>
    %div3A = vector.broadcast %reduce_sum3A_20 : f32 to vector<8x1xf32>
    %div3A_21 = arith.divf %exp3A, %div3A : vector<8x1xf32>
    %get3A_22 = arith.constant 0 : index
    %get3A_23 = arith.constant 0 : index
    %get3A_24 = arith.constant 0 : index
    %get3A_25 = vector.load %arg4[%get3A_22, %get3A_23, %get3A_24] : memref<8x128x2048xf32, #tpu.memory_space<vmem>>, vector<8x128x2048xf32>
    %slice3A = vector.extract_strided_slice %div3A_21 {offsets = [0, 0], sizes = [1, 1], strides = [1, 1]} : vector<8x1xf32> to vector<1x1xf32>
    %squeeze3A = vector.extract %slice3A[0, 0] : f32 from vector<1x1xf32>
    %slice3A_26 = vector.extract_strided_slice %get3A_25 {offsets = [0, 0, 0], sizes = [1, 128, 2048], strides = [1, 1, 1]} : vector<8x128x2048xf32> to vector<1x128x2048xf32>
    %squeeze3A_27 = vector.shape_cast %slice3A_26 : vector<1x128x2048xf32> to vector<128x2048xf32>
    %neg3A = arith.constant 0.000000e+00 : f32
    %neg3A_28 = vector.broadcast %neg3A : f32 to vector<128x2048xf32>
    %neg3A_29 = arith.subf %neg3A_28, %squeeze3A_27 : vector<128x2048xf32>
    %exp3A_30 = math.exp %neg3A_29 : vector<128x2048xf32>
    %add3A_31 = arith.constant 1.000000e+00 : f32
    %add3A_32 = vector.broadcast %add3A_31 : f32 to vector<128x2048xf32>
    %add3A_33 = arith.addf %add3A_32, %exp3A_30 : vector<128x2048xf32>
    %div3A_34 = arith.constant 1.000000e+00 : f32
    %div3A_35 = vector.broadcast %div3A_34 : f32 to vector<128x2048xf32>
    %div3A_36 = arith.divf %div3A_35, %add3A_33 : vector<128x2048xf32>
    %mul3A_37 = vector.broadcast %squeeze3A : f32 to vector<128x2048xf32>
    %mul3A_38 = arith.mulf %mul3A_37, %div3A_36 : vector<128x2048xf32>
    %slice3A_39 = vector.extract_strided_slice %div3A_21 {offsets = [1, 0], sizes = [1, 1], strides = [1, 1]} : vector<8x1xf32> to vector<1x1xf32>
    %squeeze3A_40 = vector.extract %slice3A_39[0, 0] : f32 from vector<1x1xf32>
    %slice3A_41 = vector.extract_strided_slice %get3A_25 {offsets = [1, 0, 0], sizes = [1, 128, 2048], strides = [1, 1, 1]} : vector<8x128x2048xf32> to vector<1x128x2048xf32>
    %squeeze3A_42 = vector.shape_cast %slice3A_41 : vector<1x128x2048xf32> to vector<128x2048xf32>
    %neg3A_43 = arith.constant 0.000000e+00 : f32
    %neg3A_44 = vector.broadcast %neg3A_43 : f32 to vector<128x2048xf32>
    %neg3A_45 = arith.subf %neg3A_44, %squeeze3A_42 : vector<128x2048xf32>
    %exp3A_46 = math.exp %neg3A_45 : vector<128x2048xf32>
    %add3A_47 = arith.constant 1.000000e+00 : f32
    %add3A_48 = vector.broadcast %add3A_47 : f32 to vector<128x2048xf32>
    %add3A_49 = arith.addf %add3A_48, %exp3A_46 : vector<128x2048xf32>
    %div3A_50 = arith.constant 1.000000e+00 : f32
    %div3A_51 = vector.broadcast %div3A_50 : f32 to vector<128x2048xf32>
    %div3A_52 = arith.divf %div3A_51, %add3A_49 : vector<128x2048xf32>
    %mul3A_53 = vector.broadcast %squeeze3A_40 : f32 to vector<128x2048xf32>
    %mul3A_54 = arith.mulf %mul3A_53, %div3A_52 : vector<128x2048xf32>
    %add3A_55 = arith.addf %mul3A_38, %mul3A_54 : vector<128x2048xf32>
    %slice3A_56 = vector.extract_strided_slice %div3A_21 {offsets = [2, 0], sizes = [1, 1], strides = [1, 1]} : vector<8x1xf32> to vector<1x1xf32>
    %squeeze3A_57 = vector.extract %slice3A_56[0, 0] : f32 from vector<1x1xf32>
    %slice3A_58 = vector.extract_strided_slice %get3A_25 {offsets = [2, 0, 0], sizes = [1, 128, 2048], strides = [1, 1, 1]} : vector<8x128x2048xf32> to vector<1x128x2048xf32>
    %squeeze3A_59 = vector.shape_cast %slice3A_58 : vector<1x128x2048xf32> to vector<128x2048xf32>
    %neg3A_60 = arith.constant 0.000000e+00 : f32
    %neg3A_61 = vector.broadcast %neg3A_60 : f32 to vector<128x2048xf32>
    %neg3A_62 = arith.subf %neg3A_61, %squeeze3A_59 : vector<128x2048xf32>
    %exp3A_63 = math.exp %neg3A_62 : vector<128x2048xf32>
    %add3A_64 = arith.constant 1.000000e+00 : f32
    %add3A_65 = vector.broadcast %add3A_64 : f32 to vector<128x2048xf32>
    %add3A_66 = arith.addf %add3A_65, %exp3A_63 : vector<128x2048xf32>
    %div3A_67 = arith.constant 1.000000e+00 : f32
    %div3A_68 = vector.broadcast %div3A_67 : f32 to vector<128x2048xf32>
    %div3A_69 = arith.divf %div3A_68, %add3A_66 : vector<128x2048xf32>
    %mul3A_70 = vector.broadcast %squeeze3A_57 : f32 to vector<128x2048xf32>
    %mul3A_71 = arith.mulf %mul3A_70, %div3A_69 : vector<128x2048xf32>
    %add3A_72 = arith.addf %add3A_55, %mul3A_71 : vector<128x2048xf32>
    %slice3A_73 = vector.extract_strided_slice %div3A_21 {offsets = [3, 0], sizes = [1, 1], strides = [1, 1]} : vector<8x1xf32> to vector<1x1xf32>
    %squeeze3A_74 = vector.extract %slice3A_73[0, 0] : f32 from vector<1x1xf32>
    %slice3A_75 = vector.extract_strided_slice %get3A_25 {offsets = [3, 0, 0], sizes = [1, 128, 2048], strides = [1, 1, 1]} : vector<8x128x2048xf32> to vector<1x128x2048xf32>
    %squeeze3A_76 = vector.shape_cast %slice3A_75 : vector<1x128x2048xf32> to vector<128x2048xf32>
    %neg3A_77 = arith.constant 0.000000e+00 : f32
    %neg3A_78 = vector.broadcast %neg3A_77 : f32 to vector<128x2048xf32>
    %neg3A_79 = arith.subf %neg3A_78, %squeeze3A_76 : vector<128x2048xf32>
    %exp3A_80 = math.exp %neg3A_79 : vector<128x2048xf32>
    %add3A_81 = arith.constant 1.000000e+00 : f32
    %add3A_82 = vector.broadcast %add3A_81 : f32 to vector<128x2048xf32>
    %add3A_83 = arith.addf %add3A_82, %exp3A_80 : vector<128x2048xf32>
    %div3A_84 = arith.constant 1.000000e+00 : f32
    %div3A_85 = vector.broadcast %div3A_84 : f32 to vector<128x2048xf32>
    %div3A_86 = arith.divf %div3A_85, %add3A_83 : vector<128x2048xf32>
    %mul3A_87 = vector.broadcast %squeeze3A_74 : f32 to vector<128x2048xf32>
    %mul3A_88 = arith.mulf %mul3A_87, %div3A_86 : vector<128x2048xf32>
    %add3A_89 = arith.addf %add3A_72, %mul3A_88 : vector<128x2048xf32>
    %slice3A_90 = vector.extract_strided_slice %div3A_21 {offsets = [4, 0], sizes = [1, 1], strides = [1, 1]} : vector<8x1xf32> to vector<1x1xf32>
    %squeeze3A_91 = vector.extract %slice3A_90[0, 0] : f32 from vector<1x1xf32>
    %slice3A_92 = vector.extract_strided_slice %get3A_25 {offsets = [4, 0, 0], sizes = [1, 128, 2048], strides = [1, 1, 1]} : vector<8x128x2048xf32> to vector<1x128x2048xf32>
    %squeeze3A_93 = vector.shape_cast %slice3A_92 : vector<1x128x2048xf32> to vector<128x2048xf32>
    %neg3A_94 = arith.constant 0.000000e+00 : f32
    %neg3A_95 = vector.broadcast %neg3A_94 : f32 to vector<128x2048xf32>
    %neg3A_96 = arith.subf %neg3A_95, %squeeze3A_93 : vector<128x2048xf32>
    %exp3A_97 = math.exp %neg3A_96 : vector<128x2048xf32>
    %add3A_98 = arith.constant 1.000000e+00 : f32
    %add3A_99 = vector.broadcast %add3A_98 : f32 to vector<128x2048xf32>
    %add3A_100 = arith.addf %add3A_99, %exp3A_97 : vector<128x2048xf32>
    %div3A_101 = arith.constant 1.000000e+00 : f32
    %div3A_102 = vector.broadcast %div3A_101 : f32 to vector<128x2048xf32>
    %div3A_103 = arith.divf %div3A_102, %add3A_100 : vector<128x2048xf32>
    %mul3A_104 = vector.broadcast %squeeze3A_91 : f32 to vector<128x2048xf32>
    %mul3A_105 = arith.mulf %mul3A_104, %div3A_103 : vector<128x2048xf32>
    %add3A_106 = arith.addf %add3A_89, %mul3A_105 : vector<128x2048xf32>
    %slice3A_107 = vector.extract_strided_slice %div3A_21 {offsets = [5, 0], sizes = [1, 1], strides = [1, 1]} : vector<8x1xf32> to vector<1x1xf32>
    %squeeze3A_108 = vector.extract %slice3A_107[0, 0] : f32 from vector<1x1xf32>
    %slice3A_109 = vector.extract_strided_slice %get3A_25 {offsets = [5, 0, 0], sizes = [1, 128, 2048], strides = [1, 1, 1]} : vector<8x128x2048xf32> to vector<1x128x2048xf32>
    %squeeze3A_110 = vector.shape_cast %slice3A_109 : vector<1x128x2048xf32> to vector<128x2048xf32>
    %neg3A_111 = arith.constant 0.000000e+00 : f32
    %neg3A_112 = vector.broadcast %neg3A_111 : f32 to vector<128x2048xf32>
    %neg3A_113 = arith.subf %neg3A_112, %squeeze3A_110 : vector<128x2048xf32>
    %exp3A_114 = math.exp %neg3A_113 : vector<128x2048xf32>
    %add3A_115 = arith.constant 1.000000e+00 : f32
    %add3A_116 = vector.broadcast %add3A_115 : f32 to vector<128x2048xf32>
    %add3A_117 = arith.addf %add3A_116, %exp3A_114 : vector<128x2048xf32>
    %div3A_118 = arith.constant 1.000000e+00 : f32
    %div3A_119 = vector.broadcast %div3A_118 : f32 to vector<128x2048xf32>
    %div3A_120 = arith.divf %div3A_119, %add3A_117 : vector<128x2048xf32>
    %mul3A_121 = vector.broadcast %squeeze3A_108 : f32 to vector<128x2048xf32>
    %mul3A_122 = arith.mulf %mul3A_121, %div3A_120 : vector<128x2048xf32>
    %add3A_123 = arith.addf %add3A_106, %mul3A_122 : vector<128x2048xf32>
    %slice3A_124 = vector.extract_strided_slice %div3A_21 {offsets = [6, 0], sizes = [1, 1], strides = [1, 1]} : vector<8x1xf32> to vector<1x1xf32>
    %squeeze3A_125 = vector.extract %slice3A_124[0, 0] : f32 from vector<1x1xf32>
    %slice3A_126 = vector.extract_strided_slice %get3A_25 {offsets = [6, 0, 0], sizes = [1, 128, 2048], strides = [1, 1, 1]} : vector<8x128x2048xf32> to vector<1x128x2048xf32>
    %squeeze3A_127 = vector.shape_cast %slice3A_126 : vector<1x128x2048xf32> to vector<128x2048xf32>
    %neg3A_128 = arith.constant 0.000000e+00 : f32
    %neg3A_129 = vector.broadcast %neg3A_128 : f32 to vector<128x2048xf32>
    %neg3A_130 = arith.subf %neg3A_129, %squeeze3A_127 : vector<128x2048xf32>
    %exp3A_131 = math.exp %neg3A_130 : vector<128x2048xf32>
    %add3A_132 = arith.constant 1.000000e+00 : f32
    %add3A_133 = vector.broadcast %add3A_132 : f32 to vector<128x2048xf32>
    %add3A_134 = arith.addf %add3A_133, %exp3A_131 : vector<128x2048xf32>
    %div3A_135 = arith.constant 1.000000e+00 : f32
    %div3A_136 = vector.broadcast %div3A_135 : f32 to vector<128x2048xf32>
    %div3A_137 = arith.divf %div3A_136, %add3A_134 : vector<128x2048xf32>
    %mul3A_138 = vector.broadcast %squeeze3A_125 : f32 to vector<128x2048xf32>
    %mul3A_139 = arith.mulf %mul3A_138, %div3A_137 : vector<128x2048xf32>
    %add3A_140 = arith.addf %add3A_123, %mul3A_139 : vector<128x2048xf32>
    %slice3A_141 = vector.extract_strided_slice %div3A_21 {offsets = [7, 0], sizes = [1, 1], strides = [1, 1]} : vector<8x1xf32> to vector<1x1xf32>
    %squeeze3A_142 = vector.extract %slice3A_141[0, 0] : f32 from vector<1x1xf32>
    %slice3A_143 = vector.extract_strided_slice %get3A_25 {offsets = [7, 0, 0], sizes = [1, 128, 2048], strides = [1, 1, 1]} : vector<8x128x2048xf32> to vector<1x128x2048xf32>
    %squeeze3A_144 = vector.shape_cast %slice3A_143 : vector<1x128x2048xf32> to vector<128x2048xf32>
    %neg3A_145 = arith.constant 0.000000e+00 : f32
    %neg3A_146 = vector.broadcast %neg3A_145 : f32 to vector<128x2048xf32>
    %neg3A_147 = arith.subf %neg3A_146, %squeeze3A_144 : vector<128x2048xf32>
    %exp3A_148 = math.exp %neg3A_147 : vector<128x2048xf32>
    %add3A_149 = arith.constant 1.000000e+00 : f32
    %add3A_150 = vector.broadcast %add3A_149 : f32 to vector<128x2048xf32>
    %add3A_151 = arith.addf %add3A_150, %exp3A_148 : vector<128x2048xf32>
    %div3A_152 = arith.constant 1.000000e+00 : f32
    %div3A_153 = vector.broadcast %div3A_152 : f32 to vector<128x2048xf32>
    %div3A_154 = arith.divf %div3A_153, %add3A_151 : vector<128x2048xf32>
    %mul3A_155 = vector.broadcast %squeeze3A_142 : f32 to vector<128x2048xf32>
    %mul3A_156 = arith.mulf %mul3A_155, %div3A_154 : vector<128x2048xf32>
    %add3A_157 = arith.addf %add3A_140, %mul3A_156 : vector<128x2048xf32>
    %reshape3A = vector.shape_cast %add3A_157 : vector<128x2048xf32> to vector<2048x128xf32>
    %swap3A = arith.constant 0 : index
    %swap3A_158 = arith.constant 0 : index
    %swap3A_159 = vector.load %arg5[%swap3A, %swap3A_158] : memref<2048x128xf32, #tpu.memory_space<vmem>>, vector<2048x128xf32>
    tpu.vector_store %arg5[%swap3A, %swap3A_158], %reshape3A {strides = array<i32>} : memref<2048x128xf32, #tpu.memory_space<vmem>>, vector<2048x128xf32>,
    return
  }
  func.func @transform_0(%arg0: i32) -> (i32, i32) {
    %c0_i32 = arith.constant 0 : i32
    %c0_i32_0 = arith.constant 0 : i32
    %c0_i32_1 = arith.constant 0 : i32
    return %c0_i32, %c0_i32_0 : i32, i32
  }
  func.func @transform_1(%arg0: i32) -> (i32, i32) {
    %c0_i32 = arith.constant 0 : i32
    %c0_i32_0 = arith.constant 0 : i32
    %c0_i32_1 = arith.constant 0 : i32
    return %c0_i32, %c0_i32_0 : i32, i32
  }
  func.func @transform_2(%arg0: i32) -> (i32, i32) {
    %c0_i32 = arith.constant 0 : i32
    %c0_i32_0 = arith.constant 0 : i32
    %c0_i32_1 = arith.constant 0 : i32
    return %c0_i32, %c0_i32_0 : i32, i32
  }
  func.func @transform_3(%arg0: i32) -> (i32, i32, i32) {
    %c0_i32 = arith.constant 0 : i32
    %c0_i32_0 = arith.constant 0 : i32
    %c0_i32_1 = arith.constant 0 : i32
    return %c0_i32, %arg0, %c0_i32_0 : i32, i32, i32
  }
  func.func @transform_4(%arg0: i32) -> (i32, i32) {
    %c0_i32 = arith.constant 0 : i32
    %c0_i32_0 = arith.constant 0 : i32
    return %arg0, %c0_i32 : i32, i32
  }
}

</mosaic_0001>

<sc_bundles>
// kernel: kernel.4.cloned.1.call-start
scs
__scs_entry_jumppad:
0x0: {  	(pc) =	sbr.rel $0x88, $3  }
0x1: {  	(tag) =	ssettag $0x0;
	lr =	simm.s32 $0x1  }
0x2: {  	[smem:$0x3F9C] =	sst lr;
	_ =	strace $0xD0000000  }
0x3: {  	_ = 	snop  }
0x4: {  	_ = 	snop  }
0x5: {  	_ = 	snop  }
0x6: {  	_ = 	snop  }
0x7: {  	_ = 	snop  }
__scs_overlays_trampoline_lowered:
0x8: {  	[smem:$0x3FAB] =	sst s0  }
0x9: {  	[smem:$0x3FAC] =	sst s1  }
0xa: {  	[smem:$0x3FAD] =	sst s2  }
0xb: {  	[smem:$0x3FAE] =	sst s3  }
0xc: {  	[smem:$0x3FAF] =	sst s4  }
0xd: {  	[smem:$0x3FB0] =	sst s5  }
0xe: {  	[smem:$0x3FB1] =	sst s6  }
0xf: {  	[smem:$0x3FB2] =	sst s7  }
0x10: {  	[smem:$0x3FB3] =	sst s8  }
0x11: {  	[smem:$0x3FB4] =	sst s9;
	s0 =	simm.s32 @!p0 $0x0  }
0x12: {  	s1 =	sld [smem:$0x3F9A];
	s0 =	simm.s32 @p0 $0x1  }
0x13: {  	[smem:$0x3FB5] =	sst s0;
	s0 =	simm.s32 @!p1 $0x0  }
0x14: {  	s2 =	sld [smem:$0x3F99];
	s0 =	simm.s32 @p1 $0x1  }
0x15: {  	[smem:$0x3FB6] =	sst s0;
	s0 =	simm.s32 @!p2 $0x0  }
0x16: {  	s3 =	sld [smem:$0x3FDB];
	s0 =	simm.s32 @p2 $0x1  }
0x17: {  	s4 =	simm.s32 $0x1BF5;
	[smem:$0x3FB8] =	sst s0  }
0x18: {  	s0 =	sld [smem:$0x3F9B];
	_ =	swait.ge [sflag:s4], $0x0  }
0x19: {  	s7 =	sld [smem:$0x3F9C]  }
0x1a: {  	s8 =	sadd.s32 $0xFFFFE003, lr  }
0x1b: {  	s9 =	sadd.s32 $0xFFFFFEF7, lr;
	s5 =	simm.s32 $0xFFFFFFFF;
	p2 =	slt.u32 s8, $0xFFFFF086  }
0x1c: {  	p1 =	slt.u32 s9, $0xF7A;
	s5 =	simm.s32 @!p2 $0x0  }
0x1d: {  	s5 =	simm.s32 @p1 $0x1;
	p0 =	seq.s32 s7, s2  }
0x1e: {  	s7 =	smul.u32 @!p0 $0xF7A, s2;
	p2 =	seq.s32 @!p0 s5, $0x0  }
0x1f: {  	s9 =	smul.u32 $0xF7A, s1;
	s8 =	simm.s32 @!p0 $0x1BF5;
	p2 =	por !p2, p0  }
0x20: {  	[sflag:s8] =	ssyncset.s32 @!p0 $0xFFFFF086;
	s6 =	sadd.s32 @!p0 s3, s7;
	s7 =	simm.s32 @!p0 $0x108  }
0x21: {  	s3 =	sadd.s32 s3, s9;
	s6 =	sadd.s32 @!p0 $0x88, s6;
	s7 =	simm.s32 @p2 $0x1082  }
0x22: {  	[simem:s7], [sflag:s8] =	dma.local @!p0 [hbm:s6], $0xF7A  }
0x23: {  	s9 =	sor.u32 $0xD0000000, s2;
	s6 =	simm.s32 $0x108;
	_ =	swait.ge @!p0 [sflag:s8], $0x0  }
0x24: {  	s3 =	sadd.s32 $0x88, s3;
	s6 =	simm.s32 @!p1 $0x1082;
	[sflag:s4] =	ssyncset.s32 $0xFFFFF086  }
0x25: {  	[simem:s6], [sflag:s4] =	dma.local [hbm:s3], $0xF7A  }
0x26: {  	[smem:$0x3F9C] =	sst s1;
	(tag) =	ssettag s2;
	_ =	strace s9  }
0x27: {  	s1 =	sld [smem:$0x3FAC]  }
0x28: {  	s2 =	sld [smem:$0x3FAD]  }
0x29: {  	s4 =	sld [smem:$0x3FAF]  }
0x2a: {  	p0 =	seq.s32 s5, $0x0;
	s5 =	sld [smem:$0x3FB0]  }
0x2b: {  	s6 =	sld [smem:$0x3FB1]  }
0x2c: {  	s7 =	sld [smem:$0x3FB2]  }
0x2d: {  	s3 =	simm.s32 $0x108;
	s8 =	sld [smem:$0x3FB3]  }
0x2e: {  	s3 =	simm.s32 @!p0 $0x1082;
	s9 =	sld [smem:$0x3FB4]  }
0x2f: {  	lr =	sadd.s32 s0, s3;
	s0 =	sld [smem:$0x3FAB]  }
0x30: {  	s3 =	sld [smem:$0x3FAE]  }
0x31: {  	[smem:$0x3FB7] =	sst s10  }
0x32: {  	s10 =	sld [smem:$0x3FB5];
	_ =	sdelay $0x3  }
0x33: {  	p0 =	seq.s32 s10, $0x1;
	s10 =	sld [smem:$0x3FB7];
	_ =	sdelay $0x3  }
0x34: {  	[smem:$0x3FB7] =	sst s10  }
0x35: {  	s10 =	sld [smem:$0x3FB6];
	_ =	sdelay $0x3  }
0x36: {  	p1 =	seq.s32 s10, $0x1;
	s10 =	sld [smem:$0x3FB7];
	_ =	sdelay $0x3  }
0x37: {  	[smem:$0x3FB7] =	sst s10  }
0x38: {  	s10 =	sld [smem:$0x3FB8]  }
0x39: {  	_ = 	snop;
	(pc) =	sbr.ind lr, $3  }
0x3a: {  	_ = 	snop  }
0x3b: {  	_ = 	snop  }
0x3c: {  	p2 =	seq.s32 s10, $0x1;
	s10 =	sld [smem:$0x3FB7]  }
0x3d: {  	_ =	shalt  }
0x3e: {  	_ =	shalt  }
0x3f: {  	_ =	shalt  }
0x40: {  	_ =	shalt  }
0x41: {  	_ =	shalt  }
0x42: {  	_ =	shalt  }
0x43: {  	_ =	shalt  }
0x44: {  	_ =	shalt  }
0x45: {  	_ =	shalt  }
0x46: {  	_ =	shalt  }
0x47: {  	_ =	shalt  }
0x48: {  	_ =	shalt  }
0x49: {  	_ =	shalt  }
0x4a: {  	_ =	shalt  }
0x4b: {  	_ =	shalt  }
0x4c: {  	_ =	shalt  }
0x4d: {  	_ =	shalt  }
0x4e: {  	_ =	shalt  }
0x4f: {  	_ =	shalt  }
0x50: {  	_ =	shalt  }
0x51: {  	_ =	shalt  }
0x52: {  	_ =	shalt  }
0x53: {  	_ =	shalt  }
0x54: {  	_ =	shalt  }
0x55: {  	_ =	shalt  }
0x56: {  	_ =	shalt  }
0x57: {  	_ =	shalt  }
0x58: {  	_ =	shalt  }
0x59: {  	_ =	shalt  }
0x5a: {  	_ =	shalt  }
0x5b: {  	_ =	shalt  }
0x5c: {  	_ =	shalt  }
0x5d: {  	_ =	shalt  }
0x5e: {  	_ =	shalt  }
0x5f: {  	_ =	shalt  }
0x60: {  	_ =	shalt  }
0x61: {  	_ =	shalt  }
0x62: {  	_ =	shalt  }
0x63: {  	_ =	shalt  }
0x64: {  	_ =	shalt  }
0x65: {  	_ =	shalt  }
0x66: {  	_ =	shalt  }
0x67: {  	_ =	shalt  }
0x68: {  	_ =	shalt  }
0x69: {  	_ =	shalt  }
0x6a: {  	_ =	shalt  }
0x6b: {  	_ =	shalt  }
0x6c: {  	_ =	shalt  }
0x6d: {  	_ =	shalt  }
0x6e: {  	_ =	shalt  }
0x6f: {  	_ =	shalt  }
0x70: {  	_ =	shalt  }
0x71: {  	_ =	shalt  }
0x72: {  	_ =	shalt  }
0x73: {  	_ =	shalt  }
0x74: {  	_ =	shalt  }
0x75: {  	_ =	shalt  }
0x76: {  	_ =	shalt  }
0x77: {  	_ =	shalt  }
0x78: {  	_ =	shalt  }
0x79: {  	_ =	shalt  }
0x7a: {  	_ =	shalt  }
0x7b: {  	_ =	shalt  }
0x7c: {  	_ =	shalt  }
0x7d: {  	_ =	shalt  }
0x7e: {  	_ =	shalt  }
0x7f: {  	_ =	shalt  }
0x80: {  	_ =	shalt  }
0x81: {  	_ =	shalt  }
0x82: {  	_ =	shalt  }
0x83: {  	_ =	shalt  }
0x84: {  	_ =	shalt  }
0x85: {  	_ =	shalt  }
0x86: {  	_ =	shalt  }
0x87: {  	_ =	shalt  }
.Lfunc_end0:
.L_simem_size_0:
called_computation_lowered:
.L_overlay_start_0:
0x88: {  	s2 =	sld [smem:$0x3FD9]  }
0x89: {  	s3 =	sld [smem:$0x3FFE];
	_ =	sdelay $0x1  }
0x8a: {  	s1 =	srdreg.scid  }
0x8b: {  	s0 =	sand.u32 $0x1, s1  }
0x8c: {  	s17 =	sshll.u32 s0, $0xA;
	s2 =	sadd.s32 s3, s2  }
0x8d: {  	s2 =	sadd.s32 s2, s17  }
0x8e: {  	[smem:$0x3FC3] =	sst s2  }
0x8f: {  	_ = 	snop  }
0x90: {  	s2 =	sld [smem:$0x3FC8]  }
0x91: {  	s18 =	sld [smem:$0x3FD0];
	(tm) =	ssettm $0x1  }
0x92: {  	s4 =	sld [smem:$0x3FFB];
	_ =	sdelay $0x3  }
0x93: {  	_ =	strace s4  }
0x94: {  	s4 =	sld [smem:$0x3FFC];
	_ =	sdelay $0x3  }
0x95: {  	_ =	strace s4  }
0x96: {  	s4 =	sld [smem:$0x3FFD];
	_ =	sdelay $0x3  }
0x97: {  	_ =	strace s4  }
0x98: {  	_ =	strace $0x8FFFFFFF  }
0x99: {  	s19 =	sld [smem:$0x3FDB];
	_ =	sdelay $0x1  }
0x9a: {  	s5 =	simm.s32 $_scs_section_size  }
0x9b: {  	s6 =	simm.s32 $_size__tile_overlayer_lowered;
	s7 =	simm.s32 $_tile_overlayer_lowered  }
0x9c: {  	s22 =	simm.s32 $0x1BFF;
	s21 =	sshll.u32 s7, $0x1;
	s4 =	sadd.s32 s5, s19  }
0x9d: {  	s8 =	simm.s32 $0x0;
	s20 =	sshll.u32 s6, $0x1;
	s6 =	sadd.s32 s21, s4  }
0x9e: {  	[timem:s8], [sflag:s22] =	dma.local [hbm:s6], s20  }
0x9f: {  	_ =	swait.ge [sflag:s22], s20  }
0xa0: {  	s5 =	ssub.s32 $0x0, s20;
	[sflag:s22] =	ssyncset.done $0x0  }
0xa1: {  	[sflag:s22] =	ssyncadd.s32 s5;
	_ =	sdelay $0x1  }
0xa2: {  	s23 =	simm.s32 $0x1B8B  }
0xa3: {  	_ =	swait.ge [sflag:s23], $0x1  }
0xa4: {  	[sflag:s23] =	ssyncset.done $0x0  }
0xa5: {  	s25 =	simm.s32 $0x1B8E;
	s24 =	sld [smem:$0x3FFE];
	[sflag:s23] =	ssyncadd.s32 $0xFFFFFFFF  }
0xa6: {  	s26 =	simm.s32 $execute0_lowered;
	[smem:$0x3FD2] =	sst s25  }
0xa7: {  	s6 =	sshll.u32 s26, $0x1;
	_ =	strace $0x80000046;
	[dreg:$0x1] =	wrdreg $0xFFFFFFFF  }
0xa8: {  	s28 =	simm.s32 $_size_execute0_lowered;
	s4 =	sadd.s32 s4, s6;
	[dreg:$0x0] =	wrdreg $0x0  }
0xa9: {  	s6 =	sshll.u32 s28, $0x1;
	[dreg:$0x2] =	wrdreg s4  }
0xaa: {  	[dreg:$0x3] =	wrdreg s6  }
0xab: {  	[dreg:$0x4] =	wrdreg $0xC0  }
0xac: {  	_ =	task [dreg:s8], $0x5FFFF  }
0xad: {  	[dreg:$0x1] =	wrdreg $0xFFFFFFFF  }
0xae: {  	[dreg:$0x0] =	wrdreg $0x60  }
0xaf: {  	[dreg:$0x2] =	wrdreg s18  }
0xb0: {  	[dreg:$0x3] =	wrdreg s2  }
0xb1: {  	[dreg:$0x4] =	wrdreg s24  }
0xb2: {  	[dreg:$0x5] =	wrdreg $0x9  }
0xb3: {  	_ =	task.clear_ibuf [dreg:s8], $0x6FFFF;
	_ =	strace $0x90000046  }
0xb4: {  	s29 =	simm.s32 $0x9;
	_ =	strace $0x80000048  }
0xb5: {  	_ =	swait.ge [sflag:s29], $0x1  }
0xb6: {  	[sflag:s29] =	ssyncadd.s32 $0xFFFFFFFF  }
0xb7: {  	_ =	strace $0x90000048  }
0xb8: {  	_ =	sfence  }
0xb9: {  	s30 =	sld [smem:$0x0];
	_ =	sdelay $0x2  }
0xba: {  	s31 =	sshll.u32 s1, $0xD;
	s1 =	sshrl.u32 s1, $0x2  }
0xbb: {  	s3 =	sand.u32 $0x4000, s31;
	s1 =	sadd.s32 s1, s30  }
0xbc: {  	s0 =	sor.u32 s3, s0;
	s1 =	sshll.u32 s1, $0x11  }
0xbd: {  	s0 =	sor.u32 s1, s0  }
0xbe: {  	s0 =	sadd.s32 $0x8F2B, s0  }
0xbf: {  	[sflag:s0] =	ssyncadd.remote.s32 $0x1  }
0xc0: {  	_ =	sfence.sel $0xFFFF  }
0xc1: {  	[dreg:$0x0] =	wrdreg $0xFFFFFFFF;
	(pc) =	sbr.abs _section_cstart, $3  }
0xc2: {  	[dreg:$0x1] =	wrdreg $0xFFFFFFFF  }
0xc3: {  	_ =	task.clear_ibuf [dreg:s8], $0x2FFFF;
	_ =	strace $0x9FFFFFFF  }
0xc4: {  	(tm) =	ssettm $0x7FFFFFFF  }
0xc5: {  	_ =	shalt  }
tec
execute0_lowered:
.L_overlay_start_1:
0x0: {  	(tag) =	ssettag $0x1  }
0x1: {  	s1 =	rddreg [dreg:$0x0]  }
0x2: {  	s0 =	srdreg.scid;
	s3 =	stileid.u32  }
0x3: {  	s2 =	rddreg [dreg:$0x2];
	s5 =	simm.s32 $0x0;
	s15 =	simm.s32 $0x6  }
0x4: {  	s16 =	simm.s32 $0x800;
	s17 =	simm.s32 $0x80;
	s19 =	simm.s32 $0x1400  }
0x5: {  	s21 =	simm.s32 $0x5400;
	s22 =	simm.s32 $0x1;
	s24 =	simm.s32 $0x9400  }
0x6: {  	s25 =	simm.s32 $0xD400;
	s26 =	simm.s32 $0x2;
	s29 =	simm.s32 $0x11400  }
0x7: {  	s30 =	simm.s32 $0x3;
	s23 =	simm.s32 $0x0;
	s0 =	sand.u32 $0x1, s0  }
0x8: {  	s3 =	sshll.u32 s3, $0x7;
	s4 =	sshll.u32 s0, $0x6;
	s0 =	ssub.s32 $0x2, s0  }
0x9: {  	[smem:$0x7FF] =	sst s5;
	s4 =	sor.u32 s4, s3;
	s31 =	sshrl.u32 s0, $0x1  }
0xa: {  	_ =	strace $0x80000047;
	s3 =	sshll.u32 s4, $0x8;
	s0 =	ssub.s32 s0, s31  }
0xb: {  	s2 =	sadd.s32 s3, s2;
	s14 =	smax.u32 s0, $0x1;
	s3 =	simm.s32 $0x5  }
0xc: {  	s6 =	sadd.s32 $0xA00, s2;
	s7 =	sadd.s32 $0x1200, s2;
	s8 =	sadd.s32 $0x1A00, s2  }
0xd: {  	s9 =	sadd.s32 $0x2200, s2;
	s10 =	sadd.s32 $0x2A00, s2;
	s11 =	sadd.s32 $0x3200, s2  }
0xe: {  	v0 =	vlaneseq.u32;
	s12 =	sadd.s32 $0x3A00, s2;
	s13 =	sadd.s32 $0x4200, s2;
	s2 =	simm.s32 $0x4  }
.LBB2_1:
0xf: {  	s0 =	rddreg [dreg:$0x1]  }
0x10: {  	[tilespmem:s5], [sflag:$0x6] =	stream.linear.gather [hbm4b:s0+s5], $0x800, $0x38;
	[tilespmem:$0x15400] =	vst v63  }
0x11: {  	_ =	swait.ge [sflag:s15], $0x800  }
0x12: {  	[sflag:s15] =	ssyncset.done $0x0  }
0x13: {  	s0 =	simm.s32 $0x0;
	[sflag:s15] =	ssyncadd.s32 $0xFFFFF800  }
0x14: {  	v1 =	vld [tilespmem:s0+$0x0];
	_ =	sdelay $0x4  }
0x15: {  	v1 =	vmul.f32 $2.048000000e+03, v1;
	_ =	sdelay $0x1  }
0x16: {  	s28 =	simm.s32 $0x10;
	v1 =	vtrunc.f32 v1  }
0x17: {  	v2 =	vcvt.f32.s32 v1;
	v1 =	vld [tilespmem:s28+$0x0];
	_ =	sdelay $0x3  }
0x18: {  	s31 =	simm.s32 $0x80;
	vm0 =	vgt.s32 v2, $0x0  }
.LBB2_2:
0x19: {  	s18 =	sshra.s32 s31, $0x2;
	p0 =	sne.s32 s31, $0x1FC0;
	s31 =	sadd.s32 $0x40, s31;
	v3 =	vmul.f32 $2.048000000e+03, v1;
	v2 =	vnsel vm0, $0x0, v2  }
.Ltmp0:
0x1a: {  	v1 =	vld [tilespmem:s18+$0x0];
	v2 =	vmin.u32 v2, $0x7FF;
	(pc) =	sbr.rel @p0 .LBB2_2-.Ltmp0, $3  }
0x1b: {  	v3 =	vtrunc.f32 v3;
	[tilespmem:s0+$0x800] =	vst v2;
	s0 =	smov.u32 s28;
	s28 =	smov.u32 s18  }
0x1c: {  	v2 =	vcvt.f32.s32 v3;
	_ =	sdelay $0x1  }
0x1d: {  	vm0 =	vgt.s32 v2, $0x0  }
0x1e: {  	v1 =	vmul.f32 $2.048000000e+03, v1;
	_ =	sdelay $0x1  }
0x1f: {  	v1 =	vtrunc.f32 v1  }
0x20: {  	v1 =	vcvt.f32.s32 v1  }
0x21: {  	v3 =	vmov s4  }
0x22: {  	v2 =	vnsel vm0, $0x0, v2;
	vm15 =	vgt.s32 v1, $0x0  }
0x23: {  	v2 =	vmin.u32 v2, $0x7FF;
	v1 =	vnsel vm15, $0x0, v1  }
0x24: {  	[tilespmem:s0+$0x800] =	vst v2;
	v1 =	vmin.u32 v1, $0x7FF  }
0x25: {  	[tilespmem:s28+$0x800] =	vst v1  }
0x26: {  	v2 =	vld.idx.msk [tilespmem:v3+s16+$0x0], $0xffff;
	_ =	sdelay $0x1  }
0x27: {  	s31 =	sadd.s32 $0x1, s4  }
0x28: {  	s18 =	simm.s32 $0x80;
	s0 =	simm.s32 $0x40;
	s28 =	simm.s32 $0x0;
	v1 =	vmov s31  }
.LBB2_4:
0x29: {  	p0 =	sne.s32 s18, $0xFC0  }
0x2a: {  	v2 =	vshll.u32 v2, $0x4  }
0x2b: {  	s20 =	sshra.s32 s28, $0x2;
	s28 =	smov.u32 s0;
	s0 =	smov.u32 s18;
	v2 =	vor.u32 v0, v2  }
0x2c: {  	[tilespmem:s20+$0x1000] =	vst v2  }
.Ltmp1:
0x2d: {  	v2 =	vld.idx.msk [tilespmem:v1+s16+$0x0], $0xffff;
	(pc) =	sbr.rel @p0 .LBB2_4-.Ltmp1, $3  }
0x2e: {  	_ =	sdelay $0x1  }
0x2f: {  	s31 =	sadd.s32 $0x1, s31  }
0x30: {  	s18 =	sadd.s32 $0x40, s18;
	v1 =	vmov s31  }
0x31: {  	_ = 	snop  }
0x32: {  	v2 =	vshll.u32 v2, $0x4  }
0x33: {  	s18 =	sshra.s32 s28, $0x2;
	v2 =	vor.u32 v0, v2  }
0x34: {  	[tilespmem:s18+$0x1000] =	vst v2  }
0x35: {  	v1 =	vld.idx.msk [tilespmem:v1+s16+$0x0], $0xffff;
	_ =	sdelay $0x4  }
0x36: {  	v1 =	vshll.u32 v1, $0x4  }
0x37: {  	s0 =	sshra.s32 s0, $0x2;
	v1 =	vor.u32 v0, v1  }
0x38: {  	s20 =	simm.s32 $0x1000;
	[tilespmem:s0+$0x1000] =	vst v1  }
0x39: {  	[tilespmem:s19], [sflag:$0x1] =	stream.indirect.gather [hbm4b:s1+s17], $0x80, s20, s17, $0xb8;
	[tilespmem:$0x15400] =	vst v63  }
0x3a: {  	s18 =	simm.s32 $0x1080  }
0x3b: {  	[tilespmem:s21], [sflag:$0x2] =	stream.indirect.gather [hbm4b:s1+s17], $0x80, s18, s17, $0xb8;
	[tilespmem:$0x15400] =	vst v63  }
0x3c: {  	_ =	swait.ge [sflag:s22], $0x4000  }
0x3d: {  	[sflag:s22] =	ssyncset.done $0x0  }
0x3e: {  	s31 =	simm.s32 $0x0;
	s20 =	simm.s32 $0x1100;
	[sflag:s22] =	ssyncadd.s32 $0xFFFFC000  }
0x3f: {  	[tilespmem:s24], [sflag:$0x3] =	stream.indirect.gather [hbm4b:s1+s17], $0x80, s20, s17, $0xb8;
	[tilespmem:$0x15400] =	vst v63  }
0x40: {  	v7 =	vld [tilespmem:s31+$0x800];
	_ =	sdelay $0x4  }
0x41: {  	v3 =	vadd.s32 $0x3800, v7  }
0x42: {  	v4 =	vadd.s32 $0x800, v7  }
0x43: {  	s28 =	simm.s32 $0x10;
	v5 =	vadd.s32 $0x1000, v7  }
0x44: {  	v1 =	vld [tilespmem:s28+$0x800];
	v6 =	vadd.s32 $0x1800, v7  }
0x45: {  	v10 =	vadd.s32 $0x2000, v7;
	v2 =	vld.idx.msk [tilespmem:v7+s19+$0x0], $0xffff  }
0x46: {  	v8 =	vadd.s32 $0x2800, v7;
	v3 =	vld.idx.msk [tilespmem:v3+s19+$0x0], $0xffff  }
0x47: {  	v9 =	vadd.s32 $0x3000, v7;
	v4 =	vld.idx.msk [tilespmem:v4+s19+$0x0], $0xffff  }
0x48: {  	v5 =	vld.idx.msk [tilespmem:v5+s19+$0x0], $0xffff  }
0x49: {  	v6 =	vld.idx.msk [tilespmem:v6+s19+$0x0], $0xffff  }
0x4a: {  	s0 =	simm.s32 $0x80;
	v7 =	vld.idx.msk [tilespmem:v10+s19+$0x0], $0xffff  }
.LBB2_6:
0x4b: {  	p0 =	sne.s32 s0, $0x1FC0;
	v8 =	vld.idx.msk [tilespmem:v8+s19+$0x0], $0xffff  }
0x4c: {  	v9 =	vld.idx.msk [tilespmem:v9+s19+$0x0], $0xffff;
	[tilespmem:s31+$0x10C00] =	vst v3  }
0x4d: {  	[tilespmem:s31+$0xDC00] =	vst v4  }
0x4e: {  	[tilespmem:s31+$0xE400] =	vst v5  }
0x4f: {  	[tilespmem:s31+$0xEC00] =	vst v6  }
0x50: {  	v3 =	vadd.s32 $0x3800, v1;
	[tilespmem:s31+$0xF400] =	vst v7  }
0x51: {  	v4 =	vadd.s32 $0x800, v1;
	[tilespmem:s31+$0xFC00] =	vst v8  }
0x52: {  	s18 =	sshra.s32 s0, $0x2;
	v5 =	vadd.s32 $0x1000, v1;
	[tilespmem:s31+$0x10400] =	vst v9  }
0x53: {  	v6 =	vadd.s32 $0x1800, v1;
	v7 =	vld [tilespmem:s18+$0x800];
	[tilespmem:s31+$0xD400] =	vst v2;
	s31 =	smov.u32 s28;
	s28 =	smov.u32 s18  }
0x54: {  	v10 =	vadd.s32 $0x2000, v1;
	v2 =	vld.idx.msk [tilespmem:v1+s19+$0x0], $0xffff  }
.Ltmp2:
0x55: {  	v8 =	vadd.s32 $0x2800, v1;
	v3 =	vld.idx.msk [tilespmem:v3+s19+$0x0], $0xffff;
	(pc) =	sbr.rel @p0 .LBB2_6-.Ltmp2, $4  }
0x56: {  	v9 =	vadd.s32 $0x3000, v1;
	v4 =	vld.idx.msk [tilespmem:v4+s19+$0x0], $0xffff  }
0x57: {  	v5 =	vld.idx.msk [tilespmem:v5+s19+$0x0], $0xffff  }
0x58: {  	v6 =	vld.idx.msk [tilespmem:v6+s19+$0x0], $0xffff;
	v1 =	vmov v7  }
0x59: {  	s0 =	sadd.s32 $0x40, s0;
	v7 =	vld.idx.msk [tilespmem:v10+s19+$0x0], $0xffff  }
0x5a: {  	_ =	sdelay $0x3  }
0x5b: {  	v8 =	vld.idx.msk [tilespmem:v8+s19+$0x0], $0xffff  }
0x5c: {  	v9 =	vld.idx.msk [tilespmem:v9+s19+$0x0], $0xffff;
	[tilespmem:s31+$0x10C00] =	vst v3  }
0x5d: {  	[tilespmem:s31+$0xD400] =	vst v2  }
0x5e: {  	[tilespmem:s31+$0xDC00] =	vst v4  }
0x5f: {  	[tilespmem:s31+$0xE400] =	vst v5  }
0x60: {  	v3 =	vadd.s32 $0x3800, v1;
	[tilespmem:s31+$0xEC00] =	vst v6  }
0x61: {  	v4 =	vadd.s32 $0x800, v1;
	[tilespmem:s31+$0xF400] =	vst v7  }
0x62: {  	v5 =	vadd.s32 $0x1000, v1;
	[tilespmem:s31+$0xFC00] =	vst v8  }
0x63: {  	v6 =	vadd.s32 $0x1800, v1;
	[tilespmem:s31+$0x10400] =	vst v9  }
0x64: {  	v7 =	vadd.s32 $0x2000, v1;
	v2 =	vld.idx.msk [tilespmem:v1+s19+$0x0], $0xffff  }
0x65: {  	v8 =	vadd.s32 $0x2800, v1;
	v3 =	vld.idx.msk [tilespmem:v3+s19+$0x0], $0xffff  }
0x66: {  	v4 =	vld.idx.msk [tilespmem:v4+s19+$0x0], $0xffff;
	v1 =	vadd.s32 $0x3000, v1  }
0x67: {  	v5 =	vld.idx.msk [tilespmem:v5+s19+$0x0], $0xffff  }
0x68: {  	v6 =	vld.idx.msk [tilespmem:v6+s19+$0x0], $0xffff  }
0x69: {  	v7 =	vld.idx.msk [tilespmem:v7+s19+$0x0], $0xffff  }
0x6a: {  	v8 =	vld.idx.msk [tilespmem:v8+s19+$0x0], $0xffff  }
0x6b: {  	v1 =	vld.idx.msk [tilespmem:v1+s19+$0x0], $0xffff;
	[tilespmem:s28+$0x10C00] =	vst v3  }
0x6c: {  	[tilespmem:s28+$0xDC00] =	vst v4  }
0x6d: {  	[tilespmem:s28+$0xD400] =	vst v2  }
0x6e: {  	[tilespmem:s28+$0xE400] =	vst v5  }
0x6f: {  	[tilespmem:s28+$0xEC00] =	vst v6  }
0x70: {  	[tilespmem:s28+$0xF400] =	vst v7  }
0x71: {  	[tilespmem:s28+$0xFC00] =	vst v8  }
0x72: {  	s0 =	simm.s32 $0x0;
	[tilespmem:s28+$0x10400] =	vst v1  }
0x73: {  	[hbm4b:s6+s0] =	stream.linear.scatter [tilespmem:s25], [sflag:$0x4], $0x4000, $0x38;
	[tilespmem:$0x15400] =	vst v63  }
0x74: {  	_ =	swait.ge [sflag:s26], $0x4000  }
0x75: {  	[sflag:s26] =	ssyncset.done $0x0  }
0x76: {  	s20 =	simm.s32 $0x1180;
	s31 =	simm.s32 $0x0;
	[sflag:s26] =	ssyncadd.s32 $0xFFFFC000  }
0x77: {  	[tilespmem:s19], [sflag:$0x1] =	stream.indirect.gather [hbm4b:s1+s17], $0x80, s20, s17, $0xb8;
	[tilespmem:$0x15400] =	vst v63  }
0x78: {  	v7 =	vld [tilespmem:s31+$0x800];
	_ =	sdelay $0x4  }
0x79: {  	v3 =	vadd.s32 $0x3800, v7  }
0x7a: {  	v4 =	vadd.s32 $0x800, v7  }
0x7b: {  	s28 =	simm.s32 $0x10;
	v5 =	vadd.s32 $0x1000, v7  }
0x7c: {  	v1 =	vld [tilespmem:s28+$0x800];
	v6 =	vadd.s32 $0x1800, v7  }
0x7d: {  	v10 =	vadd.s32 $0x2000, v7;
	v2 =	vld.idx.msk [tilespmem:v7+s21+$0x0], $0xffff  }
0x7e: {  	v8 =	vadd.s32 $0x2800, v7;
	v3 =	vld.idx.msk [tilespmem:v3+s21+$0x0], $0xffff  }
0x7f: {  	v9 =	vadd.s32 $0x3000, v7;
	v4 =	vld.idx.msk [tilespmem:v4+s21+$0x0], $0xffff  }
0x80: {  	v5 =	vld.idx.msk [tilespmem:v5+s21+$0x0], $0xffff  }
0x81: {  	v6 =	vld.idx.msk [tilespmem:v6+s21+$0x0], $0xffff  }
0x82: {  	s0 =	simm.s32 $0x80;
	v7 =	vld.idx.msk [tilespmem:v10+s21+$0x0], $0xffff  }
.LBB2_8:
0x83: {  	p0 =	sne.s32 s0, $0x1FC0;
	v8 =	vld.idx.msk [tilespmem:v8+s21+$0x0], $0xffff  }
0x84: {  	v9 =	vld.idx.msk [tilespmem:v9+s21+$0x0], $0xffff;
	[tilespmem:s31+$0x14C00] =	vst v3  }
0x85: {  	[tilespmem:s31+$0x11C00] =	vst v4  }
0x86: {  	[tilespmem:s31+$0x12400] =	vst v5  }
0x87: {  	[tilespmem:s31+$0x12C00] =	vst v6  }
0x88: {  	v3 =	vadd.s32 $0x3800, v1;
	[tilespmem:s31+$0x13400] =	vst v7  }
0x89: {  	v4 =	vadd.s32 $0x800, v1;
	[tilespmem:s31+$0x13C00] =	vst v8  }
0x8a: {  	s18 =	sshra.s32 s0, $0x2;
	v5 =	vadd.s32 $0x1000, v1;
	[tilespmem:s31+$0x14400] =	vst v9  }
0x8b: {  	v6 =	vadd.s32 $0x1800, v1;
	v7 =	vld [tilespmem:s18+$0x800];
	[tilespmem:s31+$0x11400] =	vst v2;
	s31 =	smov.u32 s28;
	s28 =	smov.u32 s18  }
0x8c: {  	v10 =	vadd.s32 $0x2000, v1;
	v2 =	vld.idx.msk [tilespmem:v1+s21+$0x0], $0xffff  }
.Ltmp3:
0x8d: {  	v8 =	vadd.s32 $0x2800, v1;
	v3 =	vld.idx.msk [tilespmem:v3+s21+$0x0], $0xffff;
	(pc) =	sbr.rel @p0 .LBB2_8-.Ltmp3, $4  }
0x8e: {  	v9 =	vadd.s32 $0x3000, v1;
	v4 =	vld.idx.msk [tilespmem:v4+s21+$0x0], $0xffff  }
0x8f: {  	v5 =	vld.idx.msk [tilespmem:v5+s21+$0x0], $0xffff  }
0x90: {  	v6 =	vld.idx.msk [tilespmem:v6+s21+$0x0], $0xffff;
	v1 =	vmov v7  }
0x91: {  	s0 =	sadd.s32 $0x40, s0;
	v7 =	vld.idx.msk [tilespmem:v10+s21+$0x0], $0xffff  }
0x92: {  	_ =	sdelay $0x3  }
0x93: {  	v8 =	vld.idx.msk [tilespmem:v8+s21+$0x0], $0xffff  }
0x94: {  	v9 =	vld.idx.msk [tilespmem:v9+s21+$0x0], $0xffff;
	[tilespmem:s31+$0x14C00] =	vst v3  }
0x95: {  	[tilespmem:s31+$0x11400] =	vst v2  }
0x96: {  	[tilespmem:s31+$0x11C00] =	vst v4  }
0x97: {  	[tilespmem:s31+$0x12400] =	vst v5  }
0x98: {  	v3 =	vadd.s32 $0x3800, v1;
	[tilespmem:s31+$0x12C00] =	vst v6  }
0x99: {  	v4 =	vadd.s32 $0x800, v1;
	[tilespmem:s31+$0x13400] =	vst v7  }
0x9a: {  	v5 =	vadd.s32 $0x1000, v1;
	[tilespmem:s31+$0x13C00] =	vst v8  }
0x9b: {  	v6 =	vadd.s32 $0x1800, v1;
	[tilespmem:s31+$0x14400] =	vst v9  }
0x9c: {  	v7 =	vadd.s32 $0x2000, v1;
	v2 =	vld.idx.msk [tilespmem:v1+s21+$0x0], $0xffff  }
0x9d: {  	v8 =	vadd.s32 $0x2800, v1;
	v3 =	vld.idx.msk [tilespmem:v3+s21+$0x0], $0xffff  }
0x9e: {  	v4 =	vld.idx.msk [tilespmem:v4+s21+$0x0], $0xffff;
	v1 =	vadd.s32 $0x3000, v1  }
0x9f: {  	v5 =	vld.idx.msk [tilespmem:v5+s21+$0x0], $0xffff  }
0xa0: {  	v6 =	vld.idx.msk [tilespmem:v6+s21+$0x0], $0xffff  }
0xa1: {  	v7 =	vld.idx.msk [tilespmem:v7+s21+$0x0], $0xffff  }
0xa2: {  	v8 =	vld.idx.msk [tilespmem:v8+s21+$0x0], $0xffff  }
0xa3: {  	v1 =	vld.idx.msk [tilespmem:v1+s21+$0x0], $0xffff;
	[tilespmem:s28+$0x14C00] =	vst v3  }
0xa4: {  	[tilespmem:s28+$0x11C00] =	vst v4  }
0xa5: {  	[tilespmem:s28+$0x11400] =	vst v2  }
0xa6: {  	[tilespmem:s28+$0x12400] =	vst v5  }
0xa7: {  	[tilespmem:s28+$0x12C00] =	vst v6  }
0xa8: {  	[tilespmem:s28+$0x13400] =	vst v7  }
0xa9: {  	[tilespmem:s28+$0x13C00] =	vst v8  }
0xaa: {  	s0 =	simm.s32 $0x0;
	[tilespmem:s28+$0x14400] =	vst v1  }
0xab: {  	[hbm4b:s7+s0] =	stream.linear.scatter [tilespmem:s29], [sflag:$0x5], $0x4000, $0x38;
	[tilespmem:$0x15400] =	vst v63  }
0xac: {  	_ =	swait.ge [sflag:s30], $0x4000  }
0xad: {  	[sflag:s30] =	ssyncset.done $0x0  }
0xae: {  	s20 =	simm.s32 $0x1200;
	[sflag:s30] =	ssyncadd.s32 $0xFFFFC000  }
0xaf: {  	[tilespmem:s21], [sflag:$0x2] =	stream.indirect.gather [hbm4b:s1+s17], $0x80, s20, s17, $0xb8;
	[tilespmem:$0x15400] =	vst v63  }
0xb0: {  	_ =	swait.ge [sflag:s2], $0x4000  }
0xb1: {  	[sflag:s2] =	ssyncset.done $0x0  }
0xb2: {  	s31 =	simm.s32 $0x0;
	[sflag:s2] =	ssyncadd.s32 $0xFFFFC000  }
0xb3: {  	v7 =	vld [tilespmem:s31+$0x800];
	_ =	sdelay $0x4  }
0xb4: {  	v3 =	vadd.s32 $0x3800, v7  }
0xb5: {  	v4 =	vadd.s32 $0x800, v7  }
0xb6: {  	s28 =	simm.s32 $0x10;
	v5 =	vadd.s32 $0x1000, v7  }
0xb7: {  	v1 =	vld [tilespmem:s28+$0x800];
	v6 =	vadd.s32 $0x1800, v7  }
0xb8: {  	v10 =	vadd.s32 $0x2000, v7;
	v2 =	vld.idx.msk [tilespmem:v7+s24+$0x0], $0xffff  }
0xb9: {  	v8 =	vadd.s32 $0x2800, v7;
	v3 =	vld.idx.msk [tilespmem:v3+s24+$0x0], $0xffff  }
0xba: {  	v9 =	vadd.s32 $0x3000, v7;
	v4 =	vld.idx.msk [tilespmem:v4+s24+$0x0], $0xffff  }
0xbb: {  	v5 =	vld.idx.msk [tilespmem:v5+s24+$0x0], $0xffff  }
0xbc: {  	v6 =	vld.idx.msk [tilespmem:v6+s24+$0x0], $0xffff  }
0xbd: {  	s0 =	simm.s32 $0x80;
	v7 =	vld.idx.msk [tilespmem:v10+s24+$0x0], $0xffff  }
.LBB2_10:
0xbe: {  	p0 =	sne.s32 s0, $0x1FC0;
	v8 =	vld.idx.msk [tilespmem:v8+s24+$0x0], $0xffff  }
0xbf: {  	v9 =	vld.idx.msk [tilespmem:v9+s24+$0x0], $0xffff;
	[tilespmem:s31+$0x10C00] =	vst v3  }
0xc0: {  	[tilespmem:s31+$0xDC00] =	vst v4  }
0xc1: {  	[tilespmem:s31+$0xE400] =	vst v5  }
0xc2: {  	[tilespmem:s31+$0xEC00] =	vst v6  }
0xc3: {  	v3 =	vadd.s32 $0x3800, v1;
	[tilespmem:s31+$0xF400] =	vst v7  }
0xc4: {  	v4 =	vadd.s32 $0x800, v1;
	[tilespmem:s31+$0xFC00] =	vst v8  }
0xc5: {  	s18 =	sshra.s32 s0, $0x2;
	v5 =	vadd.s32 $0x1000, v1;
	[tilespmem:s31+$0x10400] =	vst v9  }
0xc6: {  	v6 =	vadd.s32 $0x1800, v1;
	v7 =	vld [tilespmem:s18+$0x800];
	[tilespmem:s31+$0xD400] =	vst v2;
	s31 =	smov.u32 s28;
	s28 =	smov.u32 s18  }
0xc7: {  	v10 =	vadd.s32 $0x2000, v1;
	v2 =	vld.idx.msk [tilespmem:v1+s24+$0x0], $0xffff  }
.Ltmp4:
0xc8: {  	v8 =	vadd.s32 $0x2800, v1;
	v3 =	vld.idx.msk [tilespmem:v3+s24+$0x0], $0xffff;
	(pc) =	sbr.rel @p0 .LBB2_10-.Ltmp4, $4  }
0xc9: {  	v9 =	vadd.s32 $0x3000, v1;
	v4 =	vld.idx.msk [tilespmem:v4+s24+$0x0], $0xffff  }
0xca: {  	v5 =	vld.idx.msk [tilespmem:v5+s24+$0x0], $0xffff  }
0xcb: {  	v6 =	vld.idx.msk [tilespmem:v6+s24+$0x0], $0xffff;
	v1 =	vmov v7  }
0xcc: {  	s0 =	sadd.s32 $0x40, s0;
	v7 =	vld.idx.msk [tilespmem:v10+s24+$0x0], $0xffff  }
0xcd: {  	_ =	sdelay $0x3  }
0xce: {  	v8 =	vld.idx.msk [tilespmem:v8+s24+$0x0], $0xffff  }
0xcf: {  	v9 =	vld.idx.msk [tilespmem:v9+s24+$0x0], $0xffff;
	[tilespmem:s31+$0x10C00] =	vst v3  }
0xd0: {  	[tilespmem:s31+$0xD400] =	vst v2  }
0xd1: {  	[tilespmem:s31+$0xDC00] =	vst v4  }
0xd2: {  	[tilespmem:s31+$0xE400] =	vst v5  }
0xd3: {  	v3 =	vadd.s32 $0x3800, v1;
	[tilespmem:s31+$0xEC00] =	vst v6  }
0xd4: {  	v4 =	vadd.s32 $0x800, v1;
	[tilespmem:s31+$0xF400] =	vst v7  }
0xd5: {  	v5 =	vadd.s32 $0x1000, v1;
	[tilespmem:s31+$0xFC00] =	vst v8  }
0xd6: {  	v6 =	vadd.s32 $0x1800, v1;
	[tilespmem:s31+$0x10400] =	vst v9  }
0xd7: {  	v7 =	vadd.s32 $0x2000, v1;
	v2 =	vld.idx.msk [tilespmem:v1+s24+$0x0], $0xffff  }
0xd8: {  	v8 =	vadd.s32 $0x2800, v1;
	v3 =	vld.idx.msk [tilespmem:v3+s24+$0x0], $0xffff  }
0xd9: {  	v4 =	vld.idx.msk [tilespmem:v4+s24+$0x0], $0xffff;
	v1 =	vadd.s32 $0x3000, v1  }
0xda: {  	v5 =	vld.idx.msk [tilespmem:v5+s24+$0x0], $0xffff  }
0xdb: {  	v6 =	vld.idx.msk [tilespmem:v6+s24+$0x0], $0xffff  }
0xdc: {  	v7 =	vld.idx.msk [tilespmem:v7+s24+$0x0], $0xffff  }
0xdd: {  	v8 =	vld.idx.msk [tilespmem:v8+s24+$0x0], $0xffff  }
0xde: {  	v1 =	vld.idx.msk [tilespmem:v1+s24+$0x0], $0xffff;
	[tilespmem:s28+$0x10C00] =	vst v3  }
0xdf: {  	[tilespmem:s28+$0xDC00] =	vst v4  }
0xe0: {  	[tilespmem:s28+$0xD400] =	vst v2  }
0xe1: {  	[tilespmem:s28+$0xE400] =	vst v5  }
0xe2: {  	[tilespmem:s28+$0xEC00] =	vst v6  }
0xe3: {  	[tilespmem:s28+$0xF400] =	vst v7  }
0xe4: {  	[tilespmem:s28+$0xFC00] =	vst v8  }
0xe5: {  	s0 =	simm.s32 $0x0;
	[tilespmem:s28+$0x10400] =	vst v1  }
0xe6: {  	[hbm4b:s8+s0] =	stream.linear.scatter [tilespmem:s25], [sflag:$0x4], $0x4000, $0x38;
	[tilespmem:$0x15400] =	vst v63  }
0xe7: {  	_ =	swait.ge [sflag:s22], $0x4000  }
0xe8: {  	[sflag:s22] =	ssyncset.done $0x0  }
0xe9: {  	s20 =	simm.s32 $0x1280;
	[sflag:s22] =	ssyncadd.s32 $0xFFFFC000  }
0xea: {  	[tilespmem:s24], [sflag:$0x3] =	stream.indirect.gather [hbm4b:s1+s17], $0x80, s20, s17, $0xb8;
	[tilespmem:$0x15400] =	vst v63  }
0xeb: {  	_ =	swait.ge [sflag:s3], $0x4000  }
0xec: {  	[sflag:s3] =	ssyncset.done $0x0  }
0xed: {  	s31 =	simm.s32 $0x0;
	[sflag:s3] =	ssyncadd.s32 $0xFFFFC000  }
0xee: {  	v7 =	vld [tilespmem:s31+$0x800];
	_ =	sdelay $0x4  }
0xef: {  	v3 =	vadd.s32 $0x3800, v7  }
0xf0: {  	v4 =	vadd.s32 $0x800, v7  }
0xf1: {  	s28 =	simm.s32 $0x10;
	v5 =	vadd.s32 $0x1000, v7  }
0xf2: {  	v1 =	vld [tilespmem:s28+$0x800];
	v6 =	vadd.s32 $0x1800, v7  }
0xf3: {  	v10 =	vadd.s32 $0x2000, v7;
	v2 =	vld.idx.msk [tilespmem:v7+s19+$0x0], $0xffff  }
0xf4: {  	v8 =	vadd.s32 $0x2800, v7;
	v3 =	vld.idx.msk [tilespmem:v3+s19+$0x0], $0xffff  }
0xf5: {  	v9 =	vadd.s32 $0x3000, v7;
	v4 =	vld.idx.msk [tilespmem:v4+s19+$0x0], $0xffff  }
0xf6: {  	v5 =	vld.idx.msk [tilespmem:v5+s19+$0x0], $0xffff  }
0xf7: {  	v6 =	vld.idx.msk [tilespmem:v6+s19+$0x0], $0xffff  }
0xf8: {  	s0 =	simm.s32 $0x80;
	v7 =	vld.idx.msk [tilespmem:v10+s19+$0x0], $0xffff  }
.LBB2_12:
0xf9: {  	p0 =	sne.s32 s0, $0x1FC0;
	v8 =	vld.idx.msk [tilespmem:v8+s19+$0x0], $0xffff  }
0xfa: {  	v9 =	vld.idx.msk [tilespmem:v9+s19+$0x0], $0xffff;
	[tilespmem:s31+$0x14C00] =	vst v3  }
0xfb: {  	[tilespmem:s31+$0x11C00] =	vst v4  }
0xfc: {  	[tilespmem:s31+$0x12400] =	vst v5  }
0xfd: {  	[tilespmem:s31+$0x12C00] =	vst v6  }
0xfe: {  	v3 =	vadd.s32 $0x3800, v1;
	[tilespmem:s31+$0x13400] =	vst v7  }
0xff: {  	v4 =	vadd.s32 $0x800, v1;
	[tilespmem:s31+$0x13C00] =	vst v8  }
0x100: {  	s18 =	sshra.s32 s0, $0x2;
	v5 =	vadd.s32 $0x1000, v1;
	[tilespmem:s31+$0x14400] =	vst v9  }
0x101: {  	v6 =	vadd.s32 $0x1800, v1;
	v7 =	vld [tilespmem:s18+$0x800];
	[tilespmem:s31+$0x11400] =	vst v2;
	s31 =	smov.u32 s28;
	s28 =	smov.u32 s18  }
0x102: {  	v10 =	vadd.s32 $0x2000, v1;
	v2 =	vld.idx.msk [tilespmem:v1+s19+$0x0], $0xffff  }
.Ltmp5:
0x103: {  	v8 =	vadd.s32 $0x2800, v1;
	v3 =	vld.idx.msk [tilespmem:v3+s19+$0x0], $0xffff;
	(pc) =	sbr.rel @p0 .LBB2_12-.Ltmp5, $4  }
0x104: {  	v9 =	vadd.s32 $0x3000, v1;
	v4 =	vld.idx.msk [tilespmem:v4+s19+$0x0], $0xffff  }
0x105: {  	v5 =	vld.idx.msk [tilespmem:v5+s19+$0x0], $0xffff  }
0x106: {  	v6 =	vld.idx.msk [tilespmem:v6+s19+$0x0], $0xffff;
	v1 =	vmov v7  }
0x107: {  	s0 =	sadd.s32 $0x40, s0;
	v7 =	vld.idx.msk [tilespmem:v10+s19+$0x0], $0xffff  }
0x108: {  	_ =	sdelay $0x3  }
0x109: {  	v8 =	vld.idx.msk [tilespmem:v8+s19+$0x0], $0xffff  }
0x10a: {  	v9 =	vld.idx.msk [tilespmem:v9+s19+$0x0], $0xffff;
	[tilespmem:s31+$0x14C00] =	vst v3  }
0x10b: {  	[tilespmem:s31+$0x11400] =	vst v2  }
0x10c: {  	[tilespmem:s31+$0x11C00] =	vst v4  }
0x10d: {  	[tilespmem:s31+$0x12400] =	vst v5  }
0x10e: {  	v3 =	vadd.s32 $0x3800, v1;
	[tilespmem:s31+$0x12C00] =	vst v6  }
0x10f: {  	v4 =	vadd.s32 $0x800, v1;
	[tilespmem:s31+$0x13400] =	vst v7  }
0x110: {  	v5 =	vadd.s32 $0x1000, v1;
	[tilespmem:s31+$0x13C00] =	vst v8  }
0x111: {  	v6 =	vadd.s32 $0x1800, v1;
	[tilespmem:s31+$0x14400] =	vst v9  }
0x112: {  	v7 =	vadd.s32 $0x2000, v1;
	v2 =	vld.idx.msk [tilespmem:v1+s19+$0x0], $0xffff  }
0x113: {  	v8 =	vadd.s32 $0x2800, v1;
	v3 =	vld.idx.msk [tilespmem:v3+s19+$0x0], $0xffff  }
0x114: {  	v4 =	vld.idx.msk [tilespmem:v4+s19+$0x0], $0xffff;
	v1 =	vadd.s32 $0x3000, v1  }
0x115: {  	v5 =	vld.idx.msk [tilespmem:v5+s19+$0x0], $0xffff  }
0x116: {  	v6 =	vld.idx.msk [tilespmem:v6+s19+$0x0], $0xffff  }
0x117: {  	v7 =	vld.idx.msk [tilespmem:v7+s19+$0x0], $0xffff  }
0x118: {  	v8 =	vld.idx.msk [tilespmem:v8+s19+$0x0], $0xffff  }
0x119: {  	v1 =	vld.idx.msk [tilespmem:v1+s19+$0x0], $0xffff;
	[tilespmem:s28+$0x14C00] =	vst v3  }
0x11a: {  	[tilespmem:s28+$0x11C00] =	vst v4  }
0x11b: {  	[tilespmem:s28+$0x11400] =	vst v2  }
0x11c: {  	[tilespmem:s28+$0x12400] =	vst v5  }
0x11d: {  	[tilespmem:s28+$0x12C00] =	vst v6  }
0x11e: {  	[tilespmem:s28+$0x13400] =	vst v7  }
0x11f: {  	[tilespmem:s28+$0x13C00] =	vst v8  }
0x120: {  	s0 =	simm.s32 $0x0;
	[tilespmem:s28+$0x14400] =	vst v1  }
0x121: {  	[hbm4b:s9+s0] =	stream.linear.scatter [tilespmem:s29], [sflag:$0x5], $0x4000, $0x38;
	[tilespmem:$0x15400] =	vst v63  }
0x122: {  	_ =	swait.ge [sflag:s26], $0x4000  }
0x123: {  	[sflag:s26] =	ssyncset.done $0x0  }
0x124: {  	s20 =	simm.s32 $0x1300;
	[sflag:s26] =	ssyncadd.s32 $0xFFFFC000  }
0x125: {  	[tilespmem:s19], [sflag:$0x1] =	stream.indirect.gather [hbm4b:s1+s17], $0x80, s20, s17, $0xb8;
	[tilespmem:$0x15400] =	vst v63  }
0x126: {  	_ =	swait.ge [sflag:s2], $0x4000  }
0x127: {  	[sflag:s2] =	ssyncset.done $0x0  }
0x128: {  	s31 =	simm.s32 $0x0;
	[sflag:s2] =	ssyncadd.s32 $0xFFFFC000  }
0x129: {  	v7 =	vld [tilespmem:s31+$0x800];
	_ =	sdelay $0x4  }
0x12a: {  	v3 =	vadd.s32 $0x3800, v7  }
0x12b: {  	v4 =	vadd.s32 $0x800, v7  }
0x12c: {  	s28 =	simm.s32 $0x10;
	v5 =	vadd.s32 $0x1000, v7  }
0x12d: {  	v1 =	vld [tilespmem:s28+$0x800];
	v6 =	vadd.s32 $0x1800, v7  }
0x12e: {  	v10 =	vadd.s32 $0x2000, v7;
	v2 =	vld.idx.msk [tilespmem:v7+s21+$0x0], $0xffff  }
0x12f: {  	v8 =	vadd.s32 $0x2800, v7;
	v3 =	vld.idx.msk [tilespmem:v3+s21+$0x0], $0xffff  }
0x130: {  	v9 =	vadd.s32 $0x3000, v7;
	v4 =	vld.idx.msk [tilespmem:v4+s21+$0x0], $0xffff  }
0x131: {  	v5 =	vld.idx.msk [tilespmem:v5+s21+$0x0], $0xffff  }
0x132: {  	v6 =	vld.idx.msk [tilespmem:v6+s21+$0x0], $0xffff  }
0x133: {  	s0 =	simm.s32 $0x80;
	v7 =	vld.idx.msk [tilespmem:v10+s21+$0x0], $0xffff  }
.LBB2_14:
0x134: {  	p0 =	sne.s32 s0, $0x1FC0;
	v8 =	vld.idx.msk [tilespmem:v8+s21+$0x0], $0xffff  }
0x135: {  	v9 =	vld.idx.msk [tilespmem:v9+s21+$0x0], $0xffff;
	[tilespmem:s31+$0x10C00] =	vst v3  }
0x136: {  	[tilespmem:s31+$0xDC00] =	vst v4  }
0x137: {  	[tilespmem:s31+$0xE400] =	vst v5  }
0x138: {  	[tilespmem:s31+$0xEC00] =	vst v6  }
0x139: {  	v3 =	vadd.s32 $0x3800, v1;
	[tilespmem:s31+$0xF400] =	vst v7  }
0x13a: {  	v4 =	vadd.s32 $0x800, v1;
	[tilespmem:s31+$0xFC00] =	vst v8  }
0x13b: {  	s18 =	sshra.s32 s0, $0x2;
	v5 =	vadd.s32 $0x1000, v1;
	[tilespmem:s31+$0x10400] =	vst v9  }
0x13c: {  	v6 =	vadd.s32 $0x1800, v1;
	v7 =	vld [tilespmem:s18+$0x800];
	[tilespmem:s31+$0xD400] =	vst v2;
	s31 =	smov.u32 s28;
	s28 =	smov.u32 s18  }
0x13d: {  	v10 =	vadd.s32 $0x2000, v1;
	v2 =	vld.idx.msk [tilespmem:v1+s21+$0x0], $0xffff  }
.Ltmp6:
0x13e: {  	v8 =	vadd.s32 $0x2800, v1;
	v3 =	vld.idx.msk [tilespmem:v3+s21+$0x0], $0xffff;
	(pc) =	sbr.rel @p0 .LBB2_14-.Ltmp6, $4  }
0x13f: {  	v9 =	vadd.s32 $0x3000, v1;
	v4 =	vld.idx.msk [tilespmem:v4+s21+$0x0], $0xffff  }
0x140: {  	v5 =	vld.idx.msk [tilespmem:v5+s21+$0x0], $0xffff  }
0x141: {  	v6 =	vld.idx.msk [tilespmem:v6+s21+$0x0], $0xffff;
	v1 =	vmov v7  }
0x142: {  	s0 =	sadd.s32 $0x40, s0;
	v7 =	vld.idx.msk [tilespmem:v10+s21+$0x0], $0xffff  }
0x143: {  	_ =	sdelay $0x3  }
0x144: {  	v8 =	vld.idx.msk [tilespmem:v8+s21+$0x0], $0xffff  }
0x145: {  	v9 =	vld.idx.msk [tilespmem:v9+s21+$0x0], $0xffff;
	[tilespmem:s31+$0x10C00] =	vst v3  }
0x146: {  	[tilespmem:s31+$0xD400] =	vst v2  }
0x147: {  	[tilespmem:s31+$0xDC00] =	vst v4  }
0x148: {  	[tilespmem:s31+$0xE400] =	vst v5  }
0x149: {  	v3 =	vadd.s32 $0x3800, v1;
	[tilespmem:s31+$0xEC00] =	vst v6  }
0x14a: {  	v4 =	vadd.s32 $0x800, v1;
	[tilespmem:s31+$0xF400] =	vst v7  }
0x14b: {  	v5 =	vadd.s32 $0x1000, v1;
	[tilespmem:s31+$0xFC00] =	vst v8  }
0x14c: {  	v6 =	vadd.s32 $0x1800, v1;
	[tilespmem:s31+$0x10400] =	vst v9  }
0x14d: {  	v7 =	vadd.s32 $0x2000, v1;
	v2 =	vld.idx.msk [tilespmem:v1+s21+$0x0], $0xffff  }
0x14e: {  	v8 =	vadd.s32 $0x2800, v1;
	v3 =	vld.idx.msk [tilespmem:v3+s21+$0x0], $0xffff  }
0x14f: {  	v4 =	vld.idx.msk [tilespmem:v4+s21+$0x0], $0xffff;
	v1 =	vadd.s32 $0x3000, v1  }
0x150: {  	v5 =	vld.idx.msk [tilespmem:v5+s21+$0x0], $0xffff  }
0x151: {  	v6 =	vld.idx.msk [tilespmem:v6+s21+$0x0], $0xffff  }
0x152: {  	v7 =	vld.idx.msk [tilespmem:v7+s21+$0x0], $0xffff  }
0x153: {  	v8 =	vld.idx.msk [tilespmem:v8+s21+$0x0], $0xffff  }
0x154: {  	v1 =	vld.idx.msk [tilespmem:v1+s21+$0x0], $0xffff;
	[tilespmem:s28+$0x10C00] =	vst v3  }
0x155: {  	[tilespmem:s28+$0xDC00] =	vst v4  }
0x156: {  	[tilespmem:s28+$0xD400] =	vst v2  }
0x157: {  	[tilespmem:s28+$0xE400] =	vst v5  }
0x158: {  	[tilespmem:s28+$0xEC00] =	vst v6  }
0x159: {  	[tilespmem:s28+$0xF400] =	vst v7  }
0x15a: {  	[tilespmem:s28+$0xFC00] =	vst v8  }
0x15b: {  	s0 =	simm.s32 $0x0;
	[tilespmem:s28+$0x10400] =	vst v1  }
0x15c: {  	[hbm4b:s10+s0] =	stream.linear.scatter [tilespmem:s25], [sflag:$0x4], $0x4000, $0x38;
	[tilespmem:$0x15400] =	vst v63  }
0x15d: {  	_ =	swait.ge [sflag:s30], $0x4000  }
0x15e: {  	[sflag:s30] =	ssyncset.done $0x0  }
0x15f: {  	s20 =	simm.s32 $0x1380;
	[sflag:s30] =	ssyncadd.s32 $0xFFFFC000  }
0x160: {  	[tilespmem:s21], [sflag:$0x2] =	stream.indirect.gather [hbm4b:s1+s17], $0x80, s20, s17, $0xb8;
	[tilespmem:$0x15400] =	vst v63  }
0x161: {  	_ =	swait.ge [sflag:s3], $0x4000  }
0x162: {  	[sflag:s3] =	ssyncset.done $0x0  }
0x163: {  	s31 =	simm.s32 $0x0;
	[sflag:s3] =	ssyncadd.s32 $0xFFFFC000  }
0x164: {  	v7 =	vld [tilespmem:s31+$0x800];
	_ =	sdelay $0x4  }
0x165: {  	v3 =	vadd.s32 $0x3800, v7  }
0x166: {  	v4 =	vadd.s32 $0x800, v7  }
0x167: {  	s28 =	simm.s32 $0x10;
	v5 =	vadd.s32 $0x1000, v7  }
0x168: {  	v1 =	vld [tilespmem:s28+$0x800];
	v6 =	vadd.s32 $0x1800, v7  }
0x169: {  	v10 =	vadd.s32 $0x2000, v7;
	v2 =	vld.idx.msk [tilespmem:v7+s24+$0x0], $0xffff  }
0x16a: {  	v8 =	vadd.s32 $0x2800, v7;
	v3 =	vld.idx.msk [tilespmem:v3+s24+$0x0], $0xffff  }
0x16b: {  	v9 =	vadd.s32 $0x3000, v7;
	v4 =	vld.idx.msk [tilespmem:v4+s24+$0x0], $0xffff  }
0x16c: {  	v5 =	vld.idx.msk [tilespmem:v5+s24+$0x0], $0xffff  }
0x16d: {  	v6 =	vld.idx.msk [tilespmem:v6+s24+$0x0], $0xffff  }
0x16e: {  	s0 =	simm.s32 $0x80;
	v7 =	vld.idx.msk [tilespmem:v10+s24+$0x0], $0xffff  }
.LBB2_16:
0x16f: {  	p0 =	sne.s32 s0, $0x1FC0;
	v8 =	vld.idx.msk [tilespmem:v8+s24+$0x0], $0xffff  }
0x170: {  	v9 =	vld.idx.msk [tilespmem:v9+s24+$0x0], $0xffff;
	[tilespmem:s31+$0x14C00] =	vst v3  }
0x171: {  	[tilespmem:s31+$0x11C00] =	vst v4  }
0x172: {  	[tilespmem:s31+$0x12400] =	vst v5  }
0x173: {  	[tilespmem:s31+$0x12C00] =	vst v6  }
0x174: {  	v3 =	vadd.s32 $0x3800, v1;
	[tilespmem:s31+$0x13400] =	vst v7  }
0x175: {  	v4 =	vadd.s32 $0x800, v1;
	[tilespmem:s31+$0x13C00] =	vst v8  }
0x176: {  	s18 =	sshra.s32 s0, $0x2;
	v5 =	vadd.s32 $0x1000, v1;
	[tilespmem:s31+$0x14400] =	vst v9  }
0x177: {  	v6 =	vadd.s32 $0x1800, v1;
	v7 =	vld [tilespmem:s18+$0x800];
	[tilespmem:s31+$0x11400] =	vst v2;
	s31 =	smov.u32 s28;
	s28 =	smov.u32 s18  }
0x178: {  	v10 =	vadd.s32 $0x2000, v1;
	v2 =	vld.idx.msk [tilespmem:v1+s24+$0x0], $0xffff  }
.Ltmp7:
0x179: {  	v8 =	vadd.s32 $0x2800, v1;
	v3 =	vld.idx.msk [tilespmem:v3+s24+$0x0], $0xffff;
	(pc) =	sbr.rel @p0 .LBB2_16-.Ltmp7, $4  }
0x17a: {  	v9 =	vadd.s32 $0x3000, v1;
	v4 =	vld.idx.msk [tilespmem:v4+s24+$0x0], $0xffff  }
0x17b: {  	v5 =	vld.idx.msk [tilespmem:v5+s24+$0x0], $0xffff  }
0x17c: {  	v6 =	vld.idx.msk [tilespmem:v6+s24+$0x0], $0xffff;
	v1 =	vmov v7  }
0x17d: {  	s0 =	sadd.s32 $0x40, s0;
	v7 =	vld.idx.msk [tilespmem:v10+s24+$0x0], $0xffff  }
0x17e: {  	_ =	sdelay $0x3  }
0x17f: {  	v8 =	vld.idx.msk [tilespmem:v8+s24+$0x0], $0xffff  }
0x180: {  	v9 =	vld.idx.msk [tilespmem:v9+s24+$0x0], $0xffff;
	[tilespmem:s31+$0x14C00] =	vst v3  }
0x181: {  	[tilespmem:s31+$0x11400] =	vst v2  }
0x182: {  	[tilespmem:s31+$0x11C00] =	vst v4  }
0x183: {  	[tilespmem:s31+$0x12400] =	vst v5  }
0x184: {  	v3 =	vadd.s32 $0x3800, v1;
	[tilespmem:s31+$0x12C00] =	vst v6  }
0x185: {  	v4 =	vadd.s32 $0x800, v1;
	[tilespmem:s31+$0x13400] =	vst v7  }
0x186: {  	v5 =	vadd.s32 $0x1000, v1;
	[tilespmem:s31+$0x13C00] =	vst v8  }
0x187: {  	v6 =	vadd.s32 $0x1800, v1;
	[tilespmem:s31+$0x14400] =	vst v9  }
0x188: {  	v7 =	vadd.s32 $0x2000, v1;
	v2 =	vld.idx.msk [tilespmem:v1+s24+$0x0], $0xffff  }
0x189: {  	v8 =	vadd.s32 $0x2800, v1;
	v3 =	vld.idx.msk [tilespmem:v3+s24+$0x0], $0xffff  }
0x18a: {  	v4 =	vld.idx.msk [tilespmem:v4+s24+$0x0], $0xffff;
	v1 =	vadd.s32 $0x3000, v1  }
0x18b: {  	v5 =	vld.idx.msk [tilespmem:v5+s24+$0x0], $0xffff  }
0x18c: {  	v6 =	vld.idx.msk [tilespmem:v6+s24+$0x0], $0xffff  }
0x18d: {  	v7 =	vld.idx.msk [tilespmem:v7+s24+$0x0], $0xffff  }
0x18e: {  	v8 =	vld.idx.msk [tilespmem:v8+s24+$0x0], $0xffff  }
0x18f: {  	v1 =	vld.idx.msk [tilespmem:v1+s24+$0x0], $0xffff;
	[tilespmem:s28+$0x14C00] =	vst v3  }
0x190: {  	[tilespmem:s28+$0x11C00] =	vst v4  }
0x191: {  	[tilespmem:s28+$0x11400] =	vst v2  }
0x192: {  	[tilespmem:s28+$0x12400] =	vst v5  }
0x193: {  	[tilespmem:s28+$0x12C00] =	vst v6  }
0x194: {  	[tilespmem:s28+$0x13400] =	vst v7  }
0x195: {  	[tilespmem:s28+$0x13C00] =	vst v8  }
0x196: {  	s0 =	simm.s32 $0x0;
	[tilespmem:s28+$0x14400] =	vst v1  }
0x197: {  	[hbm4b:s11+s0] =	stream.linear.scatter [tilespmem:s29], [sflag:$0x5], $0x4000, $0x38;
	[tilespmem:$0x15400] =	vst v63  }
0x198: {  	_ =	swait.ge [sflag:s22], $0x4000  }
0x199: {  	[sflag:s22] =	ssyncset.done $0x0  }
0x19a: {  	[sflag:s22] =	ssyncadd.s32 $0xFFFFC000  }
0x19b: {  	_ =	swait.ge [sflag:s2], $0x4000  }
0x19c: {  	[sflag:s2] =	ssyncset.done $0x0  }
0x19d: {  	s31 =	simm.s32 $0x0;
	[sflag:s2] =	ssyncadd.s32 $0xFFFFC000  }
0x19e: {  	v7 =	vld [tilespmem:s31+$0x800];
	_ =	sdelay $0x4  }
0x19f: {  	v3 =	vadd.s32 $0x3800, v7  }
0x1a0: {  	v4 =	vadd.s32 $0x800, v7  }
0x1a1: {  	s28 =	simm.s32 $0x10;
	v5 =	vadd.s32 $0x1000, v7  }
0x1a2: {  	v1 =	vld [tilespmem:s28+$0x800];
	v6 =	vadd.s32 $0x1800, v7  }
0x1a3: {  	v10 =	vadd.s32 $0x2000, v7;
	v2 =	vld.idx.msk [tilespmem:v7+s19+$0x0], $0xffff  }
0x1a4: {  	v8 =	vadd.s32 $0x2800, v7;
	v3 =	vld.idx.msk [tilespmem:v3+s19+$0x0], $0xffff  }
0x1a5: {  	v9 =	vadd.s32 $0x3000, v7;
	v4 =	vld.idx.msk [tilespmem:v4+s19+$0x0], $0xffff  }
0x1a6: {  	v5 =	vld.idx.msk [tilespmem:v5+s19+$0x0], $0xffff  }
0x1a7: {  	v6 =	vld.idx.msk [tilespmem:v6+s19+$0x0], $0xffff  }
0x1a8: {  	s0 =	simm.s32 $0x80;
	v7 =	vld.idx.msk [tilespmem:v10+s19+$0x0], $0xffff  }
.LBB2_18:
0x1a9: {  	p0 =	sne.s32 s0, $0x1FC0;
	v8 =	vld.idx.msk [tilespmem:v8+s19+$0x0], $0xffff  }
0x1aa: {  	v9 =	vld.idx.msk [tilespmem:v9+s19+$0x0], $0xffff;
	[tilespmem:s31+$0x10C00] =	vst v3  }
0x1ab: {  	[tilespmem:s31+$0xDC00] =	vst v4  }
0x1ac: {  	[tilespmem:s31+$0xE400] =	vst v5  }
0x1ad: {  	[tilespmem:s31+$0xEC00] =	vst v6  }
0x1ae: {  	v3 =	vadd.s32 $0x3800, v1;
	[tilespmem:s31+$0xF400] =	vst v7  }
0x1af: {  	v4 =	vadd.s32 $0x800, v1;
	[tilespmem:s31+$0xFC00] =	vst v8  }
0x1b0: {  	s18 =	sshra.s32 s0, $0x2;
	v5 =	vadd.s32 $0x1000, v1;
	[tilespmem:s31+$0x10400] =	vst v9  }
0x1b1: {  	v6 =	vadd.s32 $0x1800, v1;
	v7 =	vld [tilespmem:s18+$0x800];
	[tilespmem:s31+$0xD400] =	vst v2;
	s31 =	smov.u32 s28;
	s28 =	smov.u32 s18  }
0x1b2: {  	v10 =	vadd.s32 $0x2000, v1;
	v2 =	vld.idx.msk [tilespmem:v1+s19+$0x0], $0xffff  }
.Ltmp8:
0x1b3: {  	v8 =	vadd.s32 $0x2800, v1;
	v3 =	vld.idx.msk [tilespmem:v3+s19+$0x0], $0xffff;
	(pc) =	sbr.rel @p0 .LBB2_18-.Ltmp8, $4  }
0x1b4: {  	v9 =	vadd.s32 $0x3000, v1;
	v4 =	vld.idx.msk [tilespmem:v4+s19+$0x0], $0xffff  }
0x1b5: {  	v5 =	vld.idx.msk [tilespmem:v5+s19+$0x0], $0xffff  }
0x1b6: {  	v6 =	vld.idx.msk [tilespmem:v6+s19+$0x0], $0xffff;
	v1 =	vmov v7  }
0x1b7: {  	s0 =	sadd.s32 $0x40, s0;
	v7 =	vld.idx.msk [tilespmem:v10+s19+$0x0], $0xffff  }
0x1b8: {  	_ =	sdelay $0x3  }
0x1b9: {  	v8 =	vld.idx.msk [tilespmem:v8+s19+$0x0], $0xffff  }
0x1ba: {  	v9 =	vld.idx.msk [tilespmem:v9+s19+$0x0], $0xffff;
	[tilespmem:s31+$0x10C00] =	vst v3  }
0x1bb: {  	[tilespmem:s31+$0xD400] =	vst v2  }
0x1bc: {  	[tilespmem:s31+$0xDC00] =	vst v4  }
0x1bd: {  	[tilespmem:s31+$0xE400] =	vst v5  }
0x1be: {  	v3 =	vadd.s32 $0x3800, v1;
	[tilespmem:s31+$0xEC00] =	vst v6  }
0x1bf: {  	v4 =	vadd.s32 $0x800, v1;
	[tilespmem:s31+$0xF400] =	vst v7  }
0x1c0: {  	v5 =	vadd.s32 $0x1000, v1;
	[tilespmem:s31+$0xFC00] =	vst v8  }
0x1c1: {  	v6 =	vadd.s32 $0x1800, v1;
	[tilespmem:s31+$0x10400] =	vst v9  }
0x1c2: {  	v7 =	vadd.s32 $0x2000, v1;
	v2 =	vld.idx.msk [tilespmem:v1+s19+$0x0], $0xffff  }
0x1c3: {  	v8 =	vadd.s32 $0x2800, v1;
	v3 =	vld.idx.msk [tilespmem:v3+s19+$0x0], $0xffff  }
0x1c4: {  	v4 =	vld.idx.msk [tilespmem:v4+s19+$0x0], $0xffff;
	v1 =	vadd.s32 $0x3000, v1  }
0x1c5: {  	v5 =	vld.idx.msk [tilespmem:v5+s19+$0x0], $0xffff  }
0x1c6: {  	v6 =	vld.idx.msk [tilespmem:v6+s19+$0x0], $0xffff  }
0x1c7: {  	v7 =	vld.idx.msk [tilespmem:v7+s19+$0x0], $0xffff  }
0x1c8: {  	v8 =	vld.idx.msk [tilespmem:v8+s19+$0x0], $0xffff  }
0x1c9: {  	v1 =	vld.idx.msk [tilespmem:v1+s19+$0x0], $0xffff;
	[tilespmem:s28+$0x10C00] =	vst v3  }
0x1ca: {  	[tilespmem:s28+$0xDC00] =	vst v4  }
0x1cb: {  	[tilespmem:s28+$0xD400] =	vst v2  }
0x1cc: {  	[tilespmem:s28+$0xE400] =	vst v5  }
0x1cd: {  	[tilespmem:s28+$0xEC00] =	vst v6  }
0x1ce: {  	[tilespmem:s28+$0xF400] =	vst v7  }
0x1cf: {  	[tilespmem:s28+$0xFC00] =	vst v8  }
0x1d0: {  	s0 =	simm.s32 $0x0;
	[tilespmem:s28+$0x10400] =	vst v1  }
0x1d1: {  	[hbm4b:s12+s0] =	stream.linear.scatter [tilespmem:s25], [sflag:$0x4], $0x4000, $0x38;
	[tilespmem:$0x15400] =	vst v63  }
0x1d2: {  	_ =	swait.ge [sflag:s26], $0x4000  }
0x1d3: {  	[sflag:s26] =	ssyncset.done $0x0  }
0x1d4: {  	[sflag:s26] =	ssyncadd.s32 $0xFFFFC000  }
0x1d5: {  	_ =	swait.ge [sflag:s3], $0x4000  }
0x1d6: {  	[sflag:s3] =	ssyncset.done $0x0  }
0x1d7: {  	s31 =	simm.s32 $0x0;
	[sflag:s3] =	ssyncadd.s32 $0xFFFFC000  }
0x1d8: {  	v7 =	vld [tilespmem:s31+$0x800];
	_ =	sdelay $0x4  }
0x1d9: {  	v3 =	vadd.s32 $0x3800, v7  }
0x1da: {  	v4 =	vadd.s32 $0x800, v7  }
0x1db: {  	s28 =	simm.s32 $0x10;
	v5 =	vadd.s32 $0x1000, v7  }
0x1dc: {  	v1 =	vld [tilespmem:s28+$0x800];
	v6 =	vadd.s32 $0x1800, v7  }
0x1dd: {  	v10 =	vadd.s32 $0x2000, v7;
	v2 =	vld.idx.msk [tilespmem:v7+s21+$0x0], $0xffff  }
0x1de: {  	v8 =	vadd.s32 $0x2800, v7;
	v3 =	vld.idx.msk [tilespmem:v3+s21+$0x0], $0xffff  }
0x1df: {  	v9 =	vadd.s32 $0x3000, v7;
	v4 =	vld.idx.msk [tilespmem:v4+s21+$0x0], $0xffff  }
0x1e0: {  	v5 =	vld.idx.msk [tilespmem:v5+s21+$0x0], $0xffff  }
0x1e1: {  	v6 =	vld.idx.msk [tilespmem:v6+s21+$0x0], $0xffff  }
0x1e2: {  	s0 =	simm.s32 $0x80;
	v7 =	vld.idx.msk [tilespmem:v10+s21+$0x0], $0xffff  }
.LBB2_20:
0x1e3: {  	p0 =	sne.s32 s0, $0x1FC0;
	v8 =	vld.idx.msk [tilespmem:v8+s21+$0x0], $0xffff  }
0x1e4: {  	v9 =	vld.idx.msk [tilespmem:v9+s21+$0x0], $0xffff;
	[tilespmem:s31+$0x14C00] =	vst v3  }
0x1e5: {  	[tilespmem:s31+$0x11C00] =	vst v4  }
0x1e6: {  	[tilespmem:s31+$0x12400] =	vst v5  }
0x1e7: {  	[tilespmem:s31+$0x12C00] =	vst v6  }
0x1e8: {  	v3 =	vadd.s32 $0x3800, v1;
	[tilespmem:s31+$0x13400] =	vst v7  }
0x1e9: {  	v4 =	vadd.s32 $0x800, v1;
	[tilespmem:s31+$0x13C00] =	vst v8  }
0x1ea: {  	s18 =	sshra.s32 s0, $0x2;
	v5 =	vadd.s32 $0x1000, v1;
	[tilespmem:s31+$0x14400] =	vst v9  }
0x1eb: {  	v6 =	vadd.s32 $0x1800, v1;
	v7 =	vld [tilespmem:s18+$0x800];
	[tilespmem:s31+$0x11400] =	vst v2;
	s31 =	smov.u32 s28;
	s28 =	smov.u32 s18  }
0x1ec: {  	v10 =	vadd.s32 $0x2000, v1;
	v2 =	vld.idx.msk [tilespmem:v1+s21+$0x0], $0xffff  }
.Ltmp9:
0x1ed: {  	v8 =	vadd.s32 $0x2800, v1;
	v3 =	vld.idx.msk [tilespmem:v3+s21+$0x0], $0xffff;
	(pc) =	sbr.rel @p0 .LBB2_20-.Ltmp9, $4  }
0x1ee: {  	v9 =	vadd.s32 $0x3000, v1;
	v4 =	vld.idx.msk [tilespmem:v4+s21+$0x0], $0xffff  }
0x1ef: {  	v5 =	vld.idx.msk [tilespmem:v5+s21+$0x0], $0xffff  }
0x1f0: {  	v6 =	vld.idx.msk [tilespmem:v6+s21+$0x0], $0xffff;
	v1 =	vmov v7  }
0x1f1: {  	s0 =	sadd.s32 $0x40, s0;
	v7 =	vld.idx.msk [tilespmem:v10+s21+$0x0], $0xffff  }
0x1f2: {  	_ =	sdelay $0x3  }
0x1f3: {  	v8 =	vld.idx.msk [tilespmem:v8+s21+$0x0], $0xffff  }
0x1f4: {  	v9 =	vld.idx.msk [tilespmem:v9+s21+$0x0], $0xffff;
	[tilespmem:s31+$0x14C00] =	vst v3  }
0x1f5: {  	[tilespmem:s31+$0x11400] =	vst v2  }
0x1f6: {  	[tilespmem:s31+$0x11C00] =	vst v4  }
0x1f7: {  	[tilespmem:s31+$0x12400] =	vst v5  }
0x1f8: {  	v3 =	vadd.s32 $0x3800, v1;
	[tilespmem:s31+$0x12C00] =	vst v6  }
0x1f9: {  	v59 =	vadd.s32 $0x800, v1;
	[tilespmem:s31+$0x13400] =	vst v7  }
0x1fa: {  	v60 =	vadd.s32 $0x1000, v1;
	[tilespmem:s31+$0x13C00] =	vst v8  }
0x1fb: {  	v61 =	vadd.s32 $0x1800, v1;
	[tilespmem:s31+$0x14400] =	vst v9  }
0x1fc: {  	v62 =	vadd.s32 $0x2000, v1;
	v2 =	vld.idx.msk [tilespmem:v1+s21+$0x0], $0xffff  }
0x1fd: {  	v63 =	vadd.s32 $0x2800, v1;
	v3 =	vld.idx.msk [tilespmem:v3+s21+$0x0], $0xffff  }
0x1fe: {  	v4 =	vld.idx.msk [tilespmem:v59+s21+$0x0], $0xffff;
	v1 =	vadd.s32 $0x3000, v1  }
0x1ff: {  	v5 =	vld.idx.msk [tilespmem:v60+s21+$0x0], $0xffff  }
0x200: {  	v6 =	vld.idx.msk [tilespmem:v61+s21+$0x0], $0xffff  }
0x201: {  	v7 =	vld.idx.msk [tilespmem:v62+s21+$0x0], $0xffff  }
0x202: {  	v8 =	vld.idx.msk [tilespmem:v63+s21+$0x0], $0xffff  }
0x203: {  	v1 =	vld.idx.msk [tilespmem:v1+s21+$0x0], $0xffff;
	[tilespmem:s28+$0x14C00] =	vst v3  }
0x204: {  	[tilespmem:s28+$0x11C00] =	vst v4  }
0x205: {  	[tilespmem:s28+$0x12400] =	vst v5  }
0x206: {  	[tilespmem:s28+$0x12C00] =	vst v6  }
0x207: {  	[tilespmem:s28+$0x13400] =	vst v7  }
0x208: {  	[tilespmem:s28+$0x13C00] =	vst v8  }
0x209: {  	[tilespmem:s28+$0x11400] =	vst v2  }
0x20a: {  	s23 =	sadd.s32 $0x1, s23;
	[tilespmem:s28+$0x14400] =	vst v1  }
0x20b: {  	[hbm4b:s13+s5] =	stream.linear.scatter [tilespmem:s29], [sflag:$0x5], $0x4000, $0x38;
	[tilespmem:$0x15400] =	vst v63  }
0x20c: {  	p0 =	sne.s32 s23, s14;
	_ =	swait.ge [sflag:s2], $0x4000  }
.Ltmp10:
0x20d: {  	[sflag:s2] =	ssyncset.done $0x0;
	(pc) =	sbr.rel @p0 .LBB2_1-.Ltmp10, $4  }
0x20e: {  	[sflag:s2] =	ssyncadd.s32 $0xFFFFC000  }
0x20f: {  	_ =	swait.ge [sflag:s3], $0x4000  }
0x210: {  	[sflag:s3] =	ssyncset.done $0x0  }
0x211: {  	[sflag:s3] =	ssyncadd.s32 $0xFFFFC000  }
0x212: {  	_ =	sfence.sel $0x180000  }
0x213: {  	[bflag:$0x0] =	sbarrier.arrive $0xFFFF  }
0x214: {  	_ =	strace $0x90000047  }
0x215: {  	s0 =	stileid.u32;
	[bflag:$0x2] =	sbarrier.arrive $0xFFFF  }
0x216: {  	p0 =	sne.s32 s0, $0x0;
	s0 =	rddreg [dreg:$0x3]  }
0x217: {  	s0 =	sadd.s32 @!p0 $0x100000, s0  }
0x218: {  	[sflag:s0] =	ssyncadd.tile.s32 @!p0 $0x1;
	_ =	shalt  }
.Lfunc_end2:
_tile_overlayer_lowered:
.L_overlay_start_2:
0x219: {  	(tag) =	ssettag $0x2  }
0x21a: {  	s0 =	rddreg [dreg:$0x0];
	s2 =	stileid.u32  }
0x21b: {  	s1 =	rddreg [dreg:$0x1];
	p0 =	sne.s32 s2, $0x0  }
0x21c: {  	s3 =	rddreg [dreg:$0x2];
	[bflag:$0x3] =	sbarrier.arrive $0xFFFF;
	s2 =	simm.s32 @!p0 $0x1C06  }
0x21d: {  	[timem:s3], [sflag:s2] =	dma.local @!p0 [hbm:s0], s1  }
0x21e: {  	s0 =	simm.s32 @!p0 $0x6  }
0x21f: {  	_ =	swait.ge @!p0 [sflag:s0], s1  }
0x220: {  	s1 =	ssub.s32 @!p0 $0x0, s1;
	[sflag:s0] =	ssyncset.done @!p0 $0x0  }
0x221: {  	[sflag:s0] =	ssyncadd.s32 @!p0 s1  }
0x222: {  	[bflag:$0x3] =	sbarrier.arrive $0xFFFF  }
0x223: {  	_ =	shalt  }

</sc_bundles>
